<compile_context>
chip_gen: v7x
topology: tpu7x:2x2x1
jax: 0.10.2.dev20260603
libtpu: 0.0.44.dev20260713+nightly
codegen_flags: <defaults>
</compile_context>

<pallas_src>
import functools

import jax
import jax.numpy as jnp
from jax import lax
from jax.experimental import pallas as pl
from jax.experimental.pallas import tpu as pltpu
from jax.experimental.pallas import tpu_sc as plsc

D_T = 0.05
_NQ = 2048
_NP = 65536
_G = 16
_NCELL = _G * _G
_H = 1.0 / _G
_R0 = 2
_NW = 32
_BIGF = 3.0e38
_BIGI = 1 << 30

_N2 = 8192
_N1 = _NP - _N2
_TILE = 2048


def _nn_tile_kernel(qm2_ref, qsq_ref, pt_ref, psq_ref, dist_ref, idx_ref,
                    mask_ref):
    q_sq = qsq_ref[:, 0:1]
    p_sq = psq_ref[0:1, :]
    m2cross = jax.lax.dot_general(
        qm2_ref[...], pt_ref[...],
        dimension_numbers=(((1,), (0,)), ((), ())),
        preferred_element_type=jnp.float32)
    d2 = (q_sq + m2cross) + p_sq
    m2 = jnp.min(d2, axis=0, keepdims=True)
    thr = jnp.maximum(m2, 0.0)
    rows = jax.lax.broadcasted_iota(jnp.int32, d2.shape, 0)
    idx = jnp.min(jnp.where(d2 <= thr, rows, _NQ), axis=0, keepdims=True)
    dist = jnp.sqrt(jnp.where(m2 <= 0.0, 1e-12, m2))
    dist_ref[...] = dist
    idx_ref[...] = idx
    mask_ref[...] = dist < D_T


_PPW = _N2 // _NW


def _sc_body(qcell_h, qpk_h, qsq_h, pbx_h, pby_h, psq_h, bnd_h, pcx_h, pcy_h,
             mo_h, bio_h,
             qcell_v, qpk_v, qsq_v, sqpk_v, ssq_v, sqi_v, starts_v,
             pbx_v, pby_v, psq_v, bnd_v, pcx_v, pcy_v, mo_v, bio_v, cnt_s):
    wid = lax.axis_index("s") * 2 + lax.axis_index("c")
    base = wid * _PPW

    pltpu.sync_copy(qcell_h, qcell_v)
    pltpu.sync_copy(qpk_h, qpk_v)
    pltpu.sync_copy(qsq_h, qsq_v)
    pltpu.sync_copy(pbx_h.at[pl.ds(base, _PPW)], pbx_v)
    pltpu.sync_copy(pby_h.at[pl.ds(base, _PPW)], pby_v)
    pltpu.sync_copy(psq_h.at[pl.ds(base, _PPW)], psq_v)
    pltpu.sync_copy(bnd_h.at[pl.ds(base, _PPW)], bnd_v)
    pltpu.sync_copy(pcx_h.at[pl.ds(base, _PPW)], pcx_v)
    pltpu.sync_copy(pcy_h.at[pl.ds(base, _PPW)], pcy_v)

    iota16 = lax.iota(jnp.int32, 16)
    lane_masks = [iota16 == k for k in range(16)]

    def zero_body(i, _):
        cnt_s[i] = jnp.int32(0)
        return 0
    lax.fori_loop(0, _NCELL + 1, zero_body, 0)

    def hist_body(i, _):
        cv = qcell_v[pl.ds(i * 16, 16)]
        for k in range(16):
            c = cv[k]
            cnt_s[c] = cnt_s[c] + 1
        return 0
    lax.fori_loop(0, _NQ // 16, hist_body, 0)

    def scan_body(i, acc):
        t = cnt_s[i]
        cnt_s[i] = acc
        return acc + t
    lax.fori_loop(0, _NCELL, scan_body, jnp.int32(0))

    def asm_body(i, _):
        sv = jnp.zeros((16,), jnp.int32)
        for k in range(16):
            sv = jnp.where(lane_masks[k],
                           jnp.full((16,), cnt_s[i * 16 + k], jnp.int32), sv)
        starts_v[pl.ds(i * 16, 16)] = sv
        return 0
    lax.fori_loop(0, _NCELL // 16, asm_body, 0)
    starts_v[pl.ds(_NCELL, 16)] = jnp.full((16,), _NQ, jnp.int32)

    def place_body(i, _):
        cv = qcell_v[pl.ds(i * 16, 16)]
        rv = jnp.zeros((16,), jnp.int32)
        for k in range(16):
            c = cv[k]
            d = cnt_s[c]
            cnt_s[c] = d + 1
            rv = jnp.where(lane_masks[k], jnp.full((16,), d, jnp.int32), rv)
        plsc.store_scatter(sqpk_v, [rv], qpk_v[pl.ds(i * 16, 16)])
        plsc.store_scatter(ssq_v, [rv], qsq_v[pl.ds(i * 16, 16)])
        plsc.store_scatter(sqi_v, [rv], i * 16 + iota16)
        return 0
    lax.fori_loop(0, _NQ // 16, place_body, 0)

    himask = jnp.full((16,), -65536, jnp.int32)

    def scan_box(r, cx, cy, px, py, ps, m, bi, live):
        def row_body(k, carry):
            m, bi = carry
            row = (cy - r) + k
            vr = (row >= 0) & (row < _G) & live
            c1 = jnp.maximum(cx - r, 0)
            c2 = jnp.minimum(cx + r, _G - 1)
            rowbase = row * _G
            sidx = jnp.where(vr, rowbase + c1, 0)
            eidx = jnp.where(vr, rowbase + c2 + 1, 0)
            ptr = plsc.load_gather(starts_v, [sidx])
            pend = plsc.load_gather(starts_v, [eidx])
            ptr = jnp.where(vr, ptr, 0)
            pend = jnp.where(vr, pend, 0)

            def icond(c):
                p, _, _ = c
                return jnp.any(p < pend)

            bigf = jnp.full((16,), _BIGF, jnp.float32)
            bigi = jnp.full((16,), _BIGI, jnp.int32)

            def merge(ea, ia, eb, ib):
                take = (eb < ea) | ((eb == ea) & (ib < ia))
                return jnp.where(take, eb, ea), jnp.where(take, ib, ia)

            def ibody(c):
                p, m, bi = c
                es, qis = [], []
                for u in range(4):
                    pu = p + u
                    act = pu < pend
                    j = jnp.where(act, pu, 0)
                    qpk = plsc.load_gather(sqpk_v, [j])
                    qs = plsc.load_gather(ssq_v, [j])
                    qi = plsc.load_gather(sqi_v, [j])
                    qx = plsc.bitcast(qpk & himask, jnp.float32)
                    qy = plsc.bitcast(lax.shift_left(qpk, 16), jnp.float32)
                    cross = qx * px + qy * py
                    d2 = (qs - 2.0 * cross) + ps
                    e2 = jnp.maximum(d2, 0.0) + 1e-12
                    es.append(jnp.where(act, e2, bigf))
                    qis.append(jnp.where(act, qi, bigi))
                ea, ia = merge(es[0], qis[0], es[1], qis[1])
                eb, ib = merge(es[2], qis[2], es[3], qis[3])
                ec, ic = merge(ea, ia, eb, ib)
                m, bi = merge(m, bi, ec, ic)
                return (jnp.minimum(p + 4, pend), m, bi)

            _, m, bi = lax.while_loop(icond, ibody, (ptr, m, bi))
            return (m, bi)

        return lax.fori_loop(0, 2 * r + 1, row_body, (m, bi))

    def certify(r, cx, cy, px, py, m, bnd):
        hf = jnp.float32(_H)
        big = jnp.full((16,), _BIGF, jnp.float32)
        lm = jnp.where(cx - r > 0, px - (cx - r).astype(jnp.float32) * hf, big)
        rm = jnp.where(cx + r < _G - 1,
                       (cx + r + 1).astype(jnp.float32) * hf - px, big)
        bm = jnp.where(cy - r > 0, py - (cy - r).astype(jnp.float32) * hf, big)
        tm = jnp.where(cy + r < _G - 1,
                       (cy + r + 1).astype(jnp.float32) * hf - py, big)
        marg = jnp.minimum(jnp.minimum(lm, rm), jnp.minimum(bm, tm))
        full = (cx - r <= 0) & (cx + r >= _G - 1) & \
               (cy - r <= 0) & (cy + r >= _G - 1)
        return full | ((marg * marg) * 0.999999 > m + bnd)

    def group_body(g, _):
        slc = pl.ds(g * 16, 16)
        px = pbx_v[slc]
        py = pby_v[slc]
        ps = psq_v[slc]
        bd = bnd_v[slc]
        cx = pcx_v[slc]
        cy = pcy_v[slc]
        m0 = jnp.full((16,), _BIGF, jnp.float32)
        bi0 = jnp.full((16,), _BIGI, jnp.int32)
        live0 = jnp.ones((16,), jnp.bool_)

        m, bi = scan_box(jnp.int32(_R0), cx, cy, px, py, ps, m0, bi0, live0)
        live = ~certify(jnp.int32(_R0), cx, cy, px, py, m, bd)

        def fcond(c):
            _, _, _, live = c
            return jnp.any(live)

        def fbody(c):
            r, m, bi, live = c
            m, bi = scan_box(r, cx, cy, px, py, ps, m, bi, live)
            live = live & ~certify(r, cx, cy, px, py, m, bd)
            return (r + 1, m, bi, live)

        _, m, bi, _ = lax.while_loop(
            fcond, fbody, (jnp.int32(_R0 + 1), m, bi, live))

        mo_v[slc] = m
        bio_v[slc] = bi
        return 0

    lax.fori_loop(0, _PPW // 16, group_body, 0)

    pltpu.sync_copy(mo_v, mo_h.at[pl.ds(base, _PPW)])
    pltpu.sync_copy(bio_v, bio_h.at[pl.ds(base, _PPW)])


def _epilogue_kernel(m_ref, dist_ref, mask_ref):
    m2 = m_ref[...]
    dist = jnp.sqrt(m2)
    dist_ref[...] = dist
    mask_ref[...] = dist < D_T


@jax.jit
def kernel(xt_sup, points, norm):
    f32 = jnp.float32
    q = xt_sup / norm
    p = (points / norm).T
    q_sq = jnp.sum(q * q, axis=1, keepdims=True)
    p_sq = jnp.sum(p * p, axis=0, keepdims=True)
    qb = jax.lax.reduce_precision(q, exponent_bits=8, mantissa_bits=7)
    pb = jax.lax.reduce_precision(p, exponent_bits=8, mantissa_bits=7)

    qm2 = jnp.pad((-2.0 * qb).astype(jnp.bfloat16), ((0, 0), (0, 6)))
    pb8 = jnp.pad(pb[:, :_N1].astype(jnp.bfloat16), ((0, 6), (0, 0)))
    qsq8 = jnp.pad(q_sq, ((0, 0), (0, 7)))
    psq2 = jnp.concatenate([p_sq[:, :_N1]] * 2, axis=0)

    dist1, idx1, mask1 = pl.pallas_call(
        _nn_tile_kernel,
        grid=(_N1 // _TILE,),
        in_specs=[
            pl.BlockSpec((_NQ, 8), lambda i: (0, 0)),
            pl.BlockSpec((_NQ, 8), lambda i: (0, 0)),
            pl.BlockSpec((8, _TILE), lambda i: (0, i)),
            pl.BlockSpec((2, _TILE), lambda i: (0, i)),
        ],
        out_specs=[
            pl.BlockSpec((1, _TILE), lambda i: (0, i)),
            pl.BlockSpec((1, _TILE), lambda i: (0, i)),
            pl.BlockSpec((1, _TILE), lambda i: (0, i)),
        ],
        out_shape=[
            jax.ShapeDtypeStruct((1, _N1), f32),
            jax.ShapeDtypeStruct((1, _N1), jnp.int32),
            jax.ShapeDtypeStruct((1, _N1), jnp.bool_),
        ],
    )(qm2, qsq8, pb8, psq2)

    p2x = pb[0, _N1:]
    p2y = pb[1, _N1:]
    gq = jnp.clip(jnp.floor(q * _G).astype(jnp.int32), 0, _G - 1)
    qcell = gq[:, 1] * _G + gq[:, 0]
    pt2 = p[:, _N1:]
    gp = jnp.clip(jnp.floor(pt2 * _G).astype(jnp.int32), 0, _G - 1)

    qbits = lax.bitcast_convert_type(qb, jnp.int32)
    qpk = (qbits[:, 0] & jnp.int32(-65536)) | \
          lax.shift_right_logical(qbits[:, 1], 16)

    dq = jnp.abs(q - qb)
    dp2 = jnp.abs(pt2 - pb[:, _N1:])
    Mq = jnp.max(jnp.abs(qb)) * 1.01
    Dq = jnp.max(dq)
    bnd = 1.01 * 2.0 * ((dp2[0] + dp2[1]) * (Mq + Dq) +
                        (jnp.abs(p2x) + jnp.abs(p2y)) * Dq) + 1e-5

    sc = functools.partial(
        pl.kernel,
        mesh=plsc.VectorSubcoreMesh(core_axis_name="c", subcore_axis_name="s"),
        compiler_params=pltpu.CompilerParams(needs_layout_passes=False),
        out_type=[
            jax.ShapeDtypeStruct((_N2,), f32),
            jax.ShapeDtypeStruct((_N2,), jnp.int32),
        ],
        scratch_types=[
            pltpu.VMEM((_NQ,), jnp.int32),
            pltpu.VMEM((_NQ,), jnp.int32),
            pltpu.VMEM((_NQ,), f32),
            pltpu.VMEM((_NQ,), jnp.int32),
            pltpu.VMEM((_NQ,), f32),
            pltpu.VMEM((_NQ,), jnp.int32),
            pltpu.VMEM((_NCELL + 16,), jnp.int32),
            pltpu.VMEM((_PPW,), f32),
            pltpu.VMEM((_PPW,), f32),
            pltpu.VMEM((_PPW,), f32),
            pltpu.VMEM((_PPW,), f32),
            pltpu.VMEM((_PPW,), jnp.int32),
            pltpu.VMEM((_PPW,), jnp.int32),
            pltpu.VMEM((_PPW,), f32),
            pltpu.VMEM((_PPW,), jnp.int32),
            pltpu.SMEM((_NCELL + 16,), jnp.int32),
        ],
    )(_sc_body)
    m_e, idx2 = sc(qcell, qpk, q_sq.reshape(_NQ),
                   p2x, p2y, p_sq[0, _N1:], bnd, gp[0], gp[1])

    dist2, mask2 = pl.pallas_call(
        _epilogue_kernel,
        grid=(1,),
        in_specs=[pl.BlockSpec((1, _N2), lambda i: (0, 0))],
        out_specs=[
            pl.BlockSpec((1, _N2), lambda i: (0, 0)),
            pl.BlockSpec((1, _N2), lambda i: (0, 0)),
        ],
        out_shape=[
            jax.ShapeDtypeStruct((1, _N2), f32),
            jax.ShapeDtypeStruct((1, _N2), jnp.bool_),
        ],
    )(m_e.reshape(1, _N2))

    dist = jnp.concatenate([dist1.reshape(_N1), dist2.reshape(_N2)])
    idx = jnp.concatenate([idx1.reshape(_N1), idx2])
    mask = jnp.concatenate([mask1.reshape(_N1), mask2.reshape(_N2)])
    return dist, idx, mask

# --- scband reference (transcript-rebuilt; emitter-appended) ---
"""Pipeline reference for scband-pinnmult-parallel2-d-17471926960935 (READ-ONLY COPY).

The authoritative reference and input builder live on the scoring server;
editing this copy changes nothing except your own understanding.
"""

import jax, jax.numpy as jnp
import numpy as np

D_T = 0.05

def setup_inputs(seed: int = 0) -> dict:
    key = jax.random.key(seed)
    k1, k2 = jax.random.split(key)
    xt_sup = jax.random.uniform(k1, (2048, 2), dtype=jnp.float32)
    points = jax.random.uniform(k2, (65536, 2), dtype=jnp.float32)
    norm = jnp.ones((2,), dtype=jnp.float32)
    return {"xt_sup": xt_sup, "points": points, "norm": norm}

def reference(xt_sup, points, norm):
    # get_min_dist: normalize both sets by grid bounds, pairwise L2 distance,
    # min over supervision points (dim=0), then threshold -> nearest-neighbor mask.
    q = xt_sup / norm
    p = points / norm
    q_sq = jnp.sum(q * q, axis=1)
    p_sq = jnp.sum(p * p, axis=1)
    d2 = q_sq[:, None] - 2.0 * (q @ p.T) + p_sq[None, :]
    d = jnp.sqrt(jnp.maximum(d2, 0.0) + 1e-12)
    min_dist = jnp.min(d, axis=0)
    min_idx = jnp.argmin(d, axis=0)
    mask = min_dist < D_T
    return min_dist, min_idx, mask

if __name__ == "__main__":
    import jax
    _d = setup_inputs()
    print(jax.jit(kernel)(*tuple(_d.values())))

</pallas_src>

<mosaic_0001>
#map = affine_map<(d0, d1) -> (0)>
module attributes {stable_mosaic.version = 14 : i64} {
  func.func @_sc_body(%arg0: i32, %arg1: i32, %arg2: memref<2048xi32, #tpu.memory_space<hbm>>, %arg3: memref<2048xi32, #tpu.memory_space<hbm>>, %arg4: memref<2048xf32, #tpu.memory_space<hbm>>, %arg5: memref<8192xf32, #tpu.memory_space<hbm>>, %arg6: memref<8192xf32, #tpu.memory_space<hbm>>, %arg7: memref<8192xf32, #tpu.memory_space<hbm>>, %arg8: memref<8192xf32, #tpu.memory_space<hbm>>, %arg9: memref<8192xi32, #tpu.memory_space<hbm>>, %arg10: memref<8192xi32, #tpu.memory_space<hbm>>, %arg11: memref<8192xf32, #tpu.memory_space<hbm>>, %arg12: memref<8192xi32, #tpu.memory_space<hbm>>, %arg13: memref<2048xi32, #tpu.memory_space<vmem>>, %arg14: memref<2048xi32, #tpu.memory_space<vmem>>, %arg15: memref<2048xf32, #tpu.memory_space<vmem>>, %arg16: memref<2048xi32, #tpu.memory_space<vmem>>, %arg17: memref<2048xf32, #tpu.memory_space<vmem>>, %arg18: memref<2048xi32, #tpu.memory_space<vmem>>, %arg19: memref<272xi32, #tpu.memory_space<vmem>>, %arg20: memref<256xf32, #tpu.memory_space<vmem>>, %arg21: memref<256xf32, #tpu.memory_space<vmem>>, %arg22: memref<256xf32, #tpu.memory_space<vmem>>, %arg23: memref<256xf32, #tpu.memory_space<vmem>>, %arg24: memref<256xi32, #tpu.memory_space<vmem>>, %arg25: memref<256xi32, #tpu.memory_space<vmem>>, %arg26: memref<256xf32, #tpu.memory_space<vmem>>, %arg27: memref<256xi32, #tpu.memory_space<vmem>>, %arg28: memref<272xi32, #tpu.memory_space<smem>>) attributes {dimension_semantics = [#tpu.dimension_semantics<core_parallel>, #tpu.dimension_semantics<subcore_parallel>], iteration_bounds = array<i64: 2, 16>, scalar_prefetch = 0 : i64, scratch_operands = 16 : i64, tpu.core_type = #tpu.core_type<sc_vector_subcore>, window_params = [{transform_indices = #map}, {transform_indices = #map}, {transform_indices = #map}, {transform_indices = #map}, {transform_indices = #map}, {transform_indices = #map}, {transform_indices = #map}, {transform_indices = #map}, {transform_indices = #map}, {transform_indices = #map}, {transform_indices = #map}]} {
    %mul3A = arith.constant 2 : i32
    %mul3A_0 = arith.muli %arg1, %mul3A : i32
    %add3A = arith.addi %mul3A_0, %arg0 : i32
    %mul3A_1 = arith.constant 256 : i32
    %mul3A_2 = arith.muli %add3A, %mul3A_1 : i32
    "tpu.region"() ({
      %run_scoped3A = tpu.sem_alloc : memref<!tpu.dma_semaphore, #tpu.memory_space<semaphore_mem>>
      tpu.enqueue_dma source(%arg2 : memref<2048xi32, #tpu.memory_space<hbm>>) target(%arg13 : memref<2048xi32, #tpu.memory_space<vmem>>) target_semaphore(%run_scoped3A : memref<!tpu.dma_semaphore, #tpu.memory_space<semaphore_mem>>)
      tpu.wait_dma2 semaphore(%run_scoped3A : memref<!tpu.dma_semaphore, #tpu.memory_space<semaphore_mem>>) src(%arg2 : memref<2048xi32, #tpu.memory_space<hbm>>) dst(%arg13 : memref<2048xi32, #tpu.memory_space<vmem>>)
      tpu.yield
    }) : () -> ()
    "tpu.region"() ({
      %run_scoped3A = tpu.sem_alloc : memref<!tpu.dma_semaphore, #tpu.memory_space<semaphore_mem>>
      tpu.enqueue_dma source(%arg3 : memref<2048xi32, #tpu.memory_space<hbm>>) target(%arg14 : memref<2048xi32, #tpu.memory_space<vmem>>) target_semaphore(%run_scoped3A : memref<!tpu.dma_semaphore, #tpu.memory_space<semaphore_mem>>)
      tpu.wait_dma2 semaphore(%run_scoped3A : memref<!tpu.dma_semaphore, #tpu.memory_space<semaphore_mem>>) src(%arg3 : memref<2048xi32, #tpu.memory_space<hbm>>) dst(%arg14 : memref<2048xi32, #tpu.memory_space<vmem>>)
      tpu.yield
    }) : () -> ()
    "tpu.region"() ({
      %run_scoped3A = tpu.sem_alloc : memref<!tpu.dma_semaphore, #tpu.memory_space<semaphore_mem>>
      tpu.enqueue_dma source(%arg4 : memref<2048xf32, #tpu.memory_space<hbm>>) target(%arg15 : memref<2048xf32, #tpu.memory_space<vmem>>) target_semaphore(%run_scoped3A : memref<!tpu.dma_semaphore, #tpu.memory_space<semaphore_mem>>)
      tpu.wait_dma2 semaphore(%run_scoped3A : memref<!tpu.dma_semaphore, #tpu.memory_space<semaphore_mem>>) src(%arg4 : memref<2048xf32, #tpu.memory_space<hbm>>) dst(%arg15 : memref<2048xf32, #tpu.memory_space<vmem>>)
      tpu.yield
    }) : () -> ()
    "tpu.region"() ({
      %run_scoped3A = tpu.sem_alloc : memref<!tpu.dma_semaphore, #tpu.memory_space<semaphore_mem>>
      %dma_start3A = tpu.memref_slice %arg5[%mul3A_2] : memref<8192xf32, #tpu.memory_space<hbm>> -> memref<256xf32, #tpu.memory_space<hbm>>
      %dma_start3A_95 = tpu.memref_slice %arg5[%mul3A_2] : memref<8192xf32, #tpu.memory_space<hbm>> -> memref<256xf32, #tpu.memory_space<hbm>>
      tpu.enqueue_dma source(%dma_start3A_95 : memref<256xf32, #tpu.memory_space<hbm>>) target(%arg20 : memref<256xf32, #tpu.memory_space<vmem>>) target_semaphore(%run_scoped3A : memref<!tpu.dma_semaphore, #tpu.memory_space<semaphore_mem>>)
      %dma_wait3A = tpu.memref_slice %arg5[%mul3A_2] : memref<8192xf32, #tpu.memory_space<hbm>> -> memref<256xf32, #tpu.memory_space<hbm>>
      %dma_wait3A_96 = tpu.memref_slice %arg5[%mul3A_2] : memref<8192xf32, #tpu.memory_space<hbm>> -> memref<256xf32, #tpu.memory_space<hbm>>
      tpu.wait_dma2 semaphore(%run_scoped3A : memref<!tpu.dma_semaphore, #tpu.memory_space<semaphore_mem>>) src(%dma_wait3A_96 : memref<256xf32, #tpu.memory_space<hbm>>) dst(%arg20 : memref<256xf32, #tpu.memory_space<vmem>>)
      tpu.yield
    }) : () -> ()
    "tpu.region"() ({
      %run_scoped3A = tpu.sem_alloc : memref<!tpu.dma_semaphore, #tpu.memory_space<semaphore_mem>>
      %dma_start3A = tpu.memref_slice %arg6[%mul3A_2] : memref<8192xf32, #tpu.memory_space<hbm>> -> memref<256xf32, #tpu.memory_space<hbm>>
      %dma_start3A_95 = tpu.memref_slice %arg6[%mul3A_2] : memref<8192xf32, #tpu.memory_space<hbm>> -> memref<256xf32, #tpu.memory_space<hbm>>
      tpu.enqueue_dma source(%dma_start3A_95 : memref<256xf32, #tpu.memory_space<hbm>>) target(%arg21 : memref<256xf32, #tpu.memory_space<vmem>>) target_semaphore(%run_scoped3A : memref<!tpu.dma_semaphore, #tpu.memory_space<semaphore_mem>>)
      %dma_wait3A = tpu.memref_slice %arg6[%mul3A_2] : memref<8192xf32, #tpu.memory_space<hbm>> -> memref<256xf32, #tpu.memory_space<hbm>>
      %dma_wait3A_96 = tpu.memref_slice %arg6[%mul3A_2] : memref<8192xf32, #tpu.memory_space<hbm>> -> memref<256xf32, #tpu.memory_space<hbm>>
      tpu.wait_dma2 semaphore(%run_scoped3A : memref<!tpu.dma_semaphore, #tpu.memory_space<semaphore_mem>>) src(%dma_wait3A_96 : memref<256xf32, #tpu.memory_space<hbm>>) dst(%arg21 : memref<256xf32, #tpu.memory_space<vmem>>)
      tpu.yield
    }) : () -> ()
    "tpu.region"() ({
      %run_scoped3A = tpu.sem_alloc : memref<!tpu.dma_semaphore, #tpu.memory_space<semaphore_mem>>
      %dma_start3A = tpu.memref_slice %arg7[%mul3A_2] : memref<8192xf32, #tpu.memory_space<hbm>> -> memref<256xf32, #tpu.memory_space<hbm>>
      %dma_start3A_95 = tpu.memref_slice %arg7[%mul3A_2] : memref<8192xf32, #tpu.memory_space<hbm>> -> memref<256xf32, #tpu.memory_space<hbm>>
      tpu.enqueue_dma source(%dma_start3A_95 : memref<256xf32, #tpu.memory_space<hbm>>) target(%arg22 : memref<256xf32, #tpu.memory_space<vmem>>) target_semaphore(%run_scoped3A : memref<!tpu.dma_semaphore, #tpu.memory_space<semaphore_mem>>)
      %dma_wait3A = tpu.memref_slice %arg7[%mul3A_2] : memref<8192xf32, #tpu.memory_space<hbm>> -> memref<256xf32, #tpu.memory_space<hbm>>
      %dma_wait3A_96 = tpu.memref_slice %arg7[%mul3A_2] : memref<8192xf32, #tpu.memory_space<hbm>> -> memref<256xf32, #tpu.memory_space<hbm>>
      tpu.wait_dma2 semaphore(%run_scoped3A : memref<!tpu.dma_semaphore, #tpu.memory_space<semaphore_mem>>) src(%dma_wait3A_96 : memref<256xf32, #tpu.memory_space<hbm>>) dst(%arg22 : memref<256xf32, #tpu.memory_space<vmem>>)
      tpu.yield
    }) : () -> ()
    "tpu.region"() ({
      %run_scoped3A = tpu.sem_alloc : memref<!tpu.dma_semaphore, #tpu.memory_space<semaphore_mem>>
      %dma_start3A = tpu.memref_slice %arg8[%mul3A_2] : memref<8192xf32, #tpu.memory_space<hbm>> -> memref<256xf32, #tpu.memory_space<hbm>>
      %dma_start3A_95 = tpu.memref_slice %arg8[%mul3A_2] : memref<8192xf32, #tpu.memory_space<hbm>> -> memref<256xf32, #tpu.memory_space<hbm>>
      tpu.enqueue_dma source(%dma_start3A_95 : memref<256xf32, #tpu.memory_space<hbm>>) target(%arg23 : memref<256xf32, #tpu.memory_space<vmem>>) target_semaphore(%run_scoped3A : memref<!tpu.dma_semaphore, #tpu.memory_space<semaphore_mem>>)
      %dma_wait3A = tpu.memref_slice %arg8[%mul3A_2] : memref<8192xf32, #tpu.memory_space<hbm>> -> memref<256xf32, #tpu.memory_space<hbm>>
      %dma_wait3A_96 = tpu.memref_slice %arg8[%mul3A_2] : memref<8192xf32, #tpu.memory_space<hbm>> -> memref<256xf32, #tpu.memory_space<hbm>>
      tpu.wait_dma2 semaphore(%run_scoped3A : memref<!tpu.dma_semaphore, #tpu.memory_space<semaphore_mem>>) src(%dma_wait3A_96 : memref<256xf32, #tpu.memory_space<hbm>>) dst(%arg23 : memref<256xf32, #tpu.memory_space<vmem>>)
      tpu.yield
    }) : () -> ()
    "tpu.region"() ({
      %run_scoped3A = tpu.sem_alloc : memref<!tpu.dma_semaphore, #tpu.memory_space<semaphore_mem>>
      %dma_start3A = tpu.memref_slice %arg9[%mul3A_2] : memref<8192xi32, #tpu.memory_space<hbm>> -> memref<256xi32, #tpu.memory_space<hbm>>
      %dma_start3A_95 = tpu.memref_slice %arg9[%mul3A_2] : memref<8192xi32, #tpu.memory_space<hbm>> -> memref<256xi32, #tpu.memory_space<hbm>>
      tpu.enqueue_dma source(%dma_start3A_95 : memref<256xi32, #tpu.memory_space<hbm>>) target(%arg24 : memref<256xi32, #tpu.memory_space<vmem>>) target_semaphore(%run_scoped3A : memref<!tpu.dma_semaphore, #tpu.memory_space<semaphore_mem>>)
      %dma_wait3A = tpu.memref_slice %arg9[%mul3A_2] : memref<8192xi32, #tpu.memory_space<hbm>> -> memref<256xi32, #tpu.memory_space<hbm>>
      %dma_wait3A_96 = tpu.memref_slice %arg9[%mul3A_2] : memref<8192xi32, #tpu.memory_space<hbm>> -> memref<256xi32, #tpu.memory_space<hbm>>
      tpu.wait_dma2 semaphore(%run_scoped3A : memref<!tpu.dma_semaphore, #tpu.memory_space<semaphore_mem>>) src(%dma_wait3A_96 : memref<256xi32, #tpu.memory_space<hbm>>) dst(%arg24 : memref<256xi32, #tpu.memory_space<vmem>>)
      tpu.yield
    }) : () -> ()
    "tpu.region"() ({
      %run_scoped3A = tpu.sem_alloc : memref<!tpu.dma_semaphore, #tpu.memory_space<semaphore_mem>>
      %dma_start3A = tpu.memref_slice %arg10[%mul3A_2] : memref<8192xi32, #tpu.memory_space<hbm>> -> memref<256xi32, #tpu.memory_space<hbm>>
      %dma_start3A_95 = tpu.memref_slice %arg10[%mul3A_2] : memref<8192xi32, #tpu.memory_space<hbm>> -> memref<256xi32, #tpu.memory_space<hbm>>
      tpu.enqueue_dma source(%dma_start3A_95 : memref<256xi32, #tpu.memory_space<hbm>>) target(%arg25 : memref<256xi32, #tpu.memory_space<vmem>>) target_semaphore(%run_scoped3A : memref<!tpu.dma_semaphore, #tpu.memory_space<semaphore_mem>>)
      %dma_wait3A = tpu.memref_slice %arg10[%mul3A_2] : memref<8192xi32, #tpu.memory_space<hbm>> -> memref<256xi32, #tpu.memory_space<hbm>>
      %dma_wait3A_96 = tpu.memref_slice %arg10[%mul3A_2] : memref<8192xi32, #tpu.memory_space<hbm>> -> memref<256xi32, #tpu.memory_space<hbm>>
      tpu.wait_dma2 semaphore(%run_scoped3A : memref<!tpu.dma_semaphore, #tpu.memory_space<semaphore_mem>>) src(%dma_wait3A_96 : memref<256xi32, #tpu.memory_space<hbm>>) dst(%arg25 : memref<256xi32, #tpu.memory_space<vmem>>)
      tpu.yield
    }) : () -> ()
    %iota3A = tpu.iota {dimensions = array<i32: 0>} : vector<16xi32>
    %eq3A = arith.constant 0 : i32
    %eq3A_3 = vector.broadcast %eq3A : i32 to vector<16xi32>
    %eq3A_4 = arith.cmpi eq, %iota3A, %eq3A_3 : vector<16xi32>
    %eq3A_5 = arith.constant 1 : i32
    %eq3A_6 = vector.broadcast %eq3A_5 : i32 to vector<16xi32>
    %eq3A_7 = arith.cmpi eq, %iota3A, %eq3A_6 : vector<16xi32>
    %eq3A_8 = arith.constant 2 : i32
    %eq3A_9 = vector.broadcast %eq3A_8 : i32 to vector<16xi32>
    %eq3A_10 = arith.cmpi eq, %iota3A, %eq3A_9 : vector<16xi32>
    %eq3A_11 = arith.constant 3 : i32
    %eq3A_12 = vector.broadcast %eq3A_11 : i32 to vector<16xi32>
    %eq3A_13 = arith.cmpi eq, %iota3A, %eq3A_12 : vector<16xi32>
    %eq3A_14 = arith.constant 4 : i32
    %eq3A_15 = vector.broadcast %eq3A_14 : i32 to vector<16xi32>
    %eq3A_16 = arith.cmpi eq, %iota3A, %eq3A_15 : vector<16xi32>
    %eq3A_17 = arith.constant 5 : i32
    %eq3A_18 = vector.broadcast %eq3A_17 : i32 to vector<16xi32>
    %eq3A_19 = arith.cmpi eq, %iota3A, %eq3A_18 : vector<16xi32>
    %eq3A_20 = arith.constant 6 : i32
    %eq3A_21 = vector.broadcast %eq3A_20 : i32 to vector<16xi32>
    %eq3A_22 = arith.cmpi eq, %iota3A, %eq3A_21 : vector<16xi32>
    %eq3A_23 = arith.constant 7 : i32
    %eq3A_24 = vector.broadcast %eq3A_23 : i32 to vector<16xi32>
    %eq3A_25 = arith.cmpi eq, %iota3A, %eq3A_24 : vector<16xi32>
    %eq3A_26 = arith.constant 8 : i32
    %eq3A_27 = vector.broadcast %eq3A_26 : i32 to vector<16xi32>
    %eq3A_28 = arith.cmpi eq, %iota3A, %eq3A_27 : vector<16xi32>
    %eq3A_29 = arith.constant 9 : i32
    %eq3A_30 = vector.broadcast %eq3A_29 : i32 to vector<16xi32>
    %eq3A_31 = arith.cmpi eq, %iota3A, %eq3A_30 : vector<16xi32>
    %eq3A_32 = arith.constant 10 : i32
    %eq3A_33 = vector.broadcast %eq3A_32 : i32 to vector<16xi32>
    %eq3A_34 = arith.cmpi eq, %iota3A, %eq3A_33 : vector<16xi32>
    %eq3A_35 = arith.constant 11 : i32
    %eq3A_36 = vector.broadcast %eq3A_35 : i32 to vector<16xi32>
    %eq3A_37 = arith.cmpi eq, %iota3A, %eq3A_36 : vector<16xi32>
    %eq3A_38 = arith.constant 12 : i32
    %eq3A_39 = vector.broadcast %eq3A_38 : i32 to vector<16xi32>
    %eq3A_40 = arith.cmpi eq, %iota3A, %eq3A_39 : vector<16xi32>
    %eq3A_41 = arith.constant 13 : i32
    %eq3A_42 = vector.broadcast %eq3A_41 : i32 to vector<16xi32>
    %eq3A_43 = arith.cmpi eq, %iota3A, %eq3A_42 : vector<16xi32>
    %eq3A_44 = arith.constant 14 : i32
    %eq3A_45 = vector.broadcast %eq3A_44 : i32 to vector<16xi32>
    %eq3A_46 = arith.cmpi eq, %iota3A, %eq3A_45 : vector<16xi32>
    %eq3A_47 = arith.constant 15 : i32
    %eq3A_48 = vector.broadcast %eq3A_47 : i32 to vector<16xi32>
    %eq3A_49 = arith.cmpi eq, %iota3A, %eq3A_48 : vector<16xi32>
    %scan3A = arith.constant 0 : i32
    %scan3A_50 = arith.constant 0 : i32
    %scan3A_51 = arith.constant 257 : i32
    %scan3A_52 = arith.addi %scan3A_50, %scan3A_51 : i32
    %scan3A_53 = arith.constant 1 : i32
    %scan3A_54 = scf.for %scan3A_95 = %scan3A_50 to %scan3A_52 step %scan3A_53 iter_args(%scan3A_96 = %scan3A) -> (i32)  : i32 {
      %swap3A_97 = arith.constant 0 : i32
      %swap3A_98 = arith.index_cast %scan3A_95 : i32 to index
      %swap3A_99 = memref.load %arg28[%swap3A_98] : memref<272xi32, #tpu.memory_space<smem>>
      memref.store %swap3A_97, %arg28[%swap3A_98] : memref<272xi32, #tpu.memory_space<smem>>
      %scan3A_100 = arith.constant 0 : i32
      scf.yield %scan3A_100 : i32
    }
    %scan3A_55 = arith.constant 257 : i32
    %scan3A_56 = arith.constant 0 : i32
    %scan3A_57 = arith.constant 0 : i32
    %scan3A_58 = arith.constant 128 : i32
    %scan3A_59 = arith.addi %scan3A_57, %scan3A_58 : i32
    %scan3A_60 = arith.constant 1 : i32
    %scan3A_61 = scf.for %scan3A_95 = %scan3A_57 to %scan3A_59 step %scan3A_60 iter_args(%scan3A_96 = %scan3A_56) -> (i32)  : i32 {
      %mul3A_97 = arith.constant 16 : i32
      %mul3A_98 = arith.muli %scan3A_95, %mul3A_97 : i32
      %get3A = arith.index_cast %mul3A_98 : i32 to index
      %get3A_99 = tpu.vector_load %arg13[%get3A] {strides = array<i32>} : memref<2048xi32, #tpu.memory_space<vmem>>, vector<16xi32>,
      %slice3A = vector.extract_strided_slice %get3A_99 {offsets = [0], sizes = [1], strides = [1]} : vector<16xi32> to vector<1xi32>
      %squeeze3A = vector.extract %slice3A[0] : i32 from vector<1xi32>
      %get3A_100 = arith.index_cast %squeeze3A : i32 to index
      %get3A_101 = memref.load %arg28[%get3A_100] : memref<272xi32, #tpu.memory_space<smem>>
      %add3A_102 = arith.constant 1 : i32
      %add3A_103 = arith.addi %get3A_101, %add3A_102 : i32
      %swap3A_104 = arith.index_cast %squeeze3A : i32 to index
      %swap3A_105 = memref.load %arg28[%swap3A_104] : memref<272xi32, #tpu.memory_space<smem>>
      memref.store %add3A_103, %arg28[%swap3A_104] : memref<272xi32, #tpu.memory_space<smem>>
      %slice3A_106 = vector.extract_strided_slice %get3A_99 {offsets = [1], sizes = [1], strides = [1]} : vector<16xi32> to vector<1xi32>
      %squeeze3A_107 = vector.extract %slice3A_106[0] : i32 from vector<1xi32>
      %get3A_108 = arith.index_cast %squeeze3A_107 : i32 to index
      %get3A_109 = memref.load %arg28[%get3A_108] : memref<272xi32, #tpu.memory_space<smem>>
      %add3A_110 = arith.constant 1 : i32
      %add3A_111 = arith.addi %get3A_109, %add3A_110 : i32
      %swap3A_112 = arith.index_cast %squeeze3A_107 : i32 to index
      %swap3A_113 = memref.load %arg28[%swap3A_112] : memref<272xi32, #tpu.memory_space<smem>>
      memref.store %add3A_111, %arg28[%swap3A_112] : memref<272xi32, #tpu.memory_space<smem>>
      %slice3A_114 = vector.extract_strided_slice %get3A_99 {offsets = [2], sizes = [1], strides = [1]} : vector<16xi32> to vector<1xi32>
      %squeeze3A_115 = vector.extract %slice3A_114[0] : i32 from vector<1xi32>
      %get3A_116 = arith.index_cast %squeeze3A_115 : i32 to index
      %get3A_117 = memref.load %arg28[%get3A_116] : memref<272xi32, #tpu.memory_space<smem>>
      %add3A_118 = arith.constant 1 : i32
      %add3A_119 = arith.addi %get3A_117, %add3A_118 : i32
      %swap3A_120 = arith.index_cast %squeeze3A_115 : i32 to index
      %swap3A_121 = memref.load %arg28[%swap3A_120] : memref<272xi32, #tpu.memory_space<smem>>
      memref.store %add3A_119, %arg28[%swap3A_120] : memref<272xi32, #tpu.memory_space<smem>>
      %slice3A_122 = vector.extract_strided_slice %get3A_99 {offsets = [3], sizes = [1], strides = [1]} : vector<16xi32> to vector<1xi32>
      %squeeze3A_123 = vector.extract %slice3A_122[0] : i32 from vector<1xi32>
      %get3A_124 = arith.index_cast %squeeze3A_123 : i32 to index
      %get3A_125 = memref.load %arg28[%get3A_124] : memref<272xi32, #tpu.memory_space<smem>>
      %add3A_126 = arith.constant 1 : i32
      %add3A_127 = arith.addi %get3A_125, %add3A_126 : i32
      %swap3A_128 = arith.index_cast %squeeze3A_123 : i32 to index
      %swap3A_129 = memref.load %arg28[%swap3A_128] : memref<272xi32, #tpu.memory_space<smem>>
      memref.store %add3A_127, %arg28[%swap3A_128] : memref<272xi32, #tpu.memory_space<smem>>
      %slice3A_130 = vector.extract_strided_slice %get3A_99 {offsets = [4], sizes = [1], strides = [1]} : vector<16xi32> to vector<1xi32>
      %squeeze3A_131 = vector.extract %slice3A_130[0] : i32 from vector<1xi32>
      %get3A_132 = arith.index_cast %squeeze3A_131 : i32 to index
      %get3A_133 = memref.load %arg28[%get3A_132] : memref<272xi32, #tpu.memory_space<smem>>
      %add3A_134 = arith.constant 1 : i32
      %add3A_135 = arith.addi %get3A_133, %add3A_134 : i32
      %swap3A_136 = arith.index_cast %squeeze3A_131 : i32 to index
      %swap3A_137 = memref.load %arg28[%swap3A_136] : memref<272xi32, #tpu.memory_space<smem>>
      memref.store %add3A_135, %arg28[%swap3A_136] : memref<272xi32, #tpu.memory_space<smem>>
      %slice3A_138 = vector.extract_strided_slice %get3A_99 {offsets = [5], sizes = [1], strides = [1]} : vector<16xi32> to vector<1xi32>
      %squeeze3A_139 = vector.extract %slice3A_138[0] : i32 from vector<1xi32>
      %get3A_140 = arith.index_cast %squeeze3A_139 : i32 to index
      %get3A_141 = memref.load %arg28[%get3A_140] : memref<272xi32, #tpu.memory_space<smem>>
      %add3A_142 = arith.constant 1 : i32
      %add3A_143 = arith.addi %get3A_141, %add3A_142 : i32
      %swap3A_144 = arith.index_cast %squeeze3A_139 : i32 to index
      %swap3A_145 = memref.load %arg28[%swap3A_144] : memref<272xi32, #tpu.memory_space<smem>>
      memref.store %add3A_143, %arg28[%swap3A_144] : memref<272xi32, #tpu.memory_space<smem>>
      %slice3A_146 = vector.extract_strided_slice %get3A_99 {offsets = [6], sizes = [1], strides = [1]} : vector<16xi32> to vector<1xi32>
      %squeeze3A_147 = vector.extract %slice3A_146[0] : i32 from vector<1xi32>
      %get3A_148 = arith.index_cast %squeeze3A_147 : i32 to index
      %get3A_149 = memref.load %arg28[%get3A_148] : memref<272xi32, #tpu.memory_space<smem>>
      %add3A_150 = arith.constant 1 : i32
      %add3A_151 = arith.addi %get3A_149, %add3A_150 : i32
      %swap3A_152 = arith.index_cast %squeeze3A_147 : i32 to index
      %swap3A_153 = memref.load %arg28[%swap3A_152] : memref<272xi32, #tpu.memory_space<smem>>
      memref.store %add3A_151, %arg28[%swap3A_152] : memref<272xi32, #tpu.memory_space<smem>>
      %slice3A_154 = vector.extract_strided_slice %get3A_99 {offsets = [7], sizes = [1], strides = [1]} : vector<16xi32> to vector<1xi32>
      %squeeze3A_155 = vector.extract %slice3A_154[0] : i32 from vector<1xi32>
      %get3A_156 = arith.index_cast %squeeze3A_155 : i32 to index
      %get3A_157 = memref.load %arg28[%get3A_156] : memref<272xi32, #tpu.memory_space<smem>>
      %add3A_158 = arith.constant 1 : i32
      %add3A_159 = arith.addi %get3A_157, %add3A_158 : i32
      %swap3A_160 = arith.index_cast %squeeze3A_155 : i32 to index
      %swap3A_161 = memref.load %arg28[%swap3A_160] : memref<272xi32, #tpu.memory_space<smem>>
      memref.store %add3A_159, %arg28[%swap3A_160] : memref<272xi32, #tpu.memory_space<smem>>
      %slice3A_162 = vector.extract_strided_slice %get3A_99 {offsets = [8], sizes = [1], strides = [1]} : vector<16xi32> to vector<1xi32>
      %squeeze3A_163 = vector.extract %slice3A_162[0] : i32 from vector<1xi32>
      %get3A_164 = arith.index_cast %squeeze3A_163 : i32 to index
      %get3A_165 = memref.load %arg28[%get3A_164] : memref<272xi32, #tpu.memory_space<smem>>
      %add3A_166 = arith.constant 1 : i32
      %add3A_167 = arith.addi %get3A_165, %add3A_166 : i32
      %swap3A_168 = arith.index_cast %squeeze3A_163 : i32 to index
      %swap3A_169 = memref.load %arg28[%swap3A_168] : memref<272xi32, #tpu.memory_space<smem>>
      memref.store %add3A_167, %arg28[%swap3A_168] : memref<272xi32, #tpu.memory_space<smem>>
      %slice3A_170 = vector.extract_strided_slice %get3A_99 {offsets = [9], sizes = [1], strides = [1]} : vector<16xi32> to vector<1xi32>
      %squeeze3A_171 = vector.extract %slice3A_170[0] : i32 from vector<1xi32>
      %get3A_172 = arith.index_cast %squeeze3A_171 : i32 to index
      %get3A_173 = memref.load %arg28[%get3A_172] : memref<272xi32, #tpu.memory_space<smem>>
      %add3A_174 = arith.constant 1 : i32
      %add3A_175 = arith.addi %get3A_173, %add3A_174 : i32
      %swap3A_176 = arith.index_cast %squeeze3A_171 : i32 to index
      %swap3A_177 = memref.load %arg28[%swap3A_176] : memref<272xi32, #tpu.memory_space<smem>>
      memref.store %add3A_175, %arg28[%swap3A_176] : memref<272xi32, #tpu.memory_space<smem>>
      %slice3A_178 = vector.extract_strided_slice %get3A_99 {offsets = [10], sizes = [1], strides = [1]} : vector<16xi32> to vector<1xi32>
      %squeeze3A_179 = vector.extract %slice3A_178[0] : i32 from vector<1xi32>
      %get3A_180 = arith.index_cast %squeeze3A_179 : i32 to index
      %get3A_181 = memref.load %arg28[%get3A_180] : memref<272xi32, #tpu.memory_space<smem>>
      %add3A_182 = arith.constant 1 : i32
      %add3A_183 = arith.addi %get3A_181, %add3A_182 : i32
      %swap3A_184 = arith.index_cast %squeeze3A_179 : i32 to index
      %swap3A_185 = memref.load %arg28[%swap3A_184] : memref<272xi32, #tpu.memory_space<smem>>
      memref.store %add3A_183, %arg28[%swap3A_184] : memref<272xi32, #tpu.memory_space<smem>>
      %slice3A_186 = vector.extract_strided_slice %get3A_99 {offsets = [11], sizes = [1], strides = [1]} : vector<16xi32> to vector<1xi32>
      %squeeze3A_187 = vector.extract %slice3A_186[0] : i32 from vector<1xi32>
      %get3A_188 = arith.index_cast %squeeze3A_187 : i32 to index
      %get3A_189 = memref.load %arg28[%get3A_188] : memref<272xi32, #tpu.memory_space<smem>>
      %add3A_190 = arith.constant 1 : i32
      %add3A_191 = arith.addi %get3A_189, %add3A_190 : i32
      %swap3A_192 = arith.index_cast %squeeze3A_187 : i32 to index
      %swap3A_193 = memref.load %arg28[%swap3A_192] : memref<272xi32, #tpu.memory_space<smem>>
      memref.store %add3A_191, %arg28[%swap3A_192] : memref<272xi32, #tpu.memory_space<smem>>
      %slice3A_194 = vector.extract_strided_slice %get3A_99 {offsets = [12], sizes = [1], strides = [1]} : vector<16xi32> to vector<1xi32>
      %squeeze3A_195 = vector.extract %slice3A_194[0] : i32 from vector<1xi32>
      %get3A_196 = arith.index_cast %squeeze3A_195 : i32 to index
      %get3A_197 = memref.load %arg28[%get3A_196] : memref<272xi32, #tpu.memory_space<smem>>
      %add3A_198 = arith.constant 1 : i32
      %add3A_199 = arith.addi %get3A_197, %add3A_198 : i32
      %swap3A_200 = arith.index_cast %squeeze3A_195 : i32 to index
      %swap3A_201 = memref.load %arg28[%swap3A_200] : memref<272xi32, #tpu.memory_space<smem>>
      memref.store %add3A_199, %arg28[%swap3A_200] : memref<272xi32, #tpu.memory_space<smem>>
      %slice3A_202 = vector.extract_strided_slice %get3A_99 {offsets = [13], sizes = [1], strides = [1]} : vector<16xi32> to vector<1xi32>
      %squeeze3A_203 = vector.extract %slice3A_202[0] : i32 from vector<1xi32>
      %get3A_204 = arith.index_cast %squeeze3A_203 : i32 to index
      %get3A_205 = memref.load %arg28[%get3A_204] : memref<272xi32, #tpu.memory_space<smem>>
      %add3A_206 = arith.constant 1 : i32
      %add3A_207 = arith.addi %get3A_205, %add3A_206 : i32
      %swap3A_208 = arith.index_cast %squeeze3A_203 : i32 to index
      %swap3A_209 = memref.load %arg28[%swap3A_208] : memref<272xi32, #tpu.memory_space<smem>>
      memref.store %add3A_207, %arg28[%swap3A_208] : memref<272xi32, #tpu.memory_space<smem>>
      %slice3A_210 = vector.extract_strided_slice %get3A_99 {offsets = [14], sizes = [1], strides = [1]} : vector<16xi32> to vector<1xi32>
      %squeeze3A_211 = vector.extract %slice3A_210[0] : i32 from vector<1xi32>
      %get3A_212 = arith.index_cast %squeeze3A_211 : i32 to index
      %get3A_213 = memref.load %arg28[%get3A_212] : memref<272xi32, #tpu.memory_space<smem>>
      %add3A_214 = arith.constant 1 : i32
      %add3A_215 = arith.addi %get3A_213, %add3A_214 : i32
      %swap3A_216 = arith.index_cast %squeeze3A_211 : i32 to index
      %swap3A_217 = memref.load %arg28[%swap3A_216] : memref<272xi32, #tpu.memory_space<smem>>
      memref.store %add3A_215, %arg28[%swap3A_216] : memref<272xi32, #tpu.memory_space<smem>>
      %slice3A_218 = vector.extract_strided_slice %get3A_99 {offsets = [15], sizes = [1], strides = [1]} : vector<16xi32> to vector<1xi32>
      %squeeze3A_219 = vector.extract %slice3A_218[0] : i32 from vector<1xi32>
      %get3A_220 = arith.index_cast %squeeze3A_219 : i32 to index
      %get3A_221 = memref.load %arg28[%get3A_220] : memref<272xi32, #tpu.memory_space<smem>>
      %add3A_222 = arith.constant 1 : i32
      %add3A_223 = arith.addi %get3A_221, %add3A_222 : i32
      %swap3A_224 = arith.index_cast %squeeze3A_219 : i32 to index
      %swap3A_225 = memref.load %arg28[%swap3A_224] : memref<272xi32, #tpu.memory_space<smem>>
      memref.store %add3A_223, %arg28[%swap3A_224] : memref<272xi32, #tpu.memory_space<smem>>
      %scan3A_226 = arith.constant 0 : i32
      scf.yield %scan3A_226 : i32
    }
    %scan3A_62 = arith.constant 128 : i32
    %scan3A_63 = arith.constant 0 : i32
    %scan3A_64 = arith.constant 0 : i32
    %scan3A_65 = arith.constant 256 : i32
    %scan3A_66 = arith.addi %scan3A_64, %scan3A_65 : i32
    %scan3A_67 = arith.constant 1 : i32
    %scan3A_68 = scf.for %scan3A_95 = %scan3A_64 to %scan3A_66 step %scan3A_67 iter_args(%scan3A_96 = %scan3A_63) -> (i32)  : i32 {
      %get3A = arith.index_cast %scan3A_95 : i32 to index
      %get3A_97 = memref.load %arg28[%get3A] : memref<272xi32, #tpu.memory_space<smem>>
      %swap3A_98 = arith.index_cast %scan3A_95 : i32 to index
      %swap3A_99 = memref.load %arg28[%swap3A_98] : memref<272xi32, #tpu.memory_space<smem>>
      memref.store %scan3A_96, %arg28[%swap3A_98] : memref<272xi32, #tpu.memory_space<smem>>
      %add3A_100 = arith.addi %scan3A_96, %get3A_97 : i32
      scf.yield %add3A_100 : i32
    }
    %scan3A_69 = arith.constant 256 : i32
    %scan3A_70 = arith.constant 0 : i32
    %scan3A_71 = arith.constant 0 : i32
    %scan3A_72 = arith.constant 16 : i32
    %scan3A_73 = arith.addi %scan3A_71, %scan3A_72 : i32
    %scan3A_74 = arith.constant 1 : i32
    %scan3A_75 = scf.for %scan3A_95 = %scan3A_71 to %scan3A_73 step %scan3A_74 iter_args(%scan3A_96 = %scan3A_70) -> (i32)  : i32 {
      %broadcast_in_dim3A_97 = arith.constant 0 : i32
      %broadcast_in_dim3A_98 = vector.broadcast %broadcast_in_dim3A_97 : i32 to vector<16xi32>
      %mul3A_99 = arith.constant 16 : i32
      %mul3A_100 = arith.muli %scan3A_95, %mul3A_99 : i32
      %add3A_101 = arith.constant 0 : i32
      %add3A_102 = arith.addi %mul3A_100, %add3A_101 : i32
      %get3A = arith.index_cast %add3A_102 : i32 to index
      %get3A_103 = memref.load %arg28[%get3A] : memref<272xi32, #tpu.memory_space<smem>>
      %broadcast_in_dim3A_104 = vector.broadcast %get3A_103 : i32 to vector<16xi32>
      %select_n3A = arith.select %eq3A_4, %broadcast_in_dim3A_104, %broadcast_in_dim3A_98 : vector<16xi1>, vector<16xi32>
      %mul3A_105 = arith.constant 16 : i32
      %mul3A_106 = arith.muli %scan3A_95, %mul3A_105 : i32
      %add3A_107 = arith.constant 1 : i32
      %add3A_108 = arith.addi %mul3A_106, %add3A_107 : i32
      %get3A_109 = arith.index_cast %add3A_108 : i32 to index
      %get3A_110 = memref.load %arg28[%get3A_109] : memref<272xi32, #tpu.memory_space<smem>>
      %broadcast_in_dim3A_111 = vector.broadcast %get3A_110 : i32 to vector<16xi32>
      %select_n3A_112 = arith.select %eq3A_7, %broadcast_in_dim3A_111, %select_n3A : vector<16xi1>, vector<16xi32>
      %mul3A_113 = arith.constant 16 : i32
      %mul3A_114 = arith.muli %scan3A_95, %mul3A_113 : i32
      %add3A_115 = arith.constant 2 : i32
      %add3A_116 = arith.addi %mul3A_114, %add3A_115 : i32
      %get3A_117 = arith.index_cast %add3A_116 : i32 to index
      %get3A_118 = memref.load %arg28[%get3A_117] : memref<272xi32, #tpu.memory_space<smem>>
      %broadcast_in_dim3A_119 = vector.broadcast %get3A_118 : i32 to vector<16xi32>
      %select_n3A_120 = arith.select %eq3A_10, %broadcast_in_dim3A_119, %select_n3A_112 : vector<16xi1>, vector<16xi32>
      %mul3A_121 = arith.constant 16 : i32
      %mul3A_122 = arith.muli %scan3A_95, %mul3A_121 : i32
      %add3A_123 = arith.constant 3 : i32
      %add3A_124 = arith.addi %mul3A_122, %add3A_123 : i32
      %get3A_125 = arith.index_cast %add3A_124 : i32 to index
      %get3A_126 = memref.load %arg28[%get3A_125] : memref<272xi32, #tpu.memory_space<smem>>
      %broadcast_in_dim3A_127 = vector.broadcast %get3A_126 : i32 to vector<16xi32>
      %select_n3A_128 = arith.select %eq3A_13, %broadcast_in_dim3A_127, %select_n3A_120 : vector<16xi1>, vector<16xi32>
      %mul3A_129 = arith.constant 16 : i32
      %mul3A_130 = arith.muli %scan3A_95, %mul3A_129 : i32
      %add3A_131 = arith.constant 4 : i32
      %add3A_132 = arith.addi %mul3A_130, %add3A_131 : i32
      %get3A_133 = arith.index_cast %add3A_132 : i32 to index
      %get3A_134 = memref.load %arg28[%get3A_133] : memref<272xi32, #tpu.memory_space<smem>>
      %broadcast_in_dim3A_135 = vector.broadcast %get3A_134 : i32 to vector<16xi32>
      %select_n3A_136 = arith.select %eq3A_16, %broadcast_in_dim3A_135, %select_n3A_128 : vector<16xi1>, vector<16xi32>
      %mul3A_137 = arith.constant 16 : i32
      %mul3A_138 = arith.muli %scan3A_95, %mul3A_137 : i32
      %add3A_139 = arith.constant 5 : i32
      %add3A_140 = arith.addi %mul3A_138, %add3A_139 : i32
      %get3A_141 = arith.index_cast %add3A_140 : i32 to index
      %get3A_142 = memref.load %arg28[%get3A_141] : memref<272xi32, #tpu.memory_space<smem>>
      %broadcast_in_dim3A_143 = vector.broadcast %get3A_142 : i32 to vector<16xi32>
      %select_n3A_144 = arith.select %eq3A_19, %broadcast_in_dim3A_143, %select_n3A_136 : vector<16xi1>, vector<16xi32>
      %mul3A_145 = arith.constant 16 : i32
      %mul3A_146 = arith.muli %scan3A_95, %mul3A_145 : i32
      %add3A_147 = arith.constant 6 : i32
      %add3A_148 = arith.addi %mul3A_146, %add3A_147 : i32
      %get3A_149 = arith.index_cast %add3A_148 : i32 to index
      %get3A_150 = memref.load %arg28[%get3A_149] : memref<272xi32, #tpu.memory_space<smem>>
      %broadcast_in_dim3A_151 = vector.broadcast %get3A_150 : i32 to vector<16xi32>
      %select_n3A_152 = arith.select %eq3A_22, %broadcast_in_dim3A_151, %select_n3A_144 : vector<16xi1>, vector<16xi32>
      %mul3A_153 = arith.constant 16 : i32
      %mul3A_154 = arith.muli %scan3A_95, %mul3A_153 : i32
      %add3A_155 = arith.constant 7 : i32
      %add3A_156 = arith.addi %mul3A_154, %add3A_155 : i32
      %get3A_157 = arith.index_cast %add3A_156 : i32 to index
      %get3A_158 = memref.load %arg28[%get3A_157] : memref<272xi32, #tpu.memory_space<smem>>
      %broadcast_in_dim3A_159 = vector.broadcast %get3A_158 : i32 to vector<16xi32>
      %select_n3A_160 = arith.select %eq3A_25, %broadcast_in_dim3A_159, %select_n3A_152 : vector<16xi1>, vector<16xi32>
      %mul3A_161 = arith.constant 16 : i32
      %mul3A_162 = arith.muli %scan3A_95, %mul3A_161 : i32
      %add3A_163 = arith.constant 8 : i32
      %add3A_164 = arith.addi %mul3A_162, %add3A_163 : i32
      %get3A_165 = arith.index_cast %add3A_164 : i32 to index
      %get3A_166 = memref.load %arg28[%get3A_165] : memref<272xi32, #tpu.memory_space<smem>>
      %broadcast_in_dim3A_167 = vector.broadcast %get3A_166 : i32 to vector<16xi32>
      %select_n3A_168 = arith.select %eq3A_28, %broadcast_in_dim3A_167, %select_n3A_160 : vector<16xi1>, vector<16xi32>
      %mul3A_169 = arith.constant 16 : i32
      %mul3A_170 = arith.muli %scan3A_95, %mul3A_169 : i32
      %add3A_171 = arith.constant 9 : i32
      %add3A_172 = arith.addi %mul3A_170, %add3A_171 : i32
      %get3A_173 = arith.index_cast %add3A_172 : i32 to index
      %get3A_174 = memref.load %arg28[%get3A_173] : memref<272xi32, #tpu.memory_space<smem>>
      %broadcast_in_dim3A_175 = vector.broadcast %get3A_174 : i32 to vector<16xi32>
      %select_n3A_176 = arith.select %eq3A_31, %broadcast_in_dim3A_175, %select_n3A_168 : vector<16xi1>, vector<16xi32>
      %mul3A_177 = arith.constant 16 : i32
      %mul3A_178 = arith.muli %scan3A_95, %mul3A_177 : i32
      %add3A_179 = arith.constant 10 : i32
      %add3A_180 = arith.addi %mul3A_178, %add3A_179 : i32
      %get3A_181 = arith.index_cast %add3A_180 : i32 to index
      %get3A_182 = memref.load %arg28[%get3A_181] : memref<272xi32, #tpu.memory_space<smem>>
      %broadcast_in_dim3A_183 = vector.broadcast %get3A_182 : i32 to vector<16xi32>
      %select_n3A_184 = arith.select %eq3A_34, %broadcast_in_dim3A_183, %select_n3A_176 : vector<16xi1>, vector<16xi32>
      %mul3A_185 = arith.constant 16 : i32
      %mul3A_186 = arith.muli %scan3A_95, %mul3A_185 : i32
      %add3A_187 = arith.constant 11 : i32
      %add3A_188 = arith.addi %mul3A_186, %add3A_187 : i32
      %get3A_189 = arith.index_cast %add3A_188 : i32 to index
      %get3A_190 = memref.load %arg28[%get3A_189] : memref<272xi32, #tpu.memory_space<smem>>
      %broadcast_in_dim3A_191 = vector.broadcast %get3A_190 : i32 to vector<16xi32>
      %select_n3A_192 = arith.select %eq3A_37, %broadcast_in_dim3A_191, %select_n3A_184 : vector<16xi1>, vector<16xi32>
      %mul3A_193 = arith.constant 16 : i32
      %mul3A_194 = arith.muli %scan3A_95, %mul3A_193 : i32
      %add3A_195 = arith.constant 12 : i32
      %add3A_196 = arith.addi %mul3A_194, %add3A_195 : i32
      %get3A_197 = arith.index_cast %add3A_196 : i32 to index
      %get3A_198 = memref.load %arg28[%get3A_197] : memref<272xi32, #tpu.memory_space<smem>>
      %broadcast_in_dim3A_199 = vector.broadcast %get3A_198 : i32 to vector<16xi32>
      %select_n3A_200 = arith.select %eq3A_40, %broadcast_in_dim3A_199, %select_n3A_192 : vector<16xi1>, vector<16xi32>
      %mul3A_201 = arith.constant 16 : i32
      %mul3A_202 = arith.muli %scan3A_95, %mul3A_201 : i32
      %add3A_203 = arith.constant 13 : i32
      %add3A_204 = arith.addi %mul3A_202, %add3A_203 : i32
      %get3A_205 = arith.index_cast %add3A_204 : i32 to index
      %get3A_206 = memref.load %arg28[%get3A_205] : memref<272xi32, #tpu.memory_space<smem>>
      %broadcast_in_dim3A_207 = vector.broadcast %get3A_206 : i32 to vector<16xi32>
      %select_n3A_208 = arith.select %eq3A_43, %broadcast_in_dim3A_207, %select_n3A_200 : vector<16xi1>, vector<16xi32>
      %mul3A_209 = arith.constant 16 : i32
      %mul3A_210 = arith.muli %scan3A_95, %mul3A_209 : i32
      %add3A_211 = arith.constant 14 : i32
      %add3A_212 = arith.addi %mul3A_210, %add3A_211 : i32
      %get3A_213 = arith.index_cast %add3A_212 : i32 to index
      %get3A_214 = memref.load %arg28[%get3A_213] : memref<272xi32, #tpu.memory_space<smem>>
      %broadcast_in_dim3A_215 = vector.broadcast %get3A_214 : i32 to vector<16xi32>
      %select_n3A_216 = arith.select %eq3A_46, %broadcast_in_dim3A_215, %select_n3A_208 : vector<16xi1>, vector<16xi32>
      %mul3A_217 = arith.constant 16 : i32
      %mul3A_218 = arith.muli %scan3A_95, %mul3A_217 : i32
      %add3A_219 = arith.constant 15 : i32
      %add3A_220 = arith.addi %mul3A_218, %add3A_219 : i32
      %get3A_221 = arith.index_cast %add3A_220 : i32 to index
      %get3A_222 = memref.load %arg28[%get3A_221] : memref<272xi32, #tpu.memory_space<smem>>
      %broadcast_in_dim3A_223 = vector.broadcast %get3A_222 : i32 to vector<16xi32>
      %select_n3A_224 = arith.select %eq3A_49, %broadcast_in_dim3A_223, %select_n3A_216 : vector<16xi1>, vector<16xi32>
      %mul3A_225 = arith.constant 16 : i32
      %mul3A_226 = arith.muli %scan3A_95, %mul3A_225 : i32
      %swap3A_227 = arith.index_cast %mul3A_226 : i32 to index
      %swap3A_228 = tpu.vector_load %arg19[%swap3A_227] {strides = array<i32>} : memref<272xi32, #tpu.memory_space<vmem>>, vector<16xi32>,
      tpu.vector_store %arg19[%swap3A_227], %select_n3A_224 {strides = array<i32>} : memref<272xi32, #tpu.memory_space<vmem>>, vector<16xi32>,
      %scan3A_229 = arith.constant 0 : i32
      scf.yield %scan3A_229 : i32
    }
    %scan3A_76 = arith.constant 16 : i32
    %broadcast_in_dim3A = arith.constant 2048 : i32
    %broadcast_in_dim3A_77 = vector.broadcast %broadcast_in_dim3A : i32 to vector<16xi32>
    %swap3A = arith.constant 256 : index
    %swap3A_78 = tpu.vector_load %arg19[%swap3A] {strides = array<i32>} : memref<272xi32, #tpu.memory_space<vmem>>, vector<16xi32>,
    tpu.vector_store %arg19[%swap3A], %broadcast_in_dim3A_77 {strides = array<i32>} : memref<272xi32, #tpu.memory_space<vmem>>, vector<16xi32>,
    %scan3A_79 = arith.constant 0 : i32
    %scan3A_80 = arith.constant 0 : i32
    %scan3A_81 = arith.constant 128 : i32
    %scan3A_82 = arith.addi %scan3A_80, %scan3A_81 : i32
    %scan3A_83 = arith.constant 1 : i32
    %scan3A_84 = scf.for %scan3A_95 = %scan3A_80 to %scan3A_82 step %scan3A_83 iter_args(%scan3A_96 = %scan3A_79) -> (i32)  : i32 {
      %mul3A_97 = arith.constant 16 : i32
      %mul3A_98 = arith.muli %scan3A_95, %mul3A_97 : i32
      %get3A = arith.index_cast %mul3A_98 : i32 to index
      %get3A_99 = tpu.vector_load %arg13[%get3A] {strides = array<i32>} : memref<2048xi32, #tpu.memory_space<vmem>>, vector<16xi32>,
      %broadcast_in_dim3A_100 = arith.constant 0 : i32
      %broadcast_in_dim3A_101 = vector.broadcast %broadcast_in_dim3A_100 : i32 to vector<16xi32>
      %slice3A = vector.extract_strided_slice %get3A_99 {offsets = [0], sizes = [1], strides = [1]} : vector<16xi32> to vector<1xi32>
      %squeeze3A = vector.extract %slice3A[0] : i32 from vector<1xi32>
      %get3A_102 = arith.index_cast %squeeze3A : i32 to index
      %get3A_103 = memref.load %arg28[%get3A_102] : memref<272xi32, #tpu.memory_space<smem>>
      %add3A_104 = arith.constant 1 : i32
      %add3A_105 = arith.addi %get3A_103, %add3A_104 : i32
      %swap3A_106 = arith.index_cast %squeeze3A : i32 to index
      %swap3A_107 = memref.load %arg28[%swap3A_106] : memref<272xi32, #tpu.memory_space<smem>>
      memref.store %add3A_105, %arg28[%swap3A_106] : memref<272xi32, #tpu.memory_space<smem>>
      %broadcast_in_dim3A_108 = vector.broadcast %get3A_103 : i32 to vector<16xi32>
      %select_n3A = arith.select %eq3A_4, %broadcast_in_dim3A_108, %broadcast_in_dim3A_101 : vector<16xi1>, vector<16xi32>
      %slice3A_109 = vector.extract_strided_slice %get3A_99 {offsets = [1], sizes = [1], strides = [1]} : vector<16xi32> to vector<1xi32>
      %squeeze3A_110 = vector.extract %slice3A_109[0] : i32 from vector<1xi32>
      %get3A_111 = arith.index_cast %squeeze3A_110 : i32 to index
      %get3A_112 = memref.load %arg28[%get3A_111] : memref<272xi32, #tpu.memory_space<smem>>
      %add3A_113 = arith.constant 1 : i32
      %add3A_114 = arith.addi %get3A_112, %add3A_113 : i32
      %swap3A_115 = arith.index_cast %squeeze3A_110 : i32 to index
      %swap3A_116 = memref.load %arg28[%swap3A_115] : memref<272xi32, #tpu.memory_space<smem>>
      memref.store %add3A_114, %arg28[%swap3A_115] : memref<272xi32, #tpu.memory_space<smem>>
      %broadcast_in_dim3A_117 = vector.broadcast %get3A_112 : i32 to vector<16xi32>
      %select_n3A_118 = arith.select %eq3A_7, %broadcast_in_dim3A_117, %select_n3A : vector<16xi1>, vector<16xi32>
      %slice3A_119 = vector.extract_strided_slice %get3A_99 {offsets = [2], sizes = [1], strides = [1]} : vector<16xi32> to vector<1xi32>
      %squeeze3A_120 = vector.extract %slice3A_119[0] : i32 from vector<1xi32>
      %get3A_121 = arith.index_cast %squeeze3A_120 : i32 to index
      %get3A_122 = memref.load %arg28[%get3A_121] : memref<272xi32, #tpu.memory_space<smem>>
      %add3A_123 = arith.constant 1 : i32
      %add3A_124 = arith.addi %get3A_122, %add3A_123 : i32
      %swap3A_125 = arith.index_cast %squeeze3A_120 : i32 to index
      %swap3A_126 = memref.load %arg28[%swap3A_125] : memref<272xi32, #tpu.memory_space<smem>>
      memref.store %add3A_124, %arg28[%swap3A_125] : memref<272xi32, #tpu.memory_space<smem>>
      %broadcast_in_dim3A_127 = vector.broadcast %get3A_122 : i32 to vector<16xi32>
      %select_n3A_128 = arith.select %eq3A_10, %broadcast_in_dim3A_127, %select_n3A_118 : vector<16xi1>, vector<16xi32>
      %slice3A_129 = vector.extract_strided_slice %get3A_99 {offsets = [3], sizes = [1], strides = [1]} : vector<16xi32> to vector<1xi32>
      %squeeze3A_130 = vector.extract %slice3A_129[0] : i32 from vector<1xi32>
      %get3A_131 = arith.index_cast %squeeze3A_130 : i32 to index
      %get3A_132 = memref.load %arg28[%get3A_131] : memref<272xi32, #tpu.memory_space<smem>>
      %add3A_133 = arith.constant 1 : i32
      %add3A_134 = arith.addi %get3A_132, %add3A_133 : i32
      %swap3A_135 = arith.index_cast %squeeze3A_130 : i32 to index
      %swap3A_136 = memref.load %arg28[%swap3A_135] : memref<272xi32, #tpu.memory_space<smem>>
      memref.store %add3A_134, %arg28[%swap3A_135] : memref<272xi32, #tpu.memory_space<smem>>
      %broadcast_in_dim3A_137 = vector.broadcast %get3A_132 : i32 to vector<16xi32>
      %select_n3A_138 = arith.select %eq3A_13, %broadcast_in_dim3A_137, %select_n3A_128 : vector<16xi1>, vector<16xi32>
      %slice3A_139 = vector.extract_strided_slice %get3A_99 {offsets = [4], sizes = [1], strides = [1]} : vector<16xi32> to vector<1xi32>
      %squeeze3A_140 = vector.extract %slice3A_139[0] : i32 from vector<1xi32>
      %get3A_141 = arith.index_cast %squeeze3A_140 : i32 to index
      %get3A_142 = memref.load %arg28[%get3A_141] : memref<272xi32, #tpu.memory_space<smem>>
      %add3A_143 = arith.constant 1 : i32
      %add3A_144 = arith.addi %get3A_142, %add3A_143 : i32
      %swap3A_145 = arith.index_cast %squeeze3A_140 : i32 to index
      %swap3A_146 = memref.load %arg28[%swap3A_145] : memref<272xi32, #tpu.memory_space<smem>>
      memref.store %add3A_144, %arg28[%swap3A_145] : memref<272xi32, #tpu.memory_space<smem>>
      %broadcast_in_dim3A_147 = vector.broadcast %get3A_142 : i32 to vector<16xi32>
      %select_n3A_148 = arith.select %eq3A_16, %broadcast_in_dim3A_147, %select_n3A_138 : vector<16xi1>, vector<16xi32>
      %slice3A_149 = vector.extract_strided_slice %get3A_99 {offsets = [5], sizes = [1], strides = [1]} : vector<16xi32> to vector<1xi32>
      %squeeze3A_150 = vector.extract %slice3A_149[0] : i32 from vector<1xi32>
      %get3A_151 = arith.index_cast %squeeze3A_150 : i32 to index
      %get3A_152 = memref.load %arg28[%get3A_151] : memref<272xi32, #tpu.memory_space<smem>>
      %add3A_153 = arith.constant 1 : i32
      %add3A_154 = arith.addi %get3A_152, %add3A_153 : i32
      %swap3A_155 = arith.index_cast %squeeze3A_150 : i32 to index
      %swap3A_156 = memref.load %arg28[%swap3A_155] : memref<272xi32, #tpu.memory_space<smem>>
      memref.store %add3A_154, %arg28[%swap3A_155] : memref<272xi32, #tpu.memory_space<smem>>
      %broadcast_in_dim3A_157 = vector.broadcast %get3A_152 : i32 to vector<16xi32>
      %select_n3A_158 = arith.select %eq3A_19, %broadcast_in_dim3A_157, %select_n3A_148 : vector<16xi1>, vector<16xi32>
      %slice3A_159 = vector.extract_strided_slice %get3A_99 {offsets = [6], sizes = [1], strides = [1]} : vector<16xi32> to vector<1xi32>
      %squeeze3A_160 = vector.extract %slice3A_159[0] : i32 from vector<1xi32>
      %get3A_161 = arith.index_cast %squeeze3A_160 : i32 to index
      %get3A_162 = memref.load %arg28[%get3A_161] : memref<272xi32, #tpu.memory_space<smem>>
      %add3A_163 = arith.constant 1 : i32
      %add3A_164 = arith.addi %get3A_162, %add3A_163 : i32
      %swap3A_165 = arith.index_cast %squeeze3A_160 : i32 to index
      %swap3A_166 = memref.load %arg28[%swap3A_165] : memref<272xi32, #tpu.memory_space<smem>>
      memref.store %add3A_164, %arg28[%swap3A_165] : memref<272xi32, #tpu.memory_space<smem>>
      %broadcast_in_dim3A_167 = vector.broadcast %get3A_162 : i32 to vector<16xi32>
      %select_n3A_168 = arith.select %eq3A_22, %broadcast_in_dim3A_167, %select_n3A_158 : vector<16xi1>, vector<16xi32>
      %slice3A_169 = vector.extract_strided_slice %get3A_99 {offsets = [7], sizes = [1], strides = [1]} : vector<16xi32> to vector<1xi32>
      %squeeze3A_170 = vector.extract %slice3A_169[0] : i32 from vector<1xi32>
      %get3A_171 = arith.index_cast %squeeze3A_170 : i32 to index
      %get3A_172 = memref.load %arg28[%get3A_171] : memref<272xi32, #tpu.memory_space<smem>>
      %add3A_173 = arith.constant 1 : i32
      %add3A_174 = arith.addi %get3A_172, %add3A_173 : i32
      %swap3A_175 = arith.index_cast %squeeze3A_170 : i32 to index
      %swap3A_176 = memref.load %arg28[%swap3A_175] : memref<272xi32, #tpu.memory_space<smem>>
      memref.store %add3A_174, %arg28[%swap3A_175] : memref<272xi32, #tpu.memory_space<smem>>
      %broadcast_in_dim3A_177 = vector.broadcast %get3A_172 : i32 to vector<16xi32>
      %select_n3A_178 = arith.select %eq3A_25, %broadcast_in_dim3A_177, %select_n3A_168 : vector<16xi1>, vector<16xi32>
      %slice3A_179 = vector.extract_strided_slice %get3A_99 {offsets = [8], sizes = [1], strides = [1]} : vector<16xi32> to vector<1xi32>
      %squeeze3A_180 = vector.extract %slice3A_179[0] : i32 from vector<1xi32>
      %get3A_181 = arith.index_cast %squeeze3A_180 : i32 to index
      %get3A_182 = memref.load %arg28[%get3A_181] : memref<272xi32, #tpu.memory_space<smem>>
      %add3A_183 = arith.constant 1 : i32
      %add3A_184 = arith.addi %get3A_182, %add3A_183 : i32
      %swap3A_185 = arith.index_cast %squeeze3A_180 : i32 to index
      %swap3A_186 = memref.load %arg28[%swap3A_185] : memref<272xi32, #tpu.memory_space<smem>>
      memref.store %add3A_184, %arg28[%swap3A_185] : memref<272xi32, #tpu.memory_space<smem>>
      %broadcast_in_dim3A_187 = vector.broadcast %get3A_182 : i32 to vector<16xi32>
      %select_n3A_188 = arith.select %eq3A_28, %broadcast_in_dim3A_187, %select_n3A_178 : vector<16xi1>, vector<16xi32>
      %slice3A_189 = vector.extract_strided_slice %get3A_99 {offsets = [9], sizes = [1], strides = [1]} : vector<16xi32> to vector<1xi32>
      %squeeze3A_190 = vector.extract %slice3A_189[0] : i32 from vector<1xi32>
      %get3A_191 = arith.index_cast %squeeze3A_190 : i32 to index
      %get3A_192 = memref.load %arg28[%get3A_191] : memref<272xi32, #tpu.memory_space<smem>>
      %add3A_193 = arith.constant 1 : i32
      %add3A_194 = arith.addi %get3A_192, %add3A_193 : i32
      %swap3A_195 = arith.index_cast %squeeze3A_190 : i32 to index
      %swap3A_196 = memref.load %arg28[%swap3A_195] : memref<272xi32, #tpu.memory_space<smem>>
      memref.store %add3A_194, %arg28[%swap3A_195] : memref<272xi32, #tpu.memory_space<smem>>
      %broadcast_in_dim3A_197 = vector.broadcast %get3A_192 : i32 to vector<16xi32>
      %select_n3A_198 = arith.select %eq3A_31, %broadcast_in_dim3A_197, %select_n3A_188 : vector<16xi1>, vector<16xi32>
      %slice3A_199 = vector.extract_strided_slice %get3A_99 {offsets = [10], sizes = [1], strides = [1]} : vector<16xi32> to vector<1xi32>
      %squeeze3A_200 = vector.extract %slice3A_199[0] : i32 from vector<1xi32>
      %get3A_201 = arith.index_cast %squeeze3A_200 : i32 to index
      %get3A_202 = memref.load %arg28[%get3A_201] : memref<272xi32, #tpu.memory_space<smem>>
      %add3A_203 = arith.constant 1 : i32
      %add3A_204 = arith.addi %get3A_202, %add3A_203 : i32
      %swap3A_205 = arith.index_cast %squeeze3A_200 : i32 to index
      %swap3A_206 = memref.load %arg28[%swap3A_205] : memref<272xi32, #tpu.memory_space<smem>>
      memref.store %add3A_204, %arg28[%swap3A_205] : memref<272xi32, #tpu.memory_space<smem>>
      %broadcast_in_dim3A_207 = vector.broadcast %get3A_202 : i32 to vector<16xi32>
      %select_n3A_208 = arith.select %eq3A_34, %broadcast_in_dim3A_207, %select_n3A_198 : vector<16xi1>, vector<16xi32>
      %slice3A_209 = vector.extract_strided_slice %get3A_99 {offsets = [11], sizes = [1], strides = [1]} : vector<16xi32> to vector<1xi32>
      %squeeze3A_210 = vector.extract %slice3A_209[0] : i32 from vector<1xi32>
      %get3A_211 = arith.index_cast %squeeze3A_210 : i32 to index
      %get3A_212 = memref.load %arg28[%get3A_211] : memref<272xi32, #tpu.memory_space<smem>>
      %add3A_213 = arith.constant 1 : i32
      %add3A_214 = arith.addi %get3A_212, %add3A_213 : i32
      %swap3A_215 = arith.index_cast %squeeze3A_210 : i32 to index
      %swap3A_216 = memref.load %arg28[%swap3A_215] : memref<272xi32, #tpu.memory_space<smem>>
      memref.store %add3A_214, %arg28[%swap3A_215] : memref<272xi32, #tpu.memory_space<smem>>
      %broadcast_in_dim3A_217 = vector.broadcast %get3A_212 : i32 to vector<16xi32>
      %select_n3A_218 = arith.select %eq3A_37, %broadcast_in_dim3A_217, %select_n3A_208 : vector<16xi1>, vector<16xi32>
      %slice3A_219 = vector.extract_strided_slice %get3A_99 {offsets = [12], sizes = [1], strides = [1]} : vector<16xi32> to vector<1xi32>
      %squeeze3A_220 = vector.extract %slice3A_219[0] : i32 from vector<1xi32>
      %get3A_221 = arith.index_cast %squeeze3A_220 : i32 to index
      %get3A_222 = memref.load %arg28[%get3A_221] : memref<272xi32, #tpu.memory_space<smem>>
      %add3A_223 = arith.constant 1 : i32
      %add3A_224 = arith.addi %get3A_222, %add3A_223 : i32
      %swap3A_225 = arith.index_cast %squeeze3A_220 : i32 to index
      %swap3A_226 = memref.load %arg28[%swap3A_225] : memref<272xi32, #tpu.memory_space<smem>>
      memref.store %add3A_224, %arg28[%swap3A_225] : memref<272xi32, #tpu.memory_space<smem>>
      %broadcast_in_dim3A_227 = vector.broadcast %get3A_222 : i32 to vector<16xi32>
      %select_n3A_228 = arith.select %eq3A_40, %broadcast_in_dim3A_227, %select_n3A_218 : vector<16xi1>, vector<16xi32>
      %slice3A_229 = vector.extract_strided_slice %get3A_99 {offsets = [13], sizes = [1], strides = [1]} : vector<16xi32> to vector<1xi32>
      %squeeze3A_230 = vector.extract %slice3A_229[0] : i32 from vector<1xi32>
      %get3A_231 = arith.index_cast %squeeze3A_230 : i32 to index
      %get3A_232 = memref.load %arg28[%get3A_231] : memref<272xi32, #tpu.memory_space<smem>>
      %add3A_233 = arith.constant 1 : i32
      %add3A_234 = arith.addi %get3A_232, %add3A_233 : i32
      %swap3A_235 = arith.index_cast %squeeze3A_230 : i32 to index
      %swap3A_236 = memref.load %arg28[%swap3A_235] : memref<272xi32, #tpu.memory_space<smem>>
      memref.store %add3A_234, %arg28[%swap3A_235] : memref<272xi32, #tpu.memory_space<smem>>
      %broadcast_in_dim3A_237 = vector.broadcast %get3A_232 : i32 to vector<16xi32>
      %select_n3A_238 = arith.select %eq3A_43, %broadcast_in_dim3A_237, %select_n3A_228 : vector<16xi1>, vector<16xi32>
      %slice3A_239 = vector.extract_strided_slice %get3A_99 {offsets = [14], sizes = [1], strides = [1]} : vector<16xi32> to vector<1xi32>
      %squeeze3A_240 = vector.extract %slice3A_239[0] : i32 from vector<1xi32>
      %get3A_241 = arith.index_cast %squeeze3A_240 : i32 to index
      %get3A_242 = memref.load %arg28[%get3A_241] : memref<272xi32, #tpu.memory_space<smem>>
      %add3A_243 = arith.constant 1 : i32
      %add3A_244 = arith.addi %get3A_242, %add3A_243 : i32
      %swap3A_245 = arith.index_cast %squeeze3A_240 : i32 to index
      %swap3A_246 = memref.load %arg28[%swap3A_245] : memref<272xi32, #tpu.memory_space<smem>>
      memref.store %add3A_244, %arg28[%swap3A_245] : memref<272xi32, #tpu.memory_space<smem>>
      %broadcast_in_dim3A_247 = vector.broadcast %get3A_242 : i32 to vector<16xi32>
      %select_n3A_248 = arith.select %eq3A_46, %broadcast_in_dim3A_247, %select_n3A_238 : vector<16xi1>, vector<16xi32>
      %slice3A_249 = vector.extract_strided_slice %get3A_99 {offsets = [15], sizes = [1], strides = [1]} : vector<16xi32> to vector<1xi32>
      %squeeze3A_250 = vector.extract %slice3A_249[0] : i32 from vector<1xi32>
      %get3A_251 = arith.index_cast %squeeze3A_250 : i32 to index
      %get3A_252 = memref.load %arg28[%get3A_251] : memref<272xi32, #tpu.memory_space<smem>>
      %add3A_253 = arith.constant 1 : i32
      %add3A_254 = arith.addi %get3A_252, %add3A_253 : i32
      %swap3A_255 = arith.index_cast %squeeze3A_250 : i32 to index
      %swap3A_256 = memref.load %arg28[%swap3A_255] : memref<272xi32, #tpu.memory_space<smem>>
      memref.store %add3A_254, %arg28[%swap3A_255] : memref<272xi32, #tpu.memory_space<smem>>
      %broadcast_in_dim3A_257 = vector.broadcast %get3A_252 : i32 to vector<16xi32>
      %select_n3A_258 = arith.select %eq3A_49, %broadcast_in_dim3A_257, %select_n3A_248 : vector<16xi1>, vector<16xi32>
      %mul3A_259 = arith.constant 16 : i32
      %mul3A_260 = arith.muli %scan3A_95, %mul3A_259 : i32
      %get3A_261 = arith.index_cast %mul3A_260 : i32 to index
      %get3A_262 = tpu.vector_load %arg14[%get3A_261] {strides = array<i32>} : memref<2048xi32, #tpu.memory_space<vmem>>, vector<16xi32>,
      tpu.vector_store_idx %arg16[%select_n3A_258], %get3A_262 : memref<2048xi32, #tpu.memory_space<vmem>>[vector<16xi32>], vector<16xi32>,
      %mul3A_263 = arith.constant 16 : i32
      %mul3A_264 = arith.muli %scan3A_95, %mul3A_263 : i32
      %get3A_265 = arith.index_cast %mul3A_264 : i32 to index
      %get3A_266 = tpu.vector_load %arg15[%get3A_265] {strides = array<i32>} : memref<2048xf32, #tpu.memory_space<vmem>>, vector<16xf32>,
      tpu.vector_store_idx %arg17[%select_n3A_258], %get3A_266 : memref<2048xf32, #tpu.memory_space<vmem>>[vector<16xi32>], vector<16xf32>,
      %mul3A_267 = arith.constant 16 : i32
      %mul3A_268 = arith.muli %scan3A_95, %mul3A_267 : i32
      %add3A_269 = vector.broadcast %mul3A_268 : i32 to vector<16xi32>
      %add3A_270 = arith.addi %add3A_269, %iota3A : vector<16xi32>
      tpu.vector_store_idx %arg18[%select_n3A_258], %add3A_270 : memref<2048xi32, #tpu.memory_space<vmem>>[vector<16xi32>], vector<16xi32>,
      %scan3A_271 = arith.constant 0 : i32
      scf.yield %scan3A_271 : i32
    }
    %scan3A_85 = arith.constant 128 : i32
    %broadcast_in_dim3A_86 = arith.constant -65536 : i32
    %broadcast_in_dim3A_87 = vector.broadcast %broadcast_in_dim3A_86 : i32 to vector<16xi32>
    %scan3A_88 = arith.constant 0 : i32
    %scan3A_89 = arith.constant 0 : i32
    %scan3A_90 = arith.constant 16 : i32
    %scan3A_91 = arith.addi %scan3A_89, %scan3A_90 : i32
    %scan3A_92 = arith.constant 1 : i32
    %scan3A_93 = scf.for %scan3A_95 = %scan3A_89 to %scan3A_91 step %scan3A_92 iter_args(%scan3A_96 = %scan3A_88) -> (i32)  : i32 {
      %mul3A_97 = arith.constant 16 : i32
      %mul3A_98 = arith.muli %scan3A_95, %mul3A_97 : i32
      %get3A = arith.index_cast %mul3A_98 : i32 to index
      %get3A_99 = tpu.vector_load %arg20[%get3A] {strides = array<i32>} : memref<256xf32, #tpu.memory_space<vmem>>, vector<16xf32>,
      %get3A_100 = arith.index_cast %mul3A_98 : i32 to index
      %get3A_101 = tpu.vector_load %arg21[%get3A_100] {strides = array<i32>} : memref<256xf32, #tpu.memory_space<vmem>>, vector<16xf32>,
      %get3A_102 = arith.index_cast %mul3A_98 : i32 to index
      %get3A_103 = tpu.vector_load %arg22[%get3A_102] {strides = array<i32>} : memref<256xf32, #tpu.memory_space<vmem>>, vector<16xf32>,
      %get3A_104 = arith.index_cast %mul3A_98 : i32 to index
      %get3A_105 = tpu.vector_load %arg23[%get3A_104] {strides = array<i32>} : memref<256xf32, #tpu.memory_space<vmem>>, vector<16xf32>,
      %get3A_106 = arith.index_cast %mul3A_98 : i32 to index
      %get3A_107 = tpu.vector_load %arg24[%get3A_106] {strides = array<i32>} : memref<256xi32, #tpu.memory_space<vmem>>, vector<16xi32>,
      %get3A_108 = arith.index_cast %mul3A_98 : i32 to index
      %get3A_109 = tpu.vector_load %arg25[%get3A_108] {strides = array<i32>} : memref<256xi32, #tpu.memory_space<vmem>>, vector<16xi32>,
      %broadcast_in_dim3A_110 = arith.constant 3.000000e+38 : f32
      %broadcast_in_dim3A_111 = vector.broadcast %broadcast_in_dim3A_110 : f32 to vector<16xf32>
      %broadcast_in_dim3A_112 = arith.constant 1073741824 : i32
      %broadcast_in_dim3A_113 = vector.broadcast %broadcast_in_dim3A_112 : i32 to vector<16xi32>
      %broadcast_in_dim3A_114 = arith.constant true
      %broadcast_in_dim3A_115 = vector.broadcast %broadcast_in_dim3A_114 : i1 to vector<16xi1>
      %mul3A_116 = arith.constant 2 : i32
      %mul3A_117 = arith.constant 2 : i32
      %mul3A_118 = arith.muli %mul3A_116, %mul3A_117 : i32
      %add3A_119 = arith.constant 1 : i32
      %add3A_120 = arith.addi %mul3A_118, %add3A_119 : i32
      %while3A = arith.constant 2 : i32
      %while3A_121 = arith.constant 0 : i32
      %while3A_122 = arith.subi %add3A_120, %while3A_121 : i32
      %while3A_123 = arith.addi %while3A_121, %while3A_122 : i32
      %while3A_124 = arith.constant 1 : i32
      %while3A_125 = arith.divsi %while3A_122, %while3A_124 : i32
      %while3A_126 = arith.muli %while3A_125, %while3A_124 : i32
      %while3A_127 = arith.addi %while3A_121, %while3A_126 : i32
      %while3A_128 = arith.constant 1 : i32
      %while3A_129:2 = scf.for %while3A_235 = %while3A_121 to %while3A_127 step %while3A_128 iter_args(%while3A_236 = %broadcast_in_dim3A_111, %while3A_237 = %broadcast_in_dim3A_113) -> (vector<16xf32>, vector<16xi32>)  : i32 {
        %sub3A_238 = vector.broadcast %while3A : i32 to vector<16xi32>
        %sub3A_239 = arith.subi %get3A_109, %sub3A_238 : vector<16xi32>
        %add3A_240 = vector.broadcast %while3A_235 : i32 to vector<16xi32>
        %add3A_241 = arith.addi %sub3A_239, %add3A_240 : vector<16xi32>
        %ge3A_242 = arith.constant 0 : i32
        %ge3A_243 = vector.broadcast %ge3A_242 : i32 to vector<16xi32>
        %ge3A_244 = arith.cmpi sge, %add3A_241, %ge3A_243 : vector<16xi32>
        %lt3A_245 = arith.constant 16 : i32
        %lt3A_246 = vector.broadcast %lt3A_245 : i32 to vector<16xi32>
        %lt3A_247 = arith.cmpi slt, %add3A_241, %lt3A_246 : vector<16xi32>
        %and3A_248 = arith.andi %ge3A_244, %lt3A_247 : vector<16xi1>
        %and3A_249 = arith.andi %and3A_248, %broadcast_in_dim3A_115 : vector<16xi1>
        %sub3A_250 = vector.broadcast %while3A : i32 to vector<16xi32>
        %sub3A_251 = arith.subi %get3A_107, %sub3A_250 : vector<16xi32>
        %max3A = arith.constant 0 : i32
        %max3A_252 = vector.broadcast %max3A : i32 to vector<16xi32>
        %max3A_253 = arith.maxsi %sub3A_251, %max3A_252 : vector<16xi32>
        %add3A_254 = vector.broadcast %while3A : i32 to vector<16xi32>
        %add3A_255 = arith.addi %get3A_107, %add3A_254 : vector<16xi32>
        %min3A_256 = arith.constant 15 : i32
        %min3A_257 = vector.broadcast %min3A_256 : i32 to vector<16xi32>
        %min3A_258 = arith.minsi %add3A_255, %min3A_257 : vector<16xi32>
        %mul3A_259 = arith.constant 16 : i32
        %mul3A_260 = vector.broadcast %mul3A_259 : i32 to vector<16xi32>
        %mul3A_261 = arith.muli %add3A_241, %mul3A_260 : vector<16xi32>
        %add3A_262 = arith.addi %mul3A_261, %max3A_253 : vector<16xi32>
        %jit3A = arith.constant 0 : i32
        %broadcast_in_dim3A_263 = vector.broadcast %jit3A : i32 to vector<16xi32>
        %select_n3A_264 = arith.select %and3A_249, %add3A_262, %broadcast_in_dim3A_263 : vector<16xi1>, vector<16xi32>
        %add3A_265 = arith.addi %mul3A_261, %min3A_258 : vector<16xi32>
        %add3A_266 = arith.constant 1 : i32
        %add3A_267 = vector.broadcast %add3A_266 : i32 to vector<16xi32>
        %add3A_268 = arith.addi %add3A_265, %add3A_267 : vector<16xi32>
        %jit3A_269 = arith.constant 0 : i32
        %broadcast_in_dim3A_270 = vector.broadcast %jit3A_269 : i32 to vector<16xi32>
        %select_n3A_271 = arith.select %and3A_249, %add3A_268, %broadcast_in_dim3A_270 : vector<16xi1>, vector<16xi32>
        %gather3A = tpu.vector_load_idx %arg19[%select_n3A_264] : memref<272xi32, #tpu.memory_space<vmem>>[vector<16xi32>], vector<16xi32>,
        %gather3A_272 = tpu.vector_load_idx %arg19[%select_n3A_271] : memref<272xi32, #tpu.memory_space<vmem>>[vector<16xi32>], vector<16xi32>,
        %jit3A_273 = arith.constant 0 : i32
        %broadcast_in_dim3A_274 = vector.broadcast %jit3A_273 : i32 to vector<16xi32>
        %select_n3A_275 = arith.select %and3A_249, %gather3A, %broadcast_in_dim3A_274 : vector<16xi1>, vector<16xi32>
        %jit3A_276 = arith.constant 0 : i32
        %broadcast_in_dim3A_277 = vector.broadcast %jit3A_276 : i32 to vector<16xi32>
        %select_n3A_278 = arith.select %and3A_249, %gather3A_272, %broadcast_in_dim3A_277 : vector<16xi1>, vector<16xi32>
        %broadcast_in_dim3A_279 = arith.constant 3.000000e+38 : f32
        %broadcast_in_dim3A_280 = vector.broadcast %broadcast_in_dim3A_279 : f32 to vector<16xf32>
        %broadcast_in_dim3A_281 = arith.constant 1073741824 : i32
        %broadcast_in_dim3A_282 = vector.broadcast %broadcast_in_dim3A_281 : i32 to vector<16xi32>
        %while3A_283:3 = scf.while (%while3A_284 = %select_n3A_275, %while3A_285 = %while3A_236, %while3A_286 = %while3A_237) : (vector<16xi32>, vector<16xf32>, vector<16xi32>) -> (vector<16xi32>, vector<16xf32>, vector<16xi32>) {
          %lt3A_287 = arith.cmpi slt, %while3A_284, %select_n3A_278 : vector<16xi32>
          %reduce_or3A = arith.constant 1.000000e+00 : f32
          %reduce_or3A_288 = arith.constant 0.000000e+00 : f32
          %reduce_or3A_289 = vector.broadcast %reduce_or3A : f32 to vector<16xf32>
          %reduce_or3A_290 = vector.broadcast %reduce_or3A_288 : f32 to vector<16xf32>
          %reduce_or3A_291 = arith.select %lt3A_287, %reduce_or3A_289, %reduce_or3A_290 : vector<16xi1>, vector<16xf32>
          %reduce_or3A_292 = arith.constant true
          %reduce_or3A_293 = vector.broadcast %reduce_or3A_292 : i1 to vector<16xi1>
          %reduce_or3A_294 = tpu.scan <max>, %reduce_or3A_291 masked %reduce_or3A_293 : vector<16xf32>, vector<16xi1> -> vector<16xf32>
          %reduce_or3A_295 = vector.extract %reduce_or3A_294[15] : f32 from vector<16xf32>
          %reduce_or3A_296 = arith.constant 0.000000e+00 : f32
          %reduce_or3A_297 = arith.cmpf ogt, %reduce_or3A_295, %reduce_or3A_296 : f32
          scf.condition(%reduce_or3A_297) %while3A_284, %while3A_285, %while3A_286 : vector<16xi32>, vector<16xf32>, vector<16xi32>
        } do {
        ^bb0(%while3A_284: vector<16xi32>, %while3A_285: vector<16xf32>, %while3A_286: vector<16xi32>):
          %add3A_287 = arith.constant 0 : i32
          %add3A_288 = vector.broadcast %add3A_287 : i32 to vector<16xi32>
          %add3A_289 = arith.addi %while3A_284, %add3A_288 : vector<16xi32>
          %lt3A_290 = arith.cmpi slt, %add3A_289, %select_n3A_278 : vector<16xi32>
          %jit3A_291 = arith.constant 0 : i32
          %broadcast_in_dim3A_292 = vector.broadcast %jit3A_291 : i32 to vector<16xi32>
          %select_n3A_293 = arith.select %lt3A_290, %add3A_289, %broadcast_in_dim3A_292 : vector<16xi1>, vector<16xi32>
          %gather3A_294 = tpu.vector_load_idx %arg16[%select_n3A_293] : memref<2048xi32, #tpu.memory_space<vmem>>[vector<16xi32>], vector<16xi32>,
          %gather3A_295 = tpu.vector_load_idx %arg17[%select_n3A_293] : memref<2048xf32, #tpu.memory_space<vmem>>[vector<16xi32>], vector<16xf32>,
          %gather3A_296 = tpu.vector_load_idx %arg18[%select_n3A_293] : memref<2048xi32, #tpu.memory_space<vmem>>[vector<16xi32>], vector<16xi32>,
          %and3A_297 = arith.andi %gather3A_294, %broadcast_in_dim3A_87 : vector<16xi32>
          %bitcast3A = vector.bitcast %and3A_297 : vector<16xi32> to vector<16xf32>
          %shift_left3A = arith.constant 16 : i32
          %shift_left3A_298 = vector.broadcast %shift_left3A : i32 to vector<16xi32>
          %shift_left3A_299 = arith.shli %gather3A_294, %shift_left3A_298 : vector<16xi32>
          %bitcast3A_300 = vector.bitcast %shift_left3A_299 : vector<16xi32> to vector<16xf32>
          %mul3A_301 = arith.mulf %bitcast3A, %get3A_99 : vector<16xf32>
          %mul3A_302 = arith.mulf %bitcast3A_300, %get3A_101 : vector<16xf32>
          %add3A_303 = arith.addf %mul3A_301, %mul3A_302 : vector<16xf32>
          %mul3A_304 = arith.constant 2.000000e+00 : f32
          %mul3A_305 = vector.broadcast %mul3A_304 : f32 to vector<16xf32>
          %mul3A_306 = arith.mulf %mul3A_305, %add3A_303 : vector<16xf32>
          %sub3A_307 = arith.subf %gather3A_295, %mul3A_306 : vector<16xf32>
          %add3A_308 = arith.addf %sub3A_307, %get3A_103 : vector<16xf32>
          %max3A_309 = arith.constant 0.000000e+00 : f32
          %max3A_310 = vector.broadcast %max3A_309 : f32 to vector<16xf32>
          %max3A_311 = arith.maximumf %add3A_308, %max3A_310 : vector<16xf32>
          %add3A_312 = arith.constant 9.99999996E-13 : f32
          %add3A_313 = vector.broadcast %add3A_312 : f32 to vector<16xf32>
          %add3A_314 = arith.addf %max3A_311, %add3A_313 : vector<16xf32>
          %select_n3A_315 = arith.select %lt3A_290, %add3A_314, %broadcast_in_dim3A_280 : vector<16xi1>, vector<16xf32>
          %select_n3A_316 = arith.select %lt3A_290, %gather3A_296, %broadcast_in_dim3A_282 : vector<16xi1>, vector<16xi32>
          %add3A_317 = arith.constant 1 : i32
          %add3A_318 = vector.broadcast %add3A_317 : i32 to vector<16xi32>
          %add3A_319 = arith.addi %while3A_284, %add3A_318 : vector<16xi32>
          %lt3A_320 = arith.cmpi slt, %add3A_319, %select_n3A_278 : vector<16xi32>
          %jit3A_321 = arith.constant 0 : i32
          %broadcast_in_dim3A_322 = vector.broadcast %jit3A_321 : i32 to vector<16xi32>
          %select_n3A_323 = arith.select %lt3A_320, %add3A_319, %broadcast_in_dim3A_322 : vector<16xi1>, vector<16xi32>
          %gather3A_324 = tpu.vector_load_idx %arg16[%select_n3A_323] : memref<2048xi32, #tpu.memory_space<vmem>>[vector<16xi32>], vector<16xi32>,
          %gather3A_325 = tpu.vector_load_idx %arg17[%select_n3A_323] : memref<2048xf32, #tpu.memory_space<vmem>>[vector<16xi32>], vector<16xf32>,
          %gather3A_326 = tpu.vector_load_idx %arg18[%select_n3A_323] : memref<2048xi32, #tpu.memory_space<vmem>>[vector<16xi32>], vector<16xi32>,
          %and3A_327 = arith.andi %gather3A_324, %broadcast_in_dim3A_87 : vector<16xi32>
          %bitcast3A_328 = vector.bitcast %and3A_327 : vector<16xi32> to vector<16xf32>
          %shift_left3A_329 = arith.constant 16 : i32
          %shift_left3A_330 = vector.broadcast %shift_left3A_329 : i32 to vector<16xi32>
          %shift_left3A_331 = arith.shli %gather3A_324, %shift_left3A_330 : vector<16xi32>
          %bitcast3A_332 = vector.bitcast %shift_left3A_331 : vector<16xi32> to vector<16xf32>
          %mul3A_333 = arith.mulf %bitcast3A_328, %get3A_99 : vector<16xf32>
          %mul3A_334 = arith.mulf %bitcast3A_332, %get3A_101 : vector<16xf32>
          %add3A_335 = arith.addf %mul3A_333, %mul3A_334 : vector<16xf32>
          %mul3A_336 = arith.constant 2.000000e+00 : f32
          %mul3A_337 = vector.broadcast %mul3A_336 : f32 to vector<16xf32>
          %mul3A_338 = arith.mulf %mul3A_337, %add3A_335 : vector<16xf32>
          %sub3A_339 = arith.subf %gather3A_325, %mul3A_338 : vector<16xf32>
          %add3A_340 = arith.addf %sub3A_339, %get3A_103 : vector<16xf32>
          %max3A_341 = arith.constant 0.000000e+00 : f32
          %max3A_342 = vector.broadcast %max3A_341 : f32 to vector<16xf32>
          %max3A_343 = arith.maximumf %add3A_340, %max3A_342 : vector<16xf32>
          %add3A_344 = arith.constant 9.99999996E-13 : f32
          %add3A_345 = vector.broadcast %add3A_344 : f32 to vector<16xf32>
          %add3A_346 = arith.addf %max3A_343, %add3A_345 : vector<16xf32>
          %select_n3A_347 = arith.select %lt3A_320, %add3A_346, %broadcast_in_dim3A_280 : vector<16xi1>, vector<16xf32>
          %select_n3A_348 = arith.select %lt3A_320, %gather3A_326, %broadcast_in_dim3A_282 : vector<16xi1>, vector<16xi32>
          %add3A_349 = arith.constant 2 : i32
          %add3A_350 = vector.broadcast %add3A_349 : i32 to vector<16xi32>
          %add3A_351 = arith.addi %while3A_284, %add3A_350 : vector<16xi32>
          %lt3A_352 = arith.cmpi slt, %add3A_351, %select_n3A_278 : vector<16xi32>
          %jit3A_353 = arith.constant 0 : i32
          %broadcast_in_dim3A_354 = vector.broadcast %jit3A_353 : i32 to vector<16xi32>
          %select_n3A_355 = arith.select %lt3A_352, %add3A_351, %broadcast_in_dim3A_354 : vector<16xi1>, vector<16xi32>
          %gather3A_356 = tpu.vector_load_idx %arg16[%select_n3A_355] : memref<2048xi32, #tpu.memory_space<vmem>>[vector<16xi32>], vector<16xi32>,
          %gather3A_357 = tpu.vector_load_idx %arg17[%select_n3A_355] : memref<2048xf32, #tpu.memory_space<vmem>>[vector<16xi32>], vector<16xf32>,
          %gather3A_358 = tpu.vector_load_idx %arg18[%select_n3A_355] : memref<2048xi32, #tpu.memory_space<vmem>>[vector<16xi32>], vector<16xi32>,
          %and3A_359 = arith.andi %gather3A_356, %broadcast_in_dim3A_87 : vector<16xi32>
          %bitcast3A_360 = vector.bitcast %and3A_359 : vector<16xi32> to vector<16xf32>
          %shift_left3A_361 = arith.constant 16 : i32
          %shift_left3A_362 = vector.broadcast %shift_left3A_361 : i32 to vector<16xi32>
          %shift_left3A_363 = arith.shli %gather3A_356, %shift_left3A_362 : vector<16xi32>
          %bitcast3A_364 = vector.bitcast %shift_left3A_363 : vector<16xi32> to vector<16xf32>
          %mul3A_365 = arith.mulf %bitcast3A_360, %get3A_99 : vector<16xf32>
          %mul3A_366 = arith.mulf %bitcast3A_364, %get3A_101 : vector<16xf32>
          %add3A_367 = arith.addf %mul3A_365, %mul3A_366 : vector<16xf32>
          %mul3A_368 = arith.constant 2.000000e+00 : f32
          %mul3A_369 = vector.broadcast %mul3A_368 : f32 to vector<16xf32>
          %mul3A_370 = arith.mulf %mul3A_369, %add3A_367 : vector<16xf32>
          %sub3A_371 = arith.subf %gather3A_357, %mul3A_370 : vector<16xf32>
          %add3A_372 = arith.addf %sub3A_371, %get3A_103 : vector<16xf32>
          %max3A_373 = arith.constant 0.000000e+00 : f32
          %max3A_374 = vector.broadcast %max3A_373 : f32 to vector<16xf32>
          %max3A_375 = arith.maximumf %add3A_372, %max3A_374 : vector<16xf32>
          %add3A_376 = arith.constant 9.99999996E-13 : f32
          %add3A_377 = vector.broadcast %add3A_376 : f32 to vector<16xf32>
          %add3A_378 = arith.addf %max3A_375, %add3A_377 : vector<16xf32>
          %select_n3A_379 = arith.select %lt3A_352, %add3A_378, %broadcast_in_dim3A_280 : vector<16xi1>, vector<16xf32>
          %select_n3A_380 = arith.select %lt3A_352, %gather3A_358, %broadcast_in_dim3A_282 : vector<16xi1>, vector<16xi32>
          %add3A_381 = arith.constant 3 : i32
          %add3A_382 = vector.broadcast %add3A_381 : i32 to vector<16xi32>
          %add3A_383 = arith.addi %while3A_284, %add3A_382 : vector<16xi32>
          %lt3A_384 = arith.cmpi slt, %add3A_383, %select_n3A_278 : vector<16xi32>
          %jit3A_385 = arith.constant 0 : i32
          %broadcast_in_dim3A_386 = vector.broadcast %jit3A_385 : i32 to vector<16xi32>
          %select_n3A_387 = arith.select %lt3A_384, %add3A_383, %broadcast_in_dim3A_386 : vector<16xi1>, vector<16xi32>
          %gather3A_388 = tpu.vector_load_idx %arg16[%select_n3A_387] : memref<2048xi32, #tpu.memory_space<vmem>>[vector<16xi32>], vector<16xi32>,
          %gather3A_389 = tpu.vector_load_idx %arg17[%select_n3A_387] : memref<2048xf32, #tpu.memory_space<vmem>>[vector<16xi32>], vector<16xf32>,
          %gather3A_390 = tpu.vector_load_idx %arg18[%select_n3A_387] : memref<2048xi32, #tpu.memory_space<vmem>>[vector<16xi32>], vector<16xi32>,
          %and3A_391 = arith.andi %gather3A_388, %broadcast_in_dim3A_87 : vector<16xi32>
          %bitcast3A_392 = vector.bitcast %and3A_391 : vector<16xi32> to vector<16xf32>
          %shift_left3A_393 = arith.constant 16 : i32
          %shift_left3A_394 = vector.broadcast %shift_left3A_393 : i32 to vector<16xi32>
          %shift_left3A_395 = arith.shli %gather3A_388, %shift_left3A_394 : vector<16xi32>
          %bitcast3A_396 = vector.bitcast %shift_left3A_395 : vector<16xi32> to vector<16xf32>
          %mul3A_397 = arith.mulf %bitcast3A_392, %get3A_99 : vector<16xf32>
          %mul3A_398 = arith.mulf %bitcast3A_396, %get3A_101 : vector<16xf32>
          %add3A_399 = arith.addf %mul3A_397, %mul3A_398 : vector<16xf32>
          %mul3A_400 = arith.constant 2.000000e+00 : f32
          %mul3A_401 = vector.broadcast %mul3A_400 : f32 to vector<16xf32>
          %mul3A_402 = arith.mulf %mul3A_401, %add3A_399 : vector<16xf32>
          %sub3A_403 = arith.subf %gather3A_389, %mul3A_402 : vector<16xf32>
          %add3A_404 = arith.addf %sub3A_403, %get3A_103 : vector<16xf32>
          %max3A_405 = arith.constant 0.000000e+00 : f32
          %max3A_406 = vector.broadcast %max3A_405 : f32 to vector<16xf32>
          %max3A_407 = arith.maximumf %add3A_404, %max3A_406 : vector<16xf32>
          %add3A_408 = arith.constant 9.99999996E-13 : f32
          %add3A_409 = vector.broadcast %add3A_408 : f32 to vector<16xf32>
          %add3A_410 = arith.addf %max3A_407, %add3A_409 : vector<16xf32>
          %select_n3A_411 = arith.select %lt3A_384, %add3A_410, %broadcast_in_dim3A_280 : vector<16xi1>, vector<16xf32>
          %select_n3A_412 = arith.select %lt3A_384, %gather3A_390, %broadcast_in_dim3A_282 : vector<16xi1>, vector<16xi32>
          %lt3A_413 = arith.cmpf olt, %select_n3A_347, %select_n3A_315 : vector<16xf32>
          %eq3A_414 = arith.cmpf oeq, %select_n3A_347, %select_n3A_315 : vector<16xf32>
          %lt3A_415 = arith.cmpi slt, %select_n3A_348, %select_n3A_316 : vector<16xi32>
          %and3A_416 = arith.andi %eq3A_414, %lt3A_415 : vector<16xi1>
          %or3A_417 = arith.ori %lt3A_413, %and3A_416 : vector<16xi1>
          %select_n3A_418 = arith.select %or3A_417, %select_n3A_347, %select_n3A_315 : vector<16xi1>, vector<16xf32>
          %select_n3A_419 = arith.select %or3A_417, %select_n3A_348, %select_n3A_316 : vector<16xi1>, vector<16xi32>
          %lt3A_420 = arith.cmpf olt, %select_n3A_411, %select_n3A_379 : vector<16xf32>
          %eq3A_421 = arith.cmpf oeq, %select_n3A_411, %select_n3A_379 : vector<16xf32>
          %lt3A_422 = arith.cmpi slt, %select_n3A_412, %select_n3A_380 : vector<16xi32>
          %and3A_423 = arith.andi %eq3A_421, %lt3A_422 : vector<16xi1>
          %or3A_424 = arith.ori %lt3A_420, %and3A_423 : vector<16xi1>
          %select_n3A_425 = arith.select %or3A_424, %select_n3A_411, %select_n3A_379 : vector<16xi1>, vector<16xf32>
          %select_n3A_426 = arith.select %or3A_424, %select_n3A_412, %select_n3A_380 : vector<16xi1>, vector<16xi32>
          %lt3A_427 = arith.cmpf olt, %select_n3A_425, %select_n3A_418 : vector<16xf32>
          %eq3A_428 = arith.cmpf oeq, %select_n3A_425, %select_n3A_418 : vector<16xf32>
          %lt3A_429 = arith.cmpi slt, %select_n3A_426, %select_n3A_419 : vector<16xi32>
          %and3A_430 = arith.andi %eq3A_428, %lt3A_429 : vector<16xi1>
          %or3A_431 = arith.ori %lt3A_427, %and3A_430 : vector<16xi1>
          %select_n3A_432 = arith.select %or3A_431, %select_n3A_425, %select_n3A_418 : vector<16xi1>, vector<16xf32>
          %select_n3A_433 = arith.select %or3A_431, %select_n3A_426, %select_n3A_419 : vector<16xi1>, vector<16xi32>
          %lt3A_434 = arith.cmpf olt, %select_n3A_432, %while3A_285 : vector<16xf32>
          %eq3A_435 = arith.cmpf oeq, %select_n3A_432, %while3A_285 : vector<16xf32>
          %lt3A_436 = arith.cmpi slt, %select_n3A_433, %while3A_286 : vector<16xi32>
          %and3A_437 = arith.andi %eq3A_435, %lt3A_436 : vector<16xi1>
          %or3A_438 = arith.ori %lt3A_434, %and3A_437 : vector<16xi1>
          %select_n3A_439 = arith.select %or3A_438, %select_n3A_432, %while3A_285 : vector<16xi1>, vector<16xf32>
          %select_n3A_440 = arith.select %or3A_438, %select_n3A_433, %while3A_286 : vector<16xi1>, vector<16xi32>
          %add3A_441 = arith.constant 4 : i32
          %add3A_442 = vector.broadcast %add3A_441 : i32 to vector<16xi32>
          %add3A_443 = arith.addi %while3A_284, %add3A_442 : vector<16xi32>
          %min3A_444 = arith.minsi %add3A_443, %select_n3A_278 : vector<16xi32>
          scf.yield %min3A_444, %select_n3A_439, %select_n3A_440 : vector<16xi32>, vector<16xf32>, vector<16xi32>
        }
        scf.yield %while3A_283#1, %while3A_283#2 : vector<16xf32>, vector<16xi32>
      }
      %while3A_130 = arith.constant 1 : i32
      %while3A_131:2 = scf.for %while3A_235 = %while3A_127 to %while3A_123 step %while3A_130 iter_args(%while3A_236 = %while3A_129#0, %while3A_237 = %while3A_129#1) -> (vector<16xf32>, vector<16xi32>)  : i32 {
        %sub3A_238 = vector.broadcast %while3A : i32 to vector<16xi32>
        %sub3A_239 = arith.subi %get3A_109, %sub3A_238 : vector<16xi32>
        %add3A_240 = vector.broadcast %while3A_235 : i32 to vector<16xi32>
        %add3A_241 = arith.addi %sub3A_239, %add3A_240 : vector<16xi32>
        %ge3A_242 = arith.constant 0 : i32
        %ge3A_243 = vector.broadcast %ge3A_242 : i32 to vector<16xi32>
        %ge3A_244 = arith.cmpi sge, %add3A_241, %ge3A_243 : vector<16xi32>
        %lt3A_245 = arith.constant 16 : i32
        %lt3A_246 = vector.broadcast %lt3A_245 : i32 to vector<16xi32>
        %lt3A_247 = arith.cmpi slt, %add3A_241, %lt3A_246 : vector<16xi32>
        %and3A_248 = arith.andi %ge3A_244, %lt3A_247 : vector<16xi1>
        %and3A_249 = arith.andi %and3A_248, %broadcast_in_dim3A_115 : vector<16xi1>
        %sub3A_250 = vector.broadcast %while3A : i32 to vector<16xi32>
        %sub3A_251 = arith.subi %get3A_107, %sub3A_250 : vector<16xi32>
        %max3A = arith.constant 0 : i32
        %max3A_252 = vector.broadcast %max3A : i32 to vector<16xi32>
        %max3A_253 = arith.maxsi %sub3A_251, %max3A_252 : vector<16xi32>
        %add3A_254 = vector.broadcast %while3A : i32 to vector<16xi32>
        %add3A_255 = arith.addi %get3A_107, %add3A_254 : vector<16xi32>
        %min3A_256 = arith.constant 15 : i32
        %min3A_257 = vector.broadcast %min3A_256 : i32 to vector<16xi32>
        %min3A_258 = arith.minsi %add3A_255, %min3A_257 : vector<16xi32>
        %mul3A_259 = arith.constant 16 : i32
        %mul3A_260 = vector.broadcast %mul3A_259 : i32 to vector<16xi32>
        %mul3A_261 = arith.muli %add3A_241, %mul3A_260 : vector<16xi32>
        %add3A_262 = arith.addi %mul3A_261, %max3A_253 : vector<16xi32>
        %jit3A = arith.constant 0 : i32
        %broadcast_in_dim3A_263 = vector.broadcast %jit3A : i32 to vector<16xi32>
        %select_n3A_264 = arith.select %and3A_249, %add3A_262, %broadcast_in_dim3A_263 : vector<16xi1>, vector<16xi32>
        %add3A_265 = arith.addi %mul3A_261, %min3A_258 : vector<16xi32>
        %add3A_266 = arith.constant 1 : i32
        %add3A_267 = vector.broadcast %add3A_266 : i32 to vector<16xi32>
        %add3A_268 = arith.addi %add3A_265, %add3A_267 : vector<16xi32>
        %jit3A_269 = arith.constant 0 : i32
        %broadcast_in_dim3A_270 = vector.broadcast %jit3A_269 : i32 to vector<16xi32>
        %select_n3A_271 = arith.select %and3A_249, %add3A_268, %broadcast_in_dim3A_270 : vector<16xi1>, vector<16xi32>
        %gather3A = tpu.vector_load_idx %arg19[%select_n3A_264] : memref<272xi32, #tpu.memory_space<vmem>>[vector<16xi32>], vector<16xi32>,
        %gather3A_272 = tpu.vector_load_idx %arg19[%select_n3A_271] : memref<272xi32, #tpu.memory_space<vmem>>[vector<16xi32>], vector<16xi32>,
        %jit3A_273 = arith.constant 0 : i32
        %broadcast_in_dim3A_274 = vector.broadcast %jit3A_273 : i32 to vector<16xi32>
        %select_n3A_275 = arith.select %and3A_249, %gather3A, %broadcast_in_dim3A_274 : vector<16xi1>, vector<16xi32>
        %jit3A_276 = arith.constant 0 : i32
        %broadcast_in_dim3A_277 = vector.broadcast %jit3A_276 : i32 to vector<16xi32>
        %select_n3A_278 = arith.select %and3A_249, %gather3A_272, %broadcast_in_dim3A_277 : vector<16xi1>, vector<16xi32>
        %broadcast_in_dim3A_279 = arith.constant 3.000000e+38 : f32
        %broadcast_in_dim3A_280 = vector.broadcast %broadcast_in_dim3A_279 : f32 to vector<16xf32>
        %broadcast_in_dim3A_281 = arith.constant 1073741824 : i32
        %broadcast_in_dim3A_282 = vector.broadcast %broadcast_in_dim3A_281 : i32 to vector<16xi32>
        %while3A_283:3 = scf.while (%while3A_284 = %select_n3A_275, %while3A_285 = %while3A_236, %while3A_286 = %while3A_237) : (vector<16xi32>, vector<16xf32>, vector<16xi32>) -> (vector<16xi32>, vector<16xf32>, vector<16xi32>) {
          %lt3A_287 = arith.cmpi slt, %while3A_284, %select_n3A_278 : vector<16xi32>
          %reduce_or3A = arith.constant 1.000000e+00 : f32
          %reduce_or3A_288 = arith.constant 0.000000e+00 : f32
          %reduce_or3A_289 = vector.broadcast %reduce_or3A : f32 to vector<16xf32>
          %reduce_or3A_290 = vector.broadcast %reduce_or3A_288 : f32 to vector<16xf32>
          %reduce_or3A_291 = arith.select %lt3A_287, %reduce_or3A_289, %reduce_or3A_290 : vector<16xi1>, vector<16xf32>
          %reduce_or3A_292 = arith.constant true
          %reduce_or3A_293 = vector.broadcast %reduce_or3A_292 : i1 to vector<16xi1>
          %reduce_or3A_294 = tpu.scan <max>, %reduce_or3A_291 masked %reduce_or3A_293 : vector<16xf32>, vector<16xi1> -> vector<16xf32>
          %reduce_or3A_295 = vector.extract %reduce_or3A_294[15] : f32 from vector<16xf32>
          %reduce_or3A_296 = arith.constant 0.000000e+00 : f32
          %reduce_or3A_297 = arith.cmpf ogt, %reduce_or3A_295, %reduce_or3A_296 : f32
          scf.condition(%reduce_or3A_297) %while3A_284, %while3A_285, %while3A_286 : vector<16xi32>, vector<16xf32>, vector<16xi32>
        } do {
        ^bb0(%while3A_284: vector<16xi32>, %while3A_285: vector<16xf32>, %while3A_286: vector<16xi32>):
          %add3A_287 = arith.constant 0 : i32
          %add3A_288 = vector.broadcast %add3A_287 : i32 to vector<16xi32>
          %add3A_289 = arith.addi %while3A_284, %add3A_288 : vector<16xi32>
          %lt3A_290 = arith.cmpi slt, %add3A_289, %select_n3A_278 : vector<16xi32>
          %jit3A_291 = arith.constant 0 : i32
          %broadcast_in_dim3A_292 = vector.broadcast %jit3A_291 : i32 to vector<16xi32>
          %select_n3A_293 = arith.select %lt3A_290, %add3A_289, %broadcast_in_dim3A_292 : vector<16xi1>, vector<16xi32>
          %gather3A_294 = tpu.vector_load_idx %arg16[%select_n3A_293] : memref<2048xi32, #tpu.memory_space<vmem>>[vector<16xi32>], vector<16xi32>,
          %gather3A_295 = tpu.vector_load_idx %arg17[%select_n3A_293] : memref<2048xf32, #tpu.memory_space<vmem>>[vector<16xi32>], vector<16xf32>,
          %gather3A_296 = tpu.vector_load_idx %arg18[%select_n3A_293] : memref<2048xi32, #tpu.memory_space<vmem>>[vector<16xi32>], vector<16xi32>,
          %and3A_297 = arith.andi %gather3A_294, %broadcast_in_dim3A_87 : vector<16xi32>
          %bitcast3A = vector.bitcast %and3A_297 : vector<16xi32> to vector<16xf32>
          %shift_left3A = arith.constant 16 : i32
          %shift_left3A_298 = vector.broadcast %shift_left3A : i32 to vector<16xi32>
          %shift_left3A_299 = arith.shli %gather3A_294, %shift_left3A_298 : vector<16xi32>
          %bitcast3A_300 = vector.bitcast %shift_left3A_299 : vector<16xi32> to vector<16xf32>
          %mul3A_301 = arith.mulf %bitcast3A, %get3A_99 : vector<16xf32>
          %mul3A_302 = arith.mulf %bitcast3A_300, %get3A_101 : vector<16xf32>
          %add3A_303 = arith.addf %mul3A_301, %mul3A_302 : vector<16xf32>
          %mul3A_304 = arith.constant 2.000000e+00 : f32
          %mul3A_305 = vector.broadcast %mul3A_304 : f32 to vector<16xf32>
          %mul3A_306 = arith.mulf %mul3A_305, %add3A_303 : vector<16xf32>
          %sub3A_307 = arith.subf %gather3A_295, %mul3A_306 : vector<16xf32>
          %add3A_308 = arith.addf %sub3A_307, %get3A_103 : vector<16xf32>
          %max3A_309 = arith.constant 0.000000e+00 : f32
          %max3A_310 = vector.broadcast %max3A_309 : f32 to vector<16xf32>
          %max3A_311 = arith.maximumf %add3A_308, %max3A_310 : vector<16xf32>
          %add3A_312 = arith.constant 9.99999996E-13 : f32
          %add3A_313 = vector.broadcast %add3A_312 : f32 to vector<16xf32>
          %add3A_314 = arith.addf %max3A_311, %add3A_313 : vector<16xf32>
          %select_n3A_315 = arith.select %lt3A_290, %add3A_314, %broadcast_in_dim3A_280 : vector<16xi1>, vector<16xf32>
          %select_n3A_316 = arith.select %lt3A_290, %gather3A_296, %broadcast_in_dim3A_282 : vector<16xi1>, vector<16xi32>
          %add3A_317 = arith.constant 1 : i32
          %add3A_318 = vector.broadcast %add3A_317 : i32 to vector<16xi32>
          %add3A_319 = arith.addi %while3A_284, %add3A_318 : vector<16xi32>
          %lt3A_320 = arith.cmpi slt, %add3A_319, %select_n3A_278 : vector<16xi32>
          %jit3A_321 = arith.constant 0 : i32
          %broadcast_in_dim3A_322 = vector.broadcast %jit3A_321 : i32 to vector<16xi32>
          %select_n3A_323 = arith.select %lt3A_320, %add3A_319, %broadcast_in_dim3A_322 : vector<16xi1>, vector<16xi32>
          %gather3A_324 = tpu.vector_load_idx %arg16[%select_n3A_323] : memref<2048xi32, #tpu.memory_space<vmem>>[vector<16xi32>], vector<16xi32>,
          %gather3A_325 = tpu.vector_load_idx %arg17[%select_n3A_323] : memref<2048xf32, #tpu.memory_space<vmem>>[vector<16xi32>], vector<16xf32>,
          %gather3A_326 = tpu.vector_load_idx %arg18[%select_n3A_323] : memref<2048xi32, #tpu.memory_space<vmem>>[vector<16xi32>], vector<16xi32>,
          %and3A_327 = arith.andi %gather3A_324, %broadcast_in_dim3A_87 : vector<16xi32>
          %bitcast3A_328 = vector.bitcast %and3A_327 : vector<16xi32> to vector<16xf32>
          %shift_left3A_329 = arith.constant 16 : i32
          %shift_left3A_330 = vector.broadcast %shift_left3A_329 : i32 to vector<16xi32>
          %shift_left3A_331 = arith.shli %gather3A_324, %shift_left3A_330 : vector<16xi32>
          %bitcast3A_332 = vector.bitcast %shift_left3A_331 : vector<16xi32> to vector<16xf32>
          %mul3A_333 = arith.mulf %bitcast3A_328, %get3A_99 : vector<16xf32>
          %mul3A_334 = arith.mulf %bitcast3A_332, %get3A_101 : vector<16xf32>
          %add3A_335 = arith.addf %mul3A_333, %mul3A_334 : vector<16xf32>
          %mul3A_336 = arith.constant 2.000000e+00 : f32
          %mul3A_337 = vector.broadcast %mul3A_336 : f32 to vector<16xf32>
          %mul3A_338 = arith.mulf %mul3A_337, %add3A_335 : vector<16xf32>
          %sub3A_339 = arith.subf %gather3A_325, %mul3A_338 : vector<16xf32>
          %add3A_340 = arith.addf %sub3A_339, %get3A_103 : vector<16xf32>
          %max3A_341 = arith.constant 0.000000e+00 : f32
          %max3A_342 = vector.broadcast %max3A_341 : f32 to vector<16xf32>
          %max3A_343 = arith.maximumf %add3A_340, %max3A_342 : vector<16xf32>
          %add3A_344 = arith.constant 9.99999996E-13 : f32
          %add3A_345 = vector.broadcast %add3A_344 : f32 to vector<16xf32>
          %add3A_346 = arith.addf %max3A_343, %add3A_345 : vector<16xf32>
          %select_n3A_347 = arith.select %lt3A_320, %add3A_346, %broadcast_in_dim3A_280 : vector<16xi1>, vector<16xf32>
          %select_n3A_348 = arith.select %lt3A_320, %gather3A_326, %broadcast_in_dim3A_282 : vector<16xi1>, vector<16xi32>
          %add3A_349 = arith.constant 2 : i32
          %add3A_350 = vector.broadcast %add3A_349 : i32 to vector<16xi32>
          %add3A_351 = arith.addi %while3A_284, %add3A_350 : vector<16xi32>
          %lt3A_352 = arith.cmpi slt, %add3A_351, %select_n3A_278 : vector<16xi32>
          %jit3A_353 = arith.constant 0 : i32
          %broadcast_in_dim3A_354 = vector.broadcast %jit3A_353 : i32 to vector<16xi32>
          %select_n3A_355 = arith.select %lt3A_352, %add3A_351, %broadcast_in_dim3A_354 : vector<16xi1>, vector<16xi32>
          %gather3A_356 = tpu.vector_load_idx %arg16[%select_n3A_355] : memref<2048xi32, #tpu.memory_space<vmem>>[vector<16xi32>], vector<16xi32>,
          %gather3A_357 = tpu.vector_load_idx %arg17[%select_n3A_355] : memref<2048xf32, #tpu.memory_space<vmem>>[vector<16xi32>], vector<16xf32>,
          %gather3A_358 = tpu.vector_load_idx %arg18[%select_n3A_355] : memref<2048xi32, #tpu.memory_space<vmem>>[vector<16xi32>], vector<16xi32>,
          %and3A_359 = arith.andi %gather3A_356, %broadcast_in_dim3A_87 : vector<16xi32>
          %bitcast3A_360 = vector.bitcast %and3A_359 : vector<16xi32> to vector<16xf32>
          %shift_left3A_361 = arith.constant 16 : i32
          %shift_left3A_362 = vector.broadcast %shift_left3A_361 : i32 to vector<16xi32>
          %shift_left3A_363 = arith.shli %gather3A_356, %shift_left3A_362 : vector<16xi32>
          %bitcast3A_364 = vector.bitcast %shift_left3A_363 : vector<16xi32> to vector<16xf32>
          %mul3A_365 = arith.mulf %bitcast3A_360, %get3A_99 : vector<16xf32>
          %mul3A_366 = arith.mulf %bitcast3A_364, %get3A_101 : vector<16xf32>
          %add3A_367 = arith.addf %mul3A_365, %mul3A_366 : vector<16xf32>
          %mul3A_368 = arith.constant 2.000000e+00 : f32
          %mul3A_369 = vector.broadcast %mul3A_368 : f32 to vector<16xf32>
          %mul3A_370 = arith.mulf %mul3A_369, %add3A_367 : vector<16xf32>
          %sub3A_371 = arith.subf %gather3A_357, %mul3A_370 : vector<16xf32>
          %add3A_372 = arith.addf %sub3A_371, %get3A_103 : vector<16xf32>
          %max3A_373 = arith.constant 0.000000e+00 : f32
          %max3A_374 = vector.broadcast %max3A_373 : f32 to vector<16xf32>
          %max3A_375 = arith.maximumf %add3A_372, %max3A_374 : vector<16xf32>
          %add3A_376 = arith.constant 9.99999996E-13 : f32
          %add3A_377 = vector.broadcast %add3A_376 : f32 to vector<16xf32>
          %add3A_378 = arith.addf %max3A_375, %add3A_377 : vector<16xf32>
          %select_n3A_379 = arith.select %lt3A_352, %add3A_378, %broadcast_in_dim3A_280 : vector<16xi1>, vector<16xf32>
          %select_n3A_380 = arith.select %lt3A_352, %gather3A_358, %broadcast_in_dim3A_282 : vector<16xi1>, vector<16xi32>
          %add3A_381 = arith.constant 3 : i32
          %add3A_382 = vector.broadcast %add3A_381 : i32 to vector<16xi32>
          %add3A_383 = arith.addi %while3A_284, %add3A_382 : vector<16xi32>
          %lt3A_384 = arith.cmpi slt, %add3A_383, %select_n3A_278 : vector<16xi32>
          %jit3A_385 = arith.constant 0 : i32
          %broadcast_in_dim3A_386 = vector.broadcast %jit3A_385 : i32 to vector<16xi32>
          %select_n3A_387 = arith.select %lt3A_384, %add3A_383, %broadcast_in_dim3A_386 : vector<16xi1>, vector<16xi32>
          %gather3A_388 = tpu.vector_load_idx %arg16[%select_n3A_387] : memref<2048xi32, #tpu.memory_space<vmem>>[vector<16xi32>], vector<16xi32>,
          %gather3A_389 = tpu.vector_load_idx %arg17[%select_n3A_387] : memref<2048xf32, #tpu.memory_space<vmem>>[vector<16xi32>], vector<16xf32>,
          %gather3A_390 = tpu.vector_load_idx %arg18[%select_n3A_387] : memref<2048xi32, #tpu.memory_space<vmem>>[vector<16xi32>], vector<16xi32>,
          %and3A_391 = arith.andi %gather3A_388, %broadcast_in_dim3A_87 : vector<16xi32>
          %bitcast3A_392 = vector.bitcast %and3A_391 : vector<16xi32> to vector<16xf32>
          %shift_left3A_393 = arith.constant 16 : i32
          %shift_left3A_394 = vector.broadcast %shift_left3A_393 : i32 to vector<16xi32>
          %shift_left3A_395 = arith.shli %gather3A_388, %shift_left3A_394 : vector<16xi32>
          %bitcast3A_396 = vector.bitcast %shift_left3A_395 : vector<16xi32> to vector<16xf32>
          %mul3A_397 = arith.mulf %bitcast3A_392, %get3A_99 : vector<16xf32>
          %mul3A_398 = arith.mulf %bitcast3A_396, %get3A_101 : vector<16xf32>
          %add3A_399 = arith.addf %mul3A_397, %mul3A_398 : vector<16xf32>
          %mul3A_400 = arith.constant 2.000000e+00 : f32
          %mul3A_401 = vector.broadcast %mul3A_400 : f32 to vector<16xf32>
          %mul3A_402 = arith.mulf %mul3A_401, %add3A_399 : vector<16xf32>
          %sub3A_403 = arith.subf %gather3A_389, %mul3A_402 : vector<16xf32>
          %add3A_404 = arith.addf %sub3A_403, %get3A_103 : vector<16xf32>
          %max3A_405 = arith.constant 0.000000e+00 : f32
          %max3A_406 = vector.broadcast %max3A_405 : f32 to vector<16xf32>
          %max3A_407 = arith.maximumf %add3A_404, %max3A_406 : vector<16xf32>
          %add3A_408 = arith.constant 9.99999996E-13 : f32
          %add3A_409 = vector.broadcast %add3A_408 : f32 to vector<16xf32>
          %add3A_410 = arith.addf %max3A_407, %add3A_409 : vector<16xf32>
          %select_n3A_411 = arith.select %lt3A_384, %add3A_410, %broadcast_in_dim3A_280 : vector<16xi1>, vector<16xf32>
          %select_n3A_412 = arith.select %lt3A_384, %gather3A_390, %broadcast_in_dim3A_282 : vector<16xi1>, vector<16xi32>
          %lt3A_413 = arith.cmpf olt, %select_n3A_347, %select_n3A_315 : vector<16xf32>
          %eq3A_414 = arith.cmpf oeq, %select_n3A_347, %select_n3A_315 : vector<16xf32>
          %lt3A_415 = arith.cmpi slt, %select_n3A_348, %select_n3A_316 : vector<16xi32>
          %and3A_416 = arith.andi %eq3A_414, %lt3A_415 : vector<16xi1>
          %or3A_417 = arith.ori %lt3A_413, %and3A_416 : vector<16xi1>
          %select_n3A_418 = arith.select %or3A_417, %select_n3A_347, %select_n3A_315 : vector<16xi1>, vector<16xf32>
          %select_n3A_419 = arith.select %or3A_417, %select_n3A_348, %select_n3A_316 : vector<16xi1>, vector<16xi32>
          %lt3A_420 = arith.cmpf olt, %select_n3A_411, %select_n3A_379 : vector<16xf32>
          %eq3A_421 = arith.cmpf oeq, %select_n3A_411, %select_n3A_379 : vector<16xf32>
          %lt3A_422 = arith.cmpi slt, %select_n3A_412, %select_n3A_380 : vector<16xi32>
          %and3A_423 = arith.andi %eq3A_421, %lt3A_422 : vector<16xi1>
          %or3A_424 = arith.ori %lt3A_420, %and3A_423 : vector<16xi1>
          %select_n3A_425 = arith.select %or3A_424, %select_n3A_411, %select_n3A_379 : vector<16xi1>, vector<16xf32>
          %select_n3A_426 = arith.select %or3A_424, %select_n3A_412, %select_n3A_380 : vector<16xi1>, vector<16xi32>
          %lt3A_427 = arith.cmpf olt, %select_n3A_425, %select_n3A_418 : vector<16xf32>
          %eq3A_428 = arith.cmpf oeq, %select_n3A_425, %select_n3A_418 : vector<16xf32>
          %lt3A_429 = arith.cmpi slt, %select_n3A_426, %select_n3A_419 : vector<16xi32>
          %and3A_430 = arith.andi %eq3A_428, %lt3A_429 : vector<16xi1>
          %or3A_431 = arith.ori %lt3A_427, %and3A_430 : vector<16xi1>
          %select_n3A_432 = arith.select %or3A_431, %select_n3A_425, %select_n3A_418 : vector<16xi1>, vector<16xf32>
          %select_n3A_433 = arith.select %or3A_431, %select_n3A_426, %select_n3A_419 : vector<16xi1>, vector<16xi32>
          %lt3A_434 = arith.cmpf olt, %select_n3A_432, %while3A_285 : vector<16xf32>
          %eq3A_435 = arith.cmpf oeq, %select_n3A_432, %while3A_285 : vector<16xf32>
          %lt3A_436 = arith.cmpi slt, %select_n3A_433, %while3A_286 : vector<16xi32>
          %and3A_437 = arith.andi %eq3A_435, %lt3A_436 : vector<16xi1>
          %or3A_438 = arith.ori %lt3A_434, %and3A_437 : vector<16xi1>
          %select_n3A_439 = arith.select %or3A_438, %select_n3A_432, %while3A_285 : vector<16xi1>, vector<16xf32>
          %select_n3A_440 = arith.select %or3A_438, %select_n3A_433, %while3A_286 : vector<16xi1>, vector<16xi32>
          %add3A_441 = arith.constant 4 : i32
          %add3A_442 = vector.broadcast %add3A_441 : i32 to vector<16xi32>
          %add3A_443 = arith.addi %while3A_284, %add3A_442 : vector<16xi32>
          %min3A_444 = arith.minsi %add3A_443, %select_n3A_278 : vector<16xi32>
          scf.yield %min3A_444, %select_n3A_439, %select_n3A_440 : vector<16xi32>, vector<16xf32>, vector<16xi32>
        }
        scf.yield %while3A_283#1, %while3A_283#2 : vector<16xf32>, vector<16xi32>
      }
      %broadcast_in_dim3A_132 = arith.constant 3.000000e+38 : f32
      %broadcast_in_dim3A_133 = vector.broadcast %broadcast_in_dim3A_132 : f32 to vector<16xf32>
      %sub3A = arith.constant 2 : i32
      %sub3A_134 = vector.broadcast %sub3A : i32 to vector<16xi32>
      %sub3A_135 = arith.subi %get3A_107, %sub3A_134 : vector<16xi32>
      %gt3A = arith.constant 0 : i32
      %gt3A_136 = vector.broadcast %gt3A : i32 to vector<16xi32>
      %gt3A_137 = arith.cmpi sgt, %sub3A_135, %gt3A_136 : vector<16xi32>
      %sub3A_138 = arith.constant 2 : i32
      %sub3A_139 = vector.broadcast %sub3A_138 : i32 to vector<16xi32>
      %sub3A_140 = arith.subi %get3A_107, %sub3A_139 : vector<16xi32>
      %convert_element_type3A = arith.sitofp %sub3A_140 : vector<16xi32> to vector<16xf32>
      %mul3A_141 = arith.constant 6.250000e-02 : f32
      %mul3A_142 = vector.broadcast %mul3A_141 : f32 to vector<16xf32>
      %mul3A_143 = arith.mulf %convert_element_type3A, %mul3A_142 : vector<16xf32>
      %sub3A_144 = arith.subf %get3A_99, %mul3A_143 : vector<16xf32>
      %select_n3A = arith.select %gt3A_137, %sub3A_144, %broadcast_in_dim3A_133 : vector<16xi1>, vector<16xf32>
      %add3A_145 = arith.constant 2 : i32
      %add3A_146 = vector.broadcast %add3A_145 : i32 to vector<16xi32>
      %add3A_147 = arith.addi %get3A_107, %add3A_146 : vector<16xi32>
      %lt3A = arith.constant 15 : i32
      %lt3A_148 = vector.broadcast %lt3A : i32 to vector<16xi32>
      %lt3A_149 = arith.cmpi slt, %add3A_147, %lt3A_148 : vector<16xi32>
      %add3A_150 = arith.constant 2 : i32
      %add3A_151 = vector.broadcast %add3A_150 : i32 to vector<16xi32>
      %add3A_152 = arith.addi %get3A_107, %add3A_151 : vector<16xi32>
      %add3A_153 = arith.constant 1 : i32
      %add3A_154 = vector.broadcast %add3A_153 : i32 to vector<16xi32>
      %add3A_155 = arith.addi %add3A_152, %add3A_154 : vector<16xi32>
      %convert_element_type3A_156 = arith.sitofp %add3A_155 : vector<16xi32> to vector<16xf32>
      %mul3A_157 = arith.constant 6.250000e-02 : f32
      %mul3A_158 = vector.broadcast %mul3A_157 : f32 to vector<16xf32>
      %mul3A_159 = arith.mulf %convert_element_type3A_156, %mul3A_158 : vector<16xf32>
      %sub3A_160 = arith.subf %mul3A_159, %get3A_99 : vector<16xf32>
      %select_n3A_161 = arith.select %lt3A_149, %sub3A_160, %broadcast_in_dim3A_133 : vector<16xi1>, vector<16xf32>
      %sub3A_162 = arith.constant 2 : i32
      %sub3A_163 = vector.broadcast %sub3A_162 : i32 to vector<16xi32>
      %sub3A_164 = arith.subi %get3A_109, %sub3A_163 : vector<16xi32>
      %gt3A_165 = arith.constant 0 : i32
      %gt3A_166 = vector.broadcast %gt3A_165 : i32 to vector<16xi32>
      %gt3A_167 = arith.cmpi sgt, %sub3A_164, %gt3A_166 : vector<16xi32>
      %sub3A_168 = arith.constant 2 : i32
      %sub3A_169 = vector.broadcast %sub3A_168 : i32 to vector<16xi32>
      %sub3A_170 = arith.subi %get3A_109, %sub3A_169 : vector<16xi32>
      %convert_element_type3A_171 = arith.sitofp %sub3A_170 : vector<16xi32> to vector<16xf32>
      %mul3A_172 = arith.constant 6.250000e-02 : f32
      %mul3A_173 = vector.broadcast %mul3A_172 : f32 to vector<16xf32>
      %mul3A_174 = arith.mulf %convert_element_type3A_171, %mul3A_173 : vector<16xf32>
      %sub3A_175 = arith.subf %get3A_101, %mul3A_174 : vector<16xf32>
      %select_n3A_176 = arith.select %gt3A_167, %sub3A_175, %broadcast_in_dim3A_133 : vector<16xi1>, vector<16xf32>
      %add3A_177 = arith.constant 2 : i32
      %add3A_178 = vector.broadcast %add3A_177 : i32 to vector<16xi32>
      %add3A_179 = arith.addi %get3A_109, %add3A_178 : vector<16xi32>
      %lt3A_180 = arith.constant 15 : i32
      %lt3A_181 = vector.broadcast %lt3A_180 : i32 to vector<16xi32>
      %lt3A_182 = arith.cmpi slt, %add3A_179, %lt3A_181 : vector<16xi32>
      %add3A_183 = arith.constant 2 : i32
      %add3A_184 = vector.broadcast %add3A_183 : i32 to vector<16xi32>
      %add3A_185 = arith.addi %get3A_109, %add3A_184 : vector<16xi32>
      %add3A_186 = arith.constant 1 : i32
      %add3A_187 = vector.broadcast %add3A_186 : i32 to vector<16xi32>
      %add3A_188 = arith.addi %add3A_185, %add3A_187 : vector<16xi32>
      %convert_element_type3A_189 = arith.sitofp %add3A_188 : vector<16xi32> to vector<16xf32>
      %mul3A_190 = arith.constant 6.250000e-02 : f32
      %mul3A_191 = vector.broadcast %mul3A_190 : f32 to vector<16xf32>
      %mul3A_192 = arith.mulf %convert_element_type3A_189, %mul3A_191 : vector<16xf32>
      %sub3A_193 = arith.subf %mul3A_192, %get3A_101 : vector<16xf32>
      %select_n3A_194 = arith.select %lt3A_182, %sub3A_193, %broadcast_in_dim3A_133 : vector<16xi1>, vector<16xf32>
      %min3A = arith.minimumf %select_n3A, %select_n3A_161 : vector<16xf32>
      %min3A_195 = arith.minimumf %select_n3A_176, %select_n3A_194 : vector<16xf32>
      %min3A_196 = arith.minimumf %min3A, %min3A_195 : vector<16xf32>
      %sub3A_197 = arith.constant 2 : i32
      %sub3A_198 = vector.broadcast %sub3A_197 : i32 to vector<16xi32>
      %sub3A_199 = arith.subi %get3A_107, %sub3A_198 : vector<16xi32>
      %le3A = arith.constant 0 : i32
      %le3A_200 = vector.broadcast %le3A : i32 to vector<16xi32>
      %le3A_201 = arith.cmpi sle, %sub3A_199, %le3A_200 : vector<16xi32>
      %add3A_202 = arith.constant 2 : i32
      %add3A_203 = vector.broadcast %add3A_202 : i32 to vector<16xi32>
      %add3A_204 = arith.addi %get3A_107, %add3A_203 : vector<16xi32>
      %ge3A = arith.constant 15 : i32
      %ge3A_205 = vector.broadcast %ge3A : i32 to vector<16xi32>
      %ge3A_206 = arith.cmpi sge, %add3A_204, %ge3A_205 : vector<16xi32>
      %and3A = arith.andi %le3A_201, %ge3A_206 : vector<16xi1>
      %sub3A_207 = arith.constant 2 : i32
      %sub3A_208 = vector.broadcast %sub3A_207 : i32 to vector<16xi32>
      %sub3A_209 = arith.subi %get3A_109, %sub3A_208 : vector<16xi32>
      %le3A_210 = arith.constant 0 : i32
      %le3A_211 = vector.broadcast %le3A_210 : i32 to vector<16xi32>
      %le3A_212 = arith.cmpi sle, %sub3A_209, %le3A_211 : vector<16xi32>
      %and3A_213 = arith.andi %and3A, %le3A_212 : vector<16xi1>
      %add3A_214 = arith.constant 2 : i32
      %add3A_215 = vector.broadcast %add3A_214 : i32 to vector<16xi32>
      %add3A_216 = arith.addi %get3A_109, %add3A_215 : vector<16xi32>
      %ge3A_217 = arith.constant 15 : i32
      %ge3A_218 = vector.broadcast %ge3A_217 : i32 to vector<16xi32>
      %ge3A_219 = arith.cmpi sge, %add3A_216, %ge3A_218 : vector<16xi32>
      %and3A_220 = arith.andi %and3A_213, %ge3A_219 : vector<16xi1>
      %mul3A_221 = arith.mulf %min3A_196, %min3A_196 : vector<16xf32>
      %mul3A_222 = arith.constant 0.999998986 : f32
      %mul3A_223 = vector.broadcast %mul3A_222 : f32 to vector<16xf32>
      %mul3A_224 = arith.mulf %mul3A_221, %mul3A_223 : vector<16xf32>
      %add3A_225 = arith.addf %while3A_131#0, %get3A_105 : vector<16xf32>
      %gt3A_226 = arith.cmpf ogt, %mul3A_224, %add3A_225 : vector<16xf32>
      %or3A = arith.ori %and3A_220, %gt3A_226 : vector<16xi1>
      %not3A = arith.constant dense<true> : vector<16xi1>
      %not3A_227 = arith.xori %or3A, %not3A : vector<16xi1>
      %while3A_228 = arith.constant 3 : i32
      %while3A_229:4 = scf.while (%while3A_235 = %while3A_228, %while3A_236 = %while3A_131#0, %while3A_237 = %while3A_131#1, %while3A_238 = %not3A_227) : (i32, vector<16xf32>, vector<16xi32>, vector<16xi1>) -> (i32, vector<16xf32>, vector<16xi32>, vector<16xi1>) {
        %reduce_or3A = arith.constant 1.000000e+00 : f32
        %reduce_or3A_239 = arith.constant 0.000000e+00 : f32
        %reduce_or3A_240 = vector.broadcast %reduce_or3A : f32 to vector<16xf32>
        %reduce_or3A_241 = vector.broadcast %reduce_or3A_239 : f32 to vector<16xf32>
        %reduce_or3A_242 = arith.select %while3A_238, %reduce_or3A_240, %reduce_or3A_241 : vector<16xi1>, vector<16xf32>
        %reduce_or3A_243 = arith.constant true
        %reduce_or3A_244 = vector.broadcast %reduce_or3A_243 : i1 to vector<16xi1>
        %reduce_or3A_245 = tpu.scan <max>, %reduce_or3A_242 masked %reduce_or3A_244 : vector<16xf32>, vector<16xi1> -> vector<16xf32>
        %reduce_or3A_246 = vector.extract %reduce_or3A_245[15] : f32 from vector<16xf32>
        %reduce_or3A_247 = arith.constant 0.000000e+00 : f32
        %reduce_or3A_248 = arith.cmpf ogt, %reduce_or3A_246, %reduce_or3A_247 : f32
        scf.condition(%reduce_or3A_248) %while3A_235, %while3A_236, %while3A_237, %while3A_238 : i32, vector<16xf32>, vector<16xi32>, vector<16xi1>
      } do {
      ^bb0(%while3A_235: i32, %while3A_236: vector<16xf32>, %while3A_237: vector<16xi32>, %while3A_238: vector<16xi1>):
        %mul3A_239 = arith.constant 2 : i32
        %mul3A_240 = arith.muli %mul3A_239, %while3A_235 : i32
        %add3A_241 = arith.constant 1 : i32
        %add3A_242 = arith.addi %mul3A_240, %add3A_241 : i32
        %while3A_243 = arith.constant 0 : i32
        %while3A_244 = arith.subi %add3A_242, %while3A_243 : i32
        %while3A_245 = arith.addi %while3A_243, %while3A_244 : i32
        %while3A_246 = arith.constant 1 : i32
        %while3A_247 = arith.divsi %while3A_244, %while3A_246 : i32
        %while3A_248 = arith.muli %while3A_247, %while3A_246 : i32
        %while3A_249 = arith.addi %while3A_243, %while3A_248 : i32
        %while3A_250 = arith.constant 1 : i32
        %while3A_251:2 = scf.for %while3A_352 = %while3A_243 to %while3A_249 step %while3A_250 iter_args(%while3A_353 = %while3A_236, %while3A_354 = %while3A_237) -> (vector<16xf32>, vector<16xi32>)  : i32 {
          %sub3A_355 = vector.broadcast %while3A_235 : i32 to vector<16xi32>
          %sub3A_356 = arith.subi %get3A_109, %sub3A_355 : vector<16xi32>
          %add3A_357 = vector.broadcast %while3A_352 : i32 to vector<16xi32>
          %add3A_358 = arith.addi %sub3A_356, %add3A_357 : vector<16xi32>
          %ge3A_359 = arith.constant 0 : i32
          %ge3A_360 = vector.broadcast %ge3A_359 : i32 to vector<16xi32>
          %ge3A_361 = arith.cmpi sge, %add3A_358, %ge3A_360 : vector<16xi32>
          %lt3A_362 = arith.constant 16 : i32
          %lt3A_363 = vector.broadcast %lt3A_362 : i32 to vector<16xi32>
          %lt3A_364 = arith.cmpi slt, %add3A_358, %lt3A_363 : vector<16xi32>
          %and3A_365 = arith.andi %ge3A_361, %lt3A_364 : vector<16xi1>
          %and3A_366 = arith.andi %and3A_365, %while3A_238 : vector<16xi1>
          %sub3A_367 = vector.broadcast %while3A_235 : i32 to vector<16xi32>
          %sub3A_368 = arith.subi %get3A_107, %sub3A_367 : vector<16xi32>
          %max3A = arith.constant 0 : i32
          %max3A_369 = vector.broadcast %max3A : i32 to vector<16xi32>
          %max3A_370 = arith.maxsi %sub3A_368, %max3A_369 : vector<16xi32>
          %add3A_371 = vector.broadcast %while3A_235 : i32 to vector<16xi32>
          %add3A_372 = arith.addi %get3A_107, %add3A_371 : vector<16xi32>
          %min3A_373 = arith.constant 15 : i32
          %min3A_374 = vector.broadcast %min3A_373 : i32 to vector<16xi32>
          %min3A_375 = arith.minsi %add3A_372, %min3A_374 : vector<16xi32>
          %mul3A_376 = arith.constant 16 : i32
          %mul3A_377 = vector.broadcast %mul3A_376 : i32 to vector<16xi32>
          %mul3A_378 = arith.muli %add3A_358, %mul3A_377 : vector<16xi32>
          %add3A_379 = arith.addi %mul3A_378, %max3A_370 : vector<16xi32>
          %jit3A = arith.constant 0 : i32
          %broadcast_in_dim3A_380 = vector.broadcast %jit3A : i32 to vector<16xi32>
          %select_n3A_381 = arith.select %and3A_366, %add3A_379, %broadcast_in_dim3A_380 : vector<16xi1>, vector<16xi32>
          %add3A_382 = arith.addi %mul3A_378, %min3A_375 : vector<16xi32>
          %add3A_383 = arith.constant 1 : i32
          %add3A_384 = vector.broadcast %add3A_383 : i32 to vector<16xi32>
          %add3A_385 = arith.addi %add3A_382, %add3A_384 : vector<16xi32>
          %jit3A_386 = arith.constant 0 : i32
          %broadcast_in_dim3A_387 = vector.broadcast %jit3A_386 : i32 to vector<16xi32>
          %select_n3A_388 = arith.select %and3A_366, %add3A_385, %broadcast_in_dim3A_387 : vector<16xi1>, vector<16xi32>
          %gather3A = tpu.vector_load_idx %arg19[%select_n3A_381] : memref<272xi32, #tpu.memory_space<vmem>>[vector<16xi32>], vector<16xi32>,
          %gather3A_389 = tpu.vector_load_idx %arg19[%select_n3A_388] : memref<272xi32, #tpu.memory_space<vmem>>[vector<16xi32>], vector<16xi32>,
          %jit3A_390 = arith.constant 0 : i32
          %broadcast_in_dim3A_391 = vector.broadcast %jit3A_390 : i32 to vector<16xi32>
          %select_n3A_392 = arith.select %and3A_366, %gather3A, %broadcast_in_dim3A_391 : vector<16xi1>, vector<16xi32>
          %jit3A_393 = arith.constant 0 : i32
          %broadcast_in_dim3A_394 = vector.broadcast %jit3A_393 : i32 to vector<16xi32>
          %select_n3A_395 = arith.select %and3A_366, %gather3A_389, %broadcast_in_dim3A_394 : vector<16xi1>, vector<16xi32>
          %broadcast_in_dim3A_396 = arith.constant 3.000000e+38 : f32
          %broadcast_in_dim3A_397 = vector.broadcast %broadcast_in_dim3A_396 : f32 to vector<16xf32>
          %broadcast_in_dim3A_398 = arith.constant 1073741824 : i32
          %broadcast_in_dim3A_399 = vector.broadcast %broadcast_in_dim3A_398 : i32 to vector<16xi32>
          %while3A_400:3 = scf.while (%while3A_401 = %select_n3A_392, %while3A_402 = %while3A_353, %while3A_403 = %while3A_354) : (vector<16xi32>, vector<16xf32>, vector<16xi32>) -> (vector<16xi32>, vector<16xf32>, vector<16xi32>) {
            %lt3A_404 = arith.cmpi slt, %while3A_401, %select_n3A_395 : vector<16xi32>
            %reduce_or3A = arith.constant 1.000000e+00 : f32
            %reduce_or3A_405 = arith.constant 0.000000e+00 : f32
            %reduce_or3A_406 = vector.broadcast %reduce_or3A : f32 to vector<16xf32>
            %reduce_or3A_407 = vector.broadcast %reduce_or3A_405 : f32 to vector<16xf32>
            %reduce_or3A_408 = arith.select %lt3A_404, %reduce_or3A_406, %reduce_or3A_407 : vector<16xi1>, vector<16xf32>
            %reduce_or3A_409 = arith.constant true
            %reduce_or3A_410 = vector.broadcast %reduce_or3A_409 : i1 to vector<16xi1>
            %reduce_or3A_411 = tpu.scan <max>, %reduce_or3A_408 masked %reduce_or3A_410 : vector<16xf32>, vector<16xi1> -> vector<16xf32>
            %reduce_or3A_412 = vector.extract %reduce_or3A_411[15] : f32 from vector<16xf32>
            %reduce_or3A_413 = arith.constant 0.000000e+00 : f32
            %reduce_or3A_414 = arith.cmpf ogt, %reduce_or3A_412, %reduce_or3A_413 : f32
            scf.condition(%reduce_or3A_414) %while3A_401, %while3A_402, %while3A_403 : vector<16xi32>, vector<16xf32>, vector<16xi32>
          } do {
          ^bb0(%while3A_401: vector<16xi32>, %while3A_402: vector<16xf32>, %while3A_403: vector<16xi32>):
            %add3A_404 = arith.constant 0 : i32
            %add3A_405 = vector.broadcast %add3A_404 : i32 to vector<16xi32>
            %add3A_406 = arith.addi %while3A_401, %add3A_405 : vector<16xi32>
            %lt3A_407 = arith.cmpi slt, %add3A_406, %select_n3A_395 : vector<16xi32>
            %jit3A_408 = arith.constant 0 : i32
            %broadcast_in_dim3A_409 = vector.broadcast %jit3A_408 : i32 to vector<16xi32>
            %select_n3A_410 = arith.select %lt3A_407, %add3A_406, %broadcast_in_dim3A_409 : vector<16xi1>, vector<16xi32>
            %gather3A_411 = tpu.vector_load_idx %arg16[%select_n3A_410] : memref<2048xi32, #tpu.memory_space<vmem>>[vector<16xi32>], vector<16xi32>,
            %gather3A_412 = tpu.vector_load_idx %arg17[%select_n3A_410] : memref<2048xf32, #tpu.memory_space<vmem>>[vector<16xi32>], vector<16xf32>,
            %gather3A_413 = tpu.vector_load_idx %arg18[%select_n3A_410] : memref<2048xi32, #tpu.memory_space<vmem>>[vector<16xi32>], vector<16xi32>,
            %and3A_414 = arith.andi %gather3A_411, %broadcast_in_dim3A_87 : vector<16xi32>
            %bitcast3A = vector.bitcast %and3A_414 : vector<16xi32> to vector<16xf32>
            %shift_left3A = arith.constant 16 : i32
            %shift_left3A_415 = vector.broadcast %shift_left3A : i32 to vector<16xi32>
            %shift_left3A_416 = arith.shli %gather3A_411, %shift_left3A_415 : vector<16xi32>
            %bitcast3A_417 = vector.bitcast %shift_left3A_416 : vector<16xi32> to vector<16xf32>
            %mul3A_418 = arith.mulf %bitcast3A, %get3A_99 : vector<16xf32>
            %mul3A_419 = arith.mulf %bitcast3A_417, %get3A_101 : vector<16xf32>
            %add3A_420 = arith.addf %mul3A_418, %mul3A_419 : vector<16xf32>
            %mul3A_421 = arith.constant 2.000000e+00 : f32
            %mul3A_422 = vector.broadcast %mul3A_421 : f32 to vector<16xf32>
            %mul3A_423 = arith.mulf %mul3A_422, %add3A_420 : vector<16xf32>
            %sub3A_424 = arith.subf %gather3A_412, %mul3A_423 : vector<16xf32>
            %add3A_425 = arith.addf %sub3A_424, %get3A_103 : vector<16xf32>
            %max3A_426 = arith.constant 0.000000e+00 : f32
            %max3A_427 = vector.broadcast %max3A_426 : f32 to vector<16xf32>
            %max3A_428 = arith.maximumf %add3A_425, %max3A_427 : vector<16xf32>
            %add3A_429 = arith.constant 9.99999996E-13 : f32
            %add3A_430 = vector.broadcast %add3A_429 : f32 to vector<16xf32>
            %add3A_431 = arith.addf %max3A_428, %add3A_430 : vector<16xf32>
            %select_n3A_432 = arith.select %lt3A_407, %add3A_431, %broadcast_in_dim3A_397 : vector<16xi1>, vector<16xf32>
            %select_n3A_433 = arith.select %lt3A_407, %gather3A_413, %broadcast_in_dim3A_399 : vector<16xi1>, vector<16xi32>
            %add3A_434 = arith.constant 1 : i32
            %add3A_435 = vector.broadcast %add3A_434 : i32 to vector<16xi32>
            %add3A_436 = arith.addi %while3A_401, %add3A_435 : vector<16xi32>
            %lt3A_437 = arith.cmpi slt, %add3A_436, %select_n3A_395 : vector<16xi32>
            %jit3A_438 = arith.constant 0 : i32
            %broadcast_in_dim3A_439 = vector.broadcast %jit3A_438 : i32 to vector<16xi32>
            %select_n3A_440 = arith.select %lt3A_437, %add3A_436, %broadcast_in_dim3A_439 : vector<16xi1>, vector<16xi32>
            %gather3A_441 = tpu.vector_load_idx %arg16[%select_n3A_440] : memref<2048xi32, #tpu.memory_space<vmem>>[vector<16xi32>], vector<16xi32>,
            %gather3A_442 = tpu.vector_load_idx %arg17[%select_n3A_440] : memref<2048xf32, #tpu.memory_space<vmem>>[vector<16xi32>], vector<16xf32>,
            %gather3A_443 = tpu.vector_load_idx %arg18[%select_n3A_440] : memref<2048xi32, #tpu.memory_space<vmem>>[vector<16xi32>], vector<16xi32>,
            %and3A_444 = arith.andi %gather3A_441, %broadcast_in_dim3A_87 : vector<16xi32>
            %bitcast3A_445 = vector.bitcast %and3A_444 : vector<16xi32> to vector<16xf32>
            %shift_left3A_446 = arith.constant 16 : i32
            %shift_left3A_447 = vector.broadcast %shift_left3A_446 : i32 to vector<16xi32>
            %shift_left3A_448 = arith.shli %gather3A_441, %shift_left3A_447 : vector<16xi32>
            %bitcast3A_449 = vector.bitcast %shift_left3A_448 : vector<16xi32> to vector<16xf32>
            %mul3A_450 = arith.mulf %bitcast3A_445, %get3A_99 : vector<16xf32>
            %mul3A_451 = arith.mulf %bitcast3A_449, %get3A_101 : vector<16xf32>
            %add3A_452 = arith.addf %mul3A_450, %mul3A_451 : vector<16xf32>
            %mul3A_453 = arith.constant 2.000000e+00 : f32
            %mul3A_454 = vector.broadcast %mul3A_453 : f32 to vector<16xf32>
            %mul3A_455 = arith.mulf %mul3A_454, %add3A_452 : vector<16xf32>
            %sub3A_456 = arith.subf %gather3A_442, %mul3A_455 : vector<16xf32>
            %add3A_457 = arith.addf %sub3A_456, %get3A_103 : vector<16xf32>
            %max3A_458 = arith.constant 0.000000e+00 : f32
            %max3A_459 = vector.broadcast %max3A_458 : f32 to vector<16xf32>
            %max3A_460 = arith.maximumf %add3A_457, %max3A_459 : vector<16xf32>
            %add3A_461 = arith.constant 9.99999996E-13 : f32
            %add3A_462 = vector.broadcast %add3A_461 : f32 to vector<16xf32>
            %add3A_463 = arith.addf %max3A_460, %add3A_462 : vector<16xf32>
            %select_n3A_464 = arith.select %lt3A_437, %add3A_463, %broadcast_in_dim3A_397 : vector<16xi1>, vector<16xf32>
            %select_n3A_465 = arith.select %lt3A_437, %gather3A_443, %broadcast_in_dim3A_399 : vector<16xi1>, vector<16xi32>
            %add3A_466 = arith.constant 2 : i32
            %add3A_467 = vector.broadcast %add3A_466 : i32 to vector<16xi32>
            %add3A_468 = arith.addi %while3A_401, %add3A_467 : vector<16xi32>
            %lt3A_469 = arith.cmpi slt, %add3A_468, %select_n3A_395 : vector<16xi32>
            %jit3A_470 = arith.constant 0 : i32
            %broadcast_in_dim3A_471 = vector.broadcast %jit3A_470 : i32 to vector<16xi32>
            %select_n3A_472 = arith.select %lt3A_469, %add3A_468, %broadcast_in_dim3A_471 : vector<16xi1>, vector<16xi32>
            %gather3A_473 = tpu.vector_load_idx %arg16[%select_n3A_472] : memref<2048xi32, #tpu.memory_space<vmem>>[vector<16xi32>], vector<16xi32>,
            %gather3A_474 = tpu.vector_load_idx %arg17[%select_n3A_472] : memref<2048xf32, #tpu.memory_space<vmem>>[vector<16xi32>], vector<16xf32>,
            %gather3A_475 = tpu.vector_load_idx %arg18[%select_n3A_472] : memref<2048xi32, #tpu.memory_space<vmem>>[vector<16xi32>], vector<16xi32>,
            %and3A_476 = arith.andi %gather3A_473, %broadcast_in_dim3A_87 : vector<16xi32>
            %bitcast3A_477 = vector.bitcast %and3A_476 : vector<16xi32> to vector<16xf32>
            %shift_left3A_478 = arith.constant 16 : i32
            %shift_left3A_479 = vector.broadcast %shift_left3A_478 : i32 to vector<16xi32>
            %shift_left3A_480 = arith.shli %gather3A_473, %shift_left3A_479 : vector<16xi32>
            %bitcast3A_481 = vector.bitcast %shift_left3A_480 : vector<16xi32> to vector<16xf32>
            %mul3A_482 = arith.mulf %bitcast3A_477, %get3A_99 : vector<16xf32>
            %mul3A_483 = arith.mulf %bitcast3A_481, %get3A_101 : vector<16xf32>
            %add3A_484 = arith.addf %mul3A_482, %mul3A_483 : vector<16xf32>
            %mul3A_485 = arith.constant 2.000000e+00 : f32
            %mul3A_486 = vector.broadcast %mul3A_485 : f32 to vector<16xf32>
            %mul3A_487 = arith.mulf %mul3A_486, %add3A_484 : vector<16xf32>
            %sub3A_488 = arith.subf %gather3A_474, %mul3A_487 : vector<16xf32>
            %add3A_489 = arith.addf %sub3A_488, %get3A_103 : vector<16xf32>
            %max3A_490 = arith.constant 0.000000e+00 : f32
            %max3A_491 = vector.broadcast %max3A_490 : f32 to vector<16xf32>
            %max3A_492 = arith.maximumf %add3A_489, %max3A_491 : vector<16xf32>
            %add3A_493 = arith.constant 9.99999996E-13 : f32
            %add3A_494 = vector.broadcast %add3A_493 : f32 to vector<16xf32>
            %add3A_495 = arith.addf %max3A_492, %add3A_494 : vector<16xf32>
            %select_n3A_496 = arith.select %lt3A_469, %add3A_495, %broadcast_in_dim3A_397 : vector<16xi1>, vector<16xf32>
            %select_n3A_497 = arith.select %lt3A_469, %gather3A_475, %broadcast_in_dim3A_399 : vector<16xi1>, vector<16xi32>
            %add3A_498 = arith.constant 3 : i32
            %add3A_499 = vector.broadcast %add3A_498 : i32 to vector<16xi32>
            %add3A_500 = arith.addi %while3A_401, %add3A_499 : vector<16xi32>
            %lt3A_501 = arith.cmpi slt, %add3A_500, %select_n3A_395 : vector<16xi32>
            %jit3A_502 = arith.constant 0 : i32
            %broadcast_in_dim3A_503 = vector.broadcast %jit3A_502 : i32 to vector<16xi32>
            %select_n3A_504 = arith.select %lt3A_501, %add3A_500, %broadcast_in_dim3A_503 : vector<16xi1>, vector<16xi32>
            %gather3A_505 = tpu.vector_load_idx %arg16[%select_n3A_504] : memref<2048xi32, #tpu.memory_space<vmem>>[vector<16xi32>], vector<16xi32>,
            %gather3A_506 = tpu.vector_load_idx %arg17[%select_n3A_504] : memref<2048xf32, #tpu.memory_space<vmem>>[vector<16xi32>], vector<16xf32>,
            %gather3A_507 = tpu.vector_load_idx %arg18[%select_n3A_504] : memref<2048xi32, #tpu.memory_space<vmem>>[vector<16xi32>], vector<16xi32>,
            %and3A_508 = arith.andi %gather3A_505, %broadcast_in_dim3A_87 : vector<16xi32>
            %bitcast3A_509 = vector.bitcast %and3A_508 : vector<16xi32> to vector<16xf32>
            %shift_left3A_510 = arith.constant 16 : i32
            %shift_left3A_511 = vector.broadcast %shift_left3A_510 : i32 to vector<16xi32>
            %shift_left3A_512 = arith.shli %gather3A_505, %shift_left3A_511 : vector<16xi32>
            %bitcast3A_513 = vector.bitcast %shift_left3A_512 : vector<16xi32> to vector<16xf32>
            %mul3A_514 = arith.mulf %bitcast3A_509, %get3A_99 : vector<16xf32>
            %mul3A_515 = arith.mulf %bitcast3A_513, %get3A_101 : vector<16xf32>
            %add3A_516 = arith.addf %mul3A_514, %mul3A_515 : vector<16xf32>
            %mul3A_517 = arith.constant 2.000000e+00 : f32
            %mul3A_518 = vector.broadcast %mul3A_517 : f32 to vector<16xf32>
            %mul3A_519 = arith.mulf %mul3A_518, %add3A_516 : vector<16xf32>
            %sub3A_520 = arith.subf %gather3A_506, %mul3A_519 : vector<16xf32>
            %add3A_521 = arith.addf %sub3A_520, %get3A_103 : vector<16xf32>
            %max3A_522 = arith.constant 0.000000e+00 : f32
            %max3A_523 = vector.broadcast %max3A_522 : f32 to vector<16xf32>
            %max3A_524 = arith.maximumf %add3A_521, %max3A_523 : vector<16xf32>
            %add3A_525 = arith.constant 9.99999996E-13 : f32
            %add3A_526 = vector.broadcast %add3A_525 : f32 to vector<16xf32>
            %add3A_527 = arith.addf %max3A_524, %add3A_526 : vector<16xf32>
            %select_n3A_528 = arith.select %lt3A_501, %add3A_527, %broadcast_in_dim3A_397 : vector<16xi1>, vector<16xf32>
            %select_n3A_529 = arith.select %lt3A_501, %gather3A_507, %broadcast_in_dim3A_399 : vector<16xi1>, vector<16xi32>
            %lt3A_530 = arith.cmpf olt, %select_n3A_464, %select_n3A_432 : vector<16xf32>
            %eq3A_531 = arith.cmpf oeq, %select_n3A_464, %select_n3A_432 : vector<16xf32>
            %lt3A_532 = arith.cmpi slt, %select_n3A_465, %select_n3A_433 : vector<16xi32>
            %and3A_533 = arith.andi %eq3A_531, %lt3A_532 : vector<16xi1>
            %or3A_534 = arith.ori %lt3A_530, %and3A_533 : vector<16xi1>
            %select_n3A_535 = arith.select %or3A_534, %select_n3A_464, %select_n3A_432 : vector<16xi1>, vector<16xf32>
            %select_n3A_536 = arith.select %or3A_534, %select_n3A_465, %select_n3A_433 : vector<16xi1>, vector<16xi32>
            %lt3A_537 = arith.cmpf olt, %select_n3A_528, %select_n3A_496 : vector<16xf32>
            %eq3A_538 = arith.cmpf oeq, %select_n3A_528, %select_n3A_496 : vector<16xf32>
            %lt3A_539 = arith.cmpi slt, %select_n3A_529, %select_n3A_497 : vector<16xi32>
            %and3A_540 = arith.andi %eq3A_538, %lt3A_539 : vector<16xi1>
            %or3A_541 = arith.ori %lt3A_537, %and3A_540 : vector<16xi1>
            %select_n3A_542 = arith.select %or3A_541, %select_n3A_528, %select_n3A_496 : vector<16xi1>, vector<16xf32>
            %select_n3A_543 = arith.select %or3A_541, %select_n3A_529, %select_n3A_497 : vector<16xi1>, vector<16xi32>
            %lt3A_544 = arith.cmpf olt, %select_n3A_542, %select_n3A_535 : vector<16xf32>
            %eq3A_545 = arith.cmpf oeq, %select_n3A_542, %select_n3A_535 : vector<16xf32>
            %lt3A_546 = arith.cmpi slt, %select_n3A_543, %select_n3A_536 : vector<16xi32>
            %and3A_547 = arith.andi %eq3A_545, %lt3A_546 : vector<16xi1>
            %or3A_548 = arith.ori %lt3A_544, %and3A_547 : vector<16xi1>
            %select_n3A_549 = arith.select %or3A_548, %select_n3A_542, %select_n3A_535 : vector<16xi1>, vector<16xf32>
            %select_n3A_550 = arith.select %or3A_548, %select_n3A_543, %select_n3A_536 : vector<16xi1>, vector<16xi32>
            %lt3A_551 = arith.cmpf olt, %select_n3A_549, %while3A_402 : vector<16xf32>
            %eq3A_552 = arith.cmpf oeq, %select_n3A_549, %while3A_402 : vector<16xf32>
            %lt3A_553 = arith.cmpi slt, %select_n3A_550, %while3A_403 : vector<16xi32>
            %and3A_554 = arith.andi %eq3A_552, %lt3A_553 : vector<16xi1>
            %or3A_555 = arith.ori %lt3A_551, %and3A_554 : vector<16xi1>
            %select_n3A_556 = arith.select %or3A_555, %select_n3A_549, %while3A_402 : vector<16xi1>, vector<16xf32>
            %select_n3A_557 = arith.select %or3A_555, %select_n3A_550, %while3A_403 : vector<16xi1>, vector<16xi32>
            %add3A_558 = arith.constant 4 : i32
            %add3A_559 = vector.broadcast %add3A_558 : i32 to vector<16xi32>
            %add3A_560 = arith.addi %while3A_401, %add3A_559 : vector<16xi32>
            %min3A_561 = arith.minsi %add3A_560, %select_n3A_395 : vector<16xi32>
            scf.yield %min3A_561, %select_n3A_556, %select_n3A_557 : vector<16xi32>, vector<16xf32>, vector<16xi32>
          }
          scf.yield %while3A_400#1, %while3A_400#2 : vector<16xf32>, vector<16xi32>
        }
        %while3A_252 = arith.constant 1 : i32
        %while3A_253:2 = scf.for %while3A_352 = %while3A_249 to %while3A_245 step %while3A_252 iter_args(%while3A_353 = %while3A_251#0, %while3A_354 = %while3A_251#1) -> (vector<16xf32>, vector<16xi32>)  : i32 {
          %sub3A_355 = vector.broadcast %while3A_235 : i32 to vector<16xi32>
          %sub3A_356 = arith.subi %get3A_109, %sub3A_355 : vector<16xi32>
          %add3A_357 = vector.broadcast %while3A_352 : i32 to vector<16xi32>
          %add3A_358 = arith.addi %sub3A_356, %add3A_357 : vector<16xi32>
          %ge3A_359 = arith.constant 0 : i32
          %ge3A_360 = vector.broadcast %ge3A_359 : i32 to vector<16xi32>
          %ge3A_361 = arith.cmpi sge, %add3A_358, %ge3A_360 : vector<16xi32>
          %lt3A_362 = arith.constant 16 : i32
          %lt3A_363 = vector.broadcast %lt3A_362 : i32 to vector<16xi32>
          %lt3A_364 = arith.cmpi slt, %add3A_358, %lt3A_363 : vector<16xi32>
          %and3A_365 = arith.andi %ge3A_361, %lt3A_364 : vector<16xi1>
          %and3A_366 = arith.andi %and3A_365, %while3A_238 : vector<16xi1>
          %sub3A_367 = vector.broadcast %while3A_235 : i32 to vector<16xi32>
          %sub3A_368 = arith.subi %get3A_107, %sub3A_367 : vector<16xi32>
          %max3A = arith.constant 0 : i32
          %max3A_369 = vector.broadcast %max3A : i32 to vector<16xi32>
          %max3A_370 = arith.maxsi %sub3A_368, %max3A_369 : vector<16xi32>
          %add3A_371 = vector.broadcast %while3A_235 : i32 to vector<16xi32>
          %add3A_372 = arith.addi %get3A_107, %add3A_371 : vector<16xi32>
          %min3A_373 = arith.constant 15 : i32
          %min3A_374 = vector.broadcast %min3A_373 : i32 to vector<16xi32>
          %min3A_375 = arith.minsi %add3A_372, %min3A_374 : vector<16xi32>
          %mul3A_376 = arith.constant 16 : i32
          %mul3A_377 = vector.broadcast %mul3A_376 : i32 to vector<16xi32>
          %mul3A_378 = arith.muli %add3A_358, %mul3A_377 : vector<16xi32>
          %add3A_379 = arith.addi %mul3A_378, %max3A_370 : vector<16xi32>
          %jit3A = arith.constant 0 : i32
          %broadcast_in_dim3A_380 = vector.broadcast %jit3A : i32 to vector<16xi32>
          %select_n3A_381 = arith.select %and3A_366, %add3A_379, %broadcast_in_dim3A_380 : vector<16xi1>, vector<16xi32>
          %add3A_382 = arith.addi %mul3A_378, %min3A_375 : vector<16xi32>
          %add3A_383 = arith.constant 1 : i32
          %add3A_384 = vector.broadcast %add3A_383 : i32 to vector<16xi32>
          %add3A_385 = arith.addi %add3A_382, %add3A_384 : vector<16xi32>
          %jit3A_386 = arith.constant 0 : i32
          %broadcast_in_dim3A_387 = vector.broadcast %jit3A_386 : i32 to vector<16xi32>
          %select_n3A_388 = arith.select %and3A_366, %add3A_385, %broadcast_in_dim3A_387 : vector<16xi1>, vector<16xi32>
          %gather3A = tpu.vector_load_idx %arg19[%select_n3A_381] : memref<272xi32, #tpu.memory_space<vmem>>[vector<16xi32>], vector<16xi32>,
          %gather3A_389 = tpu.vector_load_idx %arg19[%select_n3A_388] : memref<272xi32, #tpu.memory_space<vmem>>[vector<16xi32>], vector<16xi32>,
          %jit3A_390 = arith.constant 0 : i32
          %broadcast_in_dim3A_391 = vector.broadcast %jit3A_390 : i32 to vector<16xi32>
          %select_n3A_392 = arith.select %and3A_366, %gather3A, %broadcast_in_dim3A_391 : vector<16xi1>, vector<16xi32>
          %jit3A_393 = arith.constant 0 : i32
          %broadcast_in_dim3A_394 = vector.broadcast %jit3A_393 : i32 to vector<16xi32>
          %select_n3A_395 = arith.select %and3A_366, %gather3A_389, %broadcast_in_dim3A_394 : vector<16xi1>, vector<16xi32>
          %broadcast_in_dim3A_396 = arith.constant 3.000000e+38 : f32
          %broadcast_in_dim3A_397 = vector.broadcast %broadcast_in_dim3A_396 : f32 to vector<16xf32>
          %broadcast_in_dim3A_398 = arith.constant 1073741824 : i32
          %broadcast_in_dim3A_399 = vector.broadcast %broadcast_in_dim3A_398 : i32 to vector<16xi32>
          %while3A_400:3 = scf.while (%while3A_401 = %select_n3A_392, %while3A_402 = %while3A_353, %while3A_403 = %while3A_354) : (vector<16xi32>, vector<16xf32>, vector<16xi32>) -> (vector<16xi32>, vector<16xf32>, vector<16xi32>) {
            %lt3A_404 = arith.cmpi slt, %while3A_401, %select_n3A_395 : vector<16xi32>
            %reduce_or3A = arith.constant 1.000000e+00 : f32
            %reduce_or3A_405 = arith.constant 0.000000e+00 : f32
            %reduce_or3A_406 = vector.broadcast %reduce_or3A : f32 to vector<16xf32>
            %reduce_or3A_407 = vector.broadcast %reduce_or3A_405 : f32 to vector<16xf32>
            %reduce_or3A_408 = arith.select %lt3A_404, %reduce_or3A_406, %reduce_or3A_407 : vector<16xi1>, vector<16xf32>
            %reduce_or3A_409 = arith.constant true
            %reduce_or3A_410 = vector.broadcast %reduce_or3A_409 : i1 to vector<16xi1>
            %reduce_or3A_411 = tpu.scan <max>, %reduce_or3A_408 masked %reduce_or3A_410 : vector<16xf32>, vector<16xi1> -> vector<16xf32>
            %reduce_or3A_412 = vector.extract %reduce_or3A_411[15] : f32 from vector<16xf32>
            %reduce_or3A_413 = arith.constant 0.000000e+00 : f32
            %reduce_or3A_414 = arith.cmpf ogt, %reduce_or3A_412, %reduce_or3A_413 : f32
            scf.condition(%reduce_or3A_414) %while3A_401, %while3A_402, %while3A_403 : vector<16xi32>, vector<16xf32>, vector<16xi32>
          } do {
          ^bb0(%while3A_401: vector<16xi32>, %while3A_402: vector<16xf32>, %while3A_403: vector<16xi32>):
            %add3A_404 = arith.constant 0 : i32
            %add3A_405 = vector.broadcast %add3A_404 : i32 to vector<16xi32>
            %add3A_406 = arith.addi %while3A_401, %add3A_405 : vector<16xi32>
            %lt3A_407 = arith.cmpi slt, %add3A_406, %select_n3A_395 : vector<16xi32>
            %jit3A_408 = arith.constant 0 : i32
            %broadcast_in_dim3A_409 = vector.broadcast %jit3A_408 : i32 to vector<16xi32>
            %select_n3A_410 = arith.select %lt3A_407, %add3A_406, %broadcast_in_dim3A_409 : vector<16xi1>, vector<16xi32>
            %gather3A_411 = tpu.vector_load_idx %arg16[%select_n3A_410] : memref<2048xi32, #tpu.memory_space<vmem>>[vector<16xi32>], vector<16xi32>,
            %gather3A_412 = tpu.vector_load_idx %arg17[%select_n3A_410] : memref<2048xf32, #tpu.memory_space<vmem>>[vector<16xi32>], vector<16xf32>,
            %gather3A_413 = tpu.vector_load_idx %arg18[%select_n3A_410] : memref<2048xi32, #tpu.memory_space<vmem>>[vector<16xi32>], vector<16xi32>,
            %and3A_414 = arith.andi %gather3A_411, %broadcast_in_dim3A_87 : vector<16xi32>
            %bitcast3A = vector.bitcast %and3A_414 : vector<16xi32> to vector<16xf32>
            %shift_left3A = arith.constant 16 : i32
            %shift_left3A_415 = vector.broadcast %shift_left3A : i32 to vector<16xi32>
            %shift_left3A_416 = arith.shli %gather3A_411, %shift_left3A_415 : vector<16xi32>
            %bitcast3A_417 = vector.bitcast %shift_left3A_416 : vector<16xi32> to vector<16xf32>
            %mul3A_418 = arith.mulf %bitcast3A, %get3A_99 : vector<16xf32>
            %mul3A_419 = arith.mulf %bitcast3A_417, %get3A_101 : vector<16xf32>
            %add3A_420 = arith.addf %mul3A_418, %mul3A_419 : vector<16xf32>
            %mul3A_421 = arith.constant 2.000000e+00 : f32
            %mul3A_422 = vector.broadcast %mul3A_421 : f32 to vector<16xf32>
            %mul3A_423 = arith.mulf %mul3A_422, %add3A_420 : vector<16xf32>
            %sub3A_424 = arith.subf %gather3A_412, %mul3A_423 : vector<16xf32>
            %add3A_425 = arith.addf %sub3A_424, %get3A_103 : vector<16xf32>
            %max3A_426 = arith.constant 0.000000e+00 : f32
            %max3A_427 = vector.broadcast %max3A_426 : f32 to vector<16xf32>
            %max3A_428 = arith.maximumf %add3A_425, %max3A_427 : vector<16xf32>
            %add3A_429 = arith.constant 9.99999996E-13 : f32
            %add3A_430 = vector.broadcast %add3A_429 : f32 to vector<16xf32>
            %add3A_431 = arith.addf %max3A_428, %add3A_430 : vector<16xf32>
            %select_n3A_432 = arith.select %lt3A_407, %add3A_431, %broadcast_in_dim3A_397 : vector<16xi1>, vector<16xf32>
            %select_n3A_433 = arith.select %lt3A_407, %gather3A_413, %broadcast_in_dim3A_399 : vector<16xi1>, vector<16xi32>
            %add3A_434 = arith.constant 1 : i32
            %add3A_435 = vector.broadcast %add3A_434 : i32 to vector<16xi32>
            %add3A_436 = arith.addi %while3A_401, %add3A_435 : vector<16xi32>
            %lt3A_437 = arith.cmpi slt, %add3A_436, %select_n3A_395 : vector<16xi32>
            %jit3A_438 = arith.constant 0 : i32
            %broadcast_in_dim3A_439 = vector.broadcast %jit3A_438 : i32 to vector<16xi32>
            %select_n3A_440 = arith.select %lt3A_437, %add3A_436, %broadcast_in_dim3A_439 : vector<16xi1>, vector<16xi32>
            %gather3A_441 = tpu.vector_load_idx %arg16[%select_n3A_440] : memref<2048xi32, #tpu.memory_space<vmem>>[vector<16xi32>], vector<16xi32>,
            %gather3A_442 = tpu.vector_load_idx %arg17[%select_n3A_440] : memref<2048xf32, #tpu.memory_space<vmem>>[vector<16xi32>], vector<16xf32>,
            %gather3A_443 = tpu.vector_load_idx %arg18[%select_n3A_440] : memref<2048xi32, #tpu.memory_space<vmem>>[vector<16xi32>], vector<16xi32>,
            %and3A_444 = arith.andi %gather3A_441, %broadcast_in_dim3A_87 : vector<16xi32>
            %bitcast3A_445 = vector.bitcast %and3A_444 : vector<16xi32> to vector<16xf32>
            %shift_left3A_446 = arith.constant 16 : i32
            %shift_left3A_447 = vector.broadcast %shift_left3A_446 : i32 to vector<16xi32>
            %shift_left3A_448 = arith.shli %gather3A_441, %shift_left3A_447 : vector<16xi32>
            %bitcast3A_449 = vector.bitcast %shift_left3A_448 : vector<16xi32> to vector<16xf32>
            %mul3A_450 = arith.mulf %bitcast3A_445, %get3A_99 : vector<16xf32>
            %mul3A_451 = arith.mulf %bitcast3A_449, %get3A_101 : vector<16xf32>
            %add3A_452 = arith.addf %mul3A_450, %mul3A_451 : vector<16xf32>
            %mul3A_453 = arith.constant 2.000000e+00 : f32
            %mul3A_454 = vector.broadcast %mul3A_453 : f32 to vector<16xf32>
            %mul3A_455 = arith.mulf %mul3A_454, %add3A_452 : vector<16xf32>
            %sub3A_456 = arith.subf %gather3A_442, %mul3A_455 : vector<16xf32>
            %add3A_457 = arith.addf %sub3A_456, %get3A_103 : vector<16xf32>
            %max3A_458 = arith.constant 0.000000e+00 : f32
            %max3A_459 = vector.broadcast %max3A_458 : f32 to vector<16xf32>
            %max3A_460 = arith.maximumf %add3A_457, %max3A_459 : vector<16xf32>
            %add3A_461 = arith.constant 9.99999996E-13 : f32
            %add3A_462 = vector.broadcast %add3A_461 : f32 to vector<16xf32>
            %add3A_463 = arith.addf %max3A_460, %add3A_462 : vector<16xf32>
            %select_n3A_464 = arith.select %lt3A_437, %add3A_463, %broadcast_in_dim3A_397 : vector<16xi1>, vector<16xf32>
            %select_n3A_465 = arith.select %lt3A_437, %gather3A_443, %broadcast_in_dim3A_399 : vector<16xi1>, vector<16xi32>
            %add3A_466 = arith.constant 2 : i32
            %add3A_467 = vector.broadcast %add3A_466 : i32 to vector<16xi32>
            %add3A_468 = arith.addi %while3A_401, %add3A_467 : vector<16xi32>
            %lt3A_469 = arith.cmpi slt, %add3A_468, %select_n3A_395 : vector<16xi32>
            %jit3A_470 = arith.constant 0 : i32
            %broadcast_in_dim3A_471 = vector.broadcast %jit3A_470 : i32 to vector<16xi32>
            %select_n3A_472 = arith.select %lt3A_469, %add3A_468, %broadcast_in_dim3A_471 : vector<16xi1>, vector<16xi32>
            %gather3A_473 = tpu.vector_load_idx %arg16[%select_n3A_472] : memref<2048xi32, #tpu.memory_space<vmem>>[vector<16xi32>], vector<16xi32>,
            %gather3A_474 = tpu.vector_load_idx %arg17[%select_n3A_472] : memref<2048xf32, #tpu.memory_space<vmem>>[vector<16xi32>], vector<16xf32>,
            %gather3A_475 = tpu.vector_load_idx %arg18[%select_n3A_472] : memref<2048xi32, #tpu.memory_space<vmem>>[vector<16xi32>], vector<16xi32>,
            %and3A_476 = arith.andi %gather3A_473, %broadcast_in_dim3A_87 : vector<16xi32>
            %bitcast3A_477 = vector.bitcast %and3A_476 : vector<16xi32> to vector<16xf32>
            %shift_left3A_478 = arith.constant 16 : i32
            %shift_left3A_479 = vector.broadcast %shift_left3A_478 : i32 to vector<16xi32>
            %shift_left3A_480 = arith.shli %gather3A_473, %shift_left3A_479 : vector<16xi32>
            %bitcast3A_481 = vector.bitcast %shift_left3A_480 : vector<16xi32> to vector<16xf32>
            %mul3A_482 = arith.mulf %bitcast3A_477, %get3A_99 : vector<16xf32>
            %mul3A_483 = arith.mulf %bitcast3A_481, %get3A_101 : vector<16xf32>
            %add3A_484 = arith.addf %mul3A_482, %mul3A_483 : vector<16xf32>
            %mul3A_485 = arith.constant 2.000000e+00 : f32
            %mul3A_486 = vector.broadcast %mul3A_485 : f32 to vector<16xf32>
            %mul3A_487 = arith.mulf %mul3A_486, %add3A_484 : vector<16xf32>
            %sub3A_488 = arith.subf %gather3A_474, %mul3A_487 : vector<16xf32>
            %add3A_489 = arith.addf %sub3A_488, %get3A_103 : vector<16xf32>
            %max3A_490 = arith.constant 0.000000e+00 : f32
            %max3A_491 = vector.broadcast %max3A_490 : f32 to vector<16xf32>
            %max3A_492 = arith.maximumf %add3A_489, %max3A_491 : vector<16xf32>
            %add3A_493 = arith.constant 9.99999996E-13 : f32
            %add3A_494 = vector.broadcast %add3A_493 : f32 to vector<16xf32>
            %add3A_495 = arith.addf %max3A_492, %add3A_494 : vector<16xf32>
            %select_n3A_496 = arith.select %lt3A_469, %add3A_495, %broadcast_in_dim3A_397 : vector<16xi1>, vector<16xf32>
            %select_n3A_497 = arith.select %lt3A_469, %gather3A_475, %broadcast_in_dim3A_399 : vector<16xi1>, vector<16xi32>
            %add3A_498 = arith.constant 3 : i32
            %add3A_499 = vector.broadcast %add3A_498 : i32 to vector<16xi32>
            %add3A_500 = arith.addi %while3A_401, %add3A_499 : vector<16xi32>
            %lt3A_501 = arith.cmpi slt, %add3A_500, %select_n3A_395 : vector<16xi32>
            %jit3A_502 = arith.constant 0 : i32
            %broadcast_in_dim3A_503 = vector.broadcast %jit3A_502 : i32 to vector<16xi32>
            %select_n3A_504 = arith.select %lt3A_501, %add3A_500, %broadcast_in_dim3A_503 : vector<16xi1>, vector<16xi32>
            %gather3A_505 = tpu.vector_load_idx %arg16[%select_n3A_504] : memref<2048xi32, #tpu.memory_space<vmem>>[vector<16xi32>], vector<16xi32>,
            %gather3A_506 = tpu.vector_load_idx %arg17[%select_n3A_504] : memref<2048xf32, #tpu.memory_space<vmem>>[vector<16xi32>], vector<16xf32>,
            %gather3A_507 = tpu.vector_load_idx %arg18[%select_n3A_504] : memref<2048xi32, #tpu.memory_space<vmem>>[vector<16xi32>], vector<16xi32>,
            %and3A_508 = arith.andi %gather3A_505, %broadcast_in_dim3A_87 : vector<16xi32>
            %bitcast3A_509 = vector.bitcast %and3A_508 : vector<16xi32> to vector<16xf32>
            %shift_left3A_510 = arith.constant 16 : i32
            %shift_left3A_511 = vector.broadcast %shift_left3A_510 : i32 to vector<16xi32>
            %shift_left3A_512 = arith.shli %gather3A_505, %shift_left3A_511 : vector<16xi32>
            %bitcast3A_513 = vector.bitcast %shift_left3A_512 : vector<16xi32> to vector<16xf32>
            %mul3A_514 = arith.mulf %bitcast3A_509, %get3A_99 : vector<16xf32>
            %mul3A_515 = arith.mulf %bitcast3A_513, %get3A_101 : vector<16xf32>
            %add3A_516 = arith.addf %mul3A_514, %mul3A_515 : vector<16xf32>
            %mul3A_517 = arith.constant 2.000000e+00 : f32
            %mul3A_518 = vector.broadcast %mul3A_517 : f32 to vector<16xf32>
            %mul3A_519 = arith.mulf %mul3A_518, %add3A_516 : vector<16xf32>
            %sub3A_520 = arith.subf %gather3A_506, %mul3A_519 : vector<16xf32>
            %add3A_521 = arith.addf %sub3A_520, %get3A_103 : vector<16xf32>
            %max3A_522 = arith.constant 0.000000e+00 : f32
            %max3A_523 = vector.broadcast %max3A_522 : f32 to vector<16xf32>
            %max3A_524 = arith.maximumf %add3A_521, %max3A_523 : vector<16xf32>
            %add3A_525 = arith.constant 9.99999996E-13 : f32
            %add3A_526 = vector.broadcast %add3A_525 : f32 to vector<16xf32>
            %add3A_527 = arith.addf %max3A_524, %add3A_526 : vector<16xf32>
            %select_n3A_528 = arith.select %lt3A_501, %add3A_527, %broadcast_in_dim3A_397 : vector<16xi1>, vector<16xf32>
            %select_n3A_529 = arith.select %lt3A_501, %gather3A_507, %broadcast_in_dim3A_399 : vector<16xi1>, vector<16xi32>
            %lt3A_530 = arith.cmpf olt, %select_n3A_464, %select_n3A_432 : vector<16xf32>
            %eq3A_531 = arith.cmpf oeq, %select_n3A_464, %select_n3A_432 : vector<16xf32>
            %lt3A_532 = arith.cmpi slt, %select_n3A_465, %select_n3A_433 : vector<16xi32>
            %and3A_533 = arith.andi %eq3A_531, %lt3A_532 : vector<16xi1>
            %or3A_534 = arith.ori %lt3A_530, %and3A_533 : vector<16xi1>
            %select_n3A_535 = arith.select %or3A_534, %select_n3A_464, %select_n3A_432 : vector<16xi1>, vector<16xf32>
            %select_n3A_536 = arith.select %or3A_534, %select_n3A_465, %select_n3A_433 : vector<16xi1>, vector<16xi32>
            %lt3A_537 = arith.cmpf olt, %select_n3A_528, %select_n3A_496 : vector<16xf32>
            %eq3A_538 = arith.cmpf oeq, %select_n3A_528, %select_n3A_496 : vector<16xf32>
            %lt3A_539 = arith.cmpi slt, %select_n3A_529, %select_n3A_497 : vector<16xi32>
            %and3A_540 = arith.andi %eq3A_538, %lt3A_539 : vector<16xi1>
            %or3A_541 = arith.ori %lt3A_537, %and3A_540 : vector<16xi1>
            %select_n3A_542 = arith.select %or3A_541, %select_n3A_528, %select_n3A_496 : vector<16xi1>, vector<16xf32>
            %select_n3A_543 = arith.select %or3A_541, %select_n3A_529, %select_n3A_497 : vector<16xi1>, vector<16xi32>
            %lt3A_544 = arith.cmpf olt, %select_n3A_542, %select_n3A_535 : vector<16xf32>
            %eq3A_545 = arith.cmpf oeq, %select_n3A_542, %select_n3A_535 : vector<16xf32>
            %lt3A_546 = arith.cmpi slt, %select_n3A_543, %select_n3A_536 : vector<16xi32>
            %and3A_547 = arith.andi %eq3A_545, %lt3A_546 : vector<16xi1>
            %or3A_548 = arith.ori %lt3A_544, %and3A_547 : vector<16xi1>
            %select_n3A_549 = arith.select %or3A_548, %select_n3A_542, %select_n3A_535 : vector<16xi1>, vector<16xf32>
            %select_n3A_550 = arith.select %or3A_548, %select_n3A_543, %select_n3A_536 : vector<16xi1>, vector<16xi32>
            %lt3A_551 = arith.cmpf olt, %select_n3A_549, %while3A_402 : vector<16xf32>
            %eq3A_552 = arith.cmpf oeq, %select_n3A_549, %while3A_402 : vector<16xf32>
            %lt3A_553 = arith.cmpi slt, %select_n3A_550, %while3A_403 : vector<16xi32>
            %and3A_554 = arith.andi %eq3A_552, %lt3A_553 : vector<16xi1>
            %or3A_555 = arith.ori %lt3A_551, %and3A_554 : vector<16xi1>
            %select_n3A_556 = arith.select %or3A_555, %select_n3A_549, %while3A_402 : vector<16xi1>, vector<16xf32>
            %select_n3A_557 = arith.select %or3A_555, %select_n3A_550, %while3A_403 : vector<16xi1>, vector<16xi32>
            %add3A_558 = arith.constant 4 : i32
            %add3A_559 = vector.broadcast %add3A_558 : i32 to vector<16xi32>
            %add3A_560 = arith.addi %while3A_401, %add3A_559 : vector<16xi32>
            %min3A_561 = arith.minsi %add3A_560, %select_n3A_395 : vector<16xi32>
            scf.yield %min3A_561, %select_n3A_556, %select_n3A_557 : vector<16xi32>, vector<16xf32>, vector<16xi32>
          }
          scf.yield %while3A_400#1, %while3A_400#2 : vector<16xf32>, vector<16xi32>
        }
        %broadcast_in_dim3A_254 = arith.constant 3.000000e+38 : f32
        %broadcast_in_dim3A_255 = vector.broadcast %broadcast_in_dim3A_254 : f32 to vector<16xf32>
        %sub3A_256 = vector.broadcast %while3A_235 : i32 to vector<16xi32>
        %sub3A_257 = arith.subi %get3A_107, %sub3A_256 : vector<16xi32>
        %gt3A_258 = arith.constant 0 : i32
        %gt3A_259 = vector.broadcast %gt3A_258 : i32 to vector<16xi32>
        %gt3A_260 = arith.cmpi sgt, %sub3A_257, %gt3A_259 : vector<16xi32>
        %sub3A_261 = vector.broadcast %while3A_235 : i32 to vector<16xi32>
        %sub3A_262 = arith.subi %get3A_107, %sub3A_261 : vector<16xi32>
        %convert_element_type3A_263 = arith.sitofp %sub3A_262 : vector<16xi32> to vector<16xf32>
        %mul3A_264 = arith.constant 6.250000e-02 : f32
        %mul3A_265 = vector.broadcast %mul3A_264 : f32 to vector<16xf32>
        %mul3A_266 = arith.mulf %convert_element_type3A_263, %mul3A_265 : vector<16xf32>
        %sub3A_267 = arith.subf %get3A_99, %mul3A_266 : vector<16xf32>
        %select_n3A_268 = arith.select %gt3A_260, %sub3A_267, %broadcast_in_dim3A_255 : vector<16xi1>, vector<16xf32>
        %add3A_269 = vector.broadcast %while3A_235 : i32 to vector<16xi32>
        %add3A_270 = arith.addi %get3A_107, %add3A_269 : vector<16xi32>
        %lt3A_271 = arith.constant 15 : i32
        %lt3A_272 = vector.broadcast %lt3A_271 : i32 to vector<16xi32>
        %lt3A_273 = arith.cmpi slt, %add3A_270, %lt3A_272 : vector<16xi32>
        %add3A_274 = vector.broadcast %while3A_235 : i32 to vector<16xi32>
        %add3A_275 = arith.addi %get3A_107, %add3A_274 : vector<16xi32>
        %add3A_276 = arith.constant 1 : i32
        %add3A_277 = vector.broadcast %add3A_276 : i32 to vector<16xi32>
        %add3A_278 = arith.addi %add3A_275, %add3A_277 : vector<16xi32>
        %convert_element_type3A_279 = arith.sitofp %add3A_278 : vector<16xi32> to vector<16xf32>
        %mul3A_280 = arith.constant 6.250000e-02 : f32
        %mul3A_281 = vector.broadcast %mul3A_280 : f32 to vector<16xf32>
        %mul3A_282 = arith.mulf %convert_element_type3A_279, %mul3A_281 : vector<16xf32>
        %sub3A_283 = arith.subf %mul3A_282, %get3A_99 : vector<16xf32>
        %select_n3A_284 = arith.select %lt3A_273, %sub3A_283, %broadcast_in_dim3A_255 : vector<16xi1>, vector<16xf32>
        %sub3A_285 = vector.broadcast %while3A_235 : i32 to vector<16xi32>
        %sub3A_286 = arith.subi %get3A_109, %sub3A_285 : vector<16xi32>
        %gt3A_287 = arith.constant 0 : i32
        %gt3A_288 = vector.broadcast %gt3A_287 : i32 to vector<16xi32>
        %gt3A_289 = arith.cmpi sgt, %sub3A_286, %gt3A_288 : vector<16xi32>
        %sub3A_290 = vector.broadcast %while3A_235 : i32 to vector<16xi32>
        %sub3A_291 = arith.subi %get3A_109, %sub3A_290 : vector<16xi32>
        %convert_element_type3A_292 = arith.sitofp %sub3A_291 : vector<16xi32> to vector<16xf32>
        %mul3A_293 = arith.constant 6.250000e-02 : f32
        %mul3A_294 = vector.broadcast %mul3A_293 : f32 to vector<16xf32>
        %mul3A_295 = arith.mulf %convert_element_type3A_292, %mul3A_294 : vector<16xf32>
        %sub3A_296 = arith.subf %get3A_101, %mul3A_295 : vector<16xf32>
        %select_n3A_297 = arith.select %gt3A_289, %sub3A_296, %broadcast_in_dim3A_255 : vector<16xi1>, vector<16xf32>
        %add3A_298 = vector.broadcast %while3A_235 : i32 to vector<16xi32>
        %add3A_299 = arith.addi %get3A_109, %add3A_298 : vector<16xi32>
        %lt3A_300 = arith.constant 15 : i32
        %lt3A_301 = vector.broadcast %lt3A_300 : i32 to vector<16xi32>
        %lt3A_302 = arith.cmpi slt, %add3A_299, %lt3A_301 : vector<16xi32>
        %add3A_303 = vector.broadcast %while3A_235 : i32 to vector<16xi32>
        %add3A_304 = arith.addi %get3A_109, %add3A_303 : vector<16xi32>
        %add3A_305 = arith.constant 1 : i32
        %add3A_306 = vector.broadcast %add3A_305 : i32 to vector<16xi32>
        %add3A_307 = arith.addi %add3A_304, %add3A_306 : vector<16xi32>
        %convert_element_type3A_308 = arith.sitofp %add3A_307 : vector<16xi32> to vector<16xf32>
        %mul3A_309 = arith.constant 6.250000e-02 : f32
        %mul3A_310 = vector.broadcast %mul3A_309 : f32 to vector<16xf32>
        %mul3A_311 = arith.mulf %convert_element_type3A_308, %mul3A_310 : vector<16xf32>
        %sub3A_312 = arith.subf %mul3A_311, %get3A_101 : vector<16xf32>
        %select_n3A_313 = arith.select %lt3A_302, %sub3A_312, %broadcast_in_dim3A_255 : vector<16xi1>, vector<16xf32>
        %min3A_314 = arith.minimumf %select_n3A_268, %select_n3A_284 : vector<16xf32>
        %min3A_315 = arith.minimumf %select_n3A_297, %select_n3A_313 : vector<16xf32>
        %min3A_316 = arith.minimumf %min3A_314, %min3A_315 : vector<16xf32>
        %sub3A_317 = vector.broadcast %while3A_235 : i32 to vector<16xi32>
        %sub3A_318 = arith.subi %get3A_107, %sub3A_317 : vector<16xi32>
        %le3A_319 = arith.constant 0 : i32
        %le3A_320 = vector.broadcast %le3A_319 : i32 to vector<16xi32>
        %le3A_321 = arith.cmpi sle, %sub3A_318, %le3A_320 : vector<16xi32>
        %add3A_322 = vector.broadcast %while3A_235 : i32 to vector<16xi32>
        %add3A_323 = arith.addi %get3A_107, %add3A_322 : vector<16xi32>
        %ge3A_324 = arith.constant 15 : i32
        %ge3A_325 = vector.broadcast %ge3A_324 : i32 to vector<16xi32>
        %ge3A_326 = arith.cmpi sge, %add3A_323, %ge3A_325 : vector<16xi32>
        %and3A_327 = arith.andi %le3A_321, %ge3A_326 : vector<16xi1>
        %sub3A_328 = vector.broadcast %while3A_235 : i32 to vector<16xi32>
        %sub3A_329 = arith.subi %get3A_109, %sub3A_328 : vector<16xi32>
        %le3A_330 = arith.constant 0 : i32
        %le3A_331 = vector.broadcast %le3A_330 : i32 to vector<16xi32>
        %le3A_332 = arith.cmpi sle, %sub3A_329, %le3A_331 : vector<16xi32>
        %and3A_333 = arith.andi %and3A_327, %le3A_332 : vector<16xi1>
        %add3A_334 = vector.broadcast %while3A_235 : i32 to vector<16xi32>
        %add3A_335 = arith.addi %get3A_109, %add3A_334 : vector<16xi32>
        %ge3A_336 = arith.constant 15 : i32
        %ge3A_337 = vector.broadcast %ge3A_336 : i32 to vector<16xi32>
        %ge3A_338 = arith.cmpi sge, %add3A_335, %ge3A_337 : vector<16xi32>
        %and3A_339 = arith.andi %and3A_333, %ge3A_338 : vector<16xi1>
        %mul3A_340 = arith.mulf %min3A_316, %min3A_316 : vector<16xf32>
        %mul3A_341 = arith.constant 0.999998986 : f32
        %mul3A_342 = vector.broadcast %mul3A_341 : f32 to vector<16xf32>
        %mul3A_343 = arith.mulf %mul3A_340, %mul3A_342 : vector<16xf32>
        %add3A_344 = arith.addf %while3A_253#0, %get3A_105 : vector<16xf32>
        %gt3A_345 = arith.cmpf ogt, %mul3A_343, %add3A_344 : vector<16xf32>
        %or3A_346 = arith.ori %and3A_339, %gt3A_345 : vector<16xi1>
        %not3A_347 = arith.constant dense<true> : vector<16xi1>
        %not3A_348 = arith.xori %or3A_346, %not3A_347 : vector<16xi1>
        %and3A_349 = arith.andi %while3A_238, %not3A_348 : vector<16xi1>
        %add3A_350 = arith.constant 1 : i32
        %add3A_351 = arith.addi %while3A_235, %add3A_350 : i32
        scf.yield %add3A_351, %while3A_253#0, %while3A_253#1, %and3A_349 : i32, vector<16xf32>, vector<16xi32>, vector<16xi1>
      }
      %swap3A_230 = arith.index_cast %mul3A_98 : i32 to index
      %swap3A_231 = tpu.vector_load %arg26[%swap3A_230] {strides = array<i32>} : memref<256xf32, #tpu.memory_space<vmem>>, vector<16xf32>,
      tpu.vector_store %arg26[%swap3A_230], %while3A_229#1 {strides = array<i32>} : memref<256xf32, #tpu.memory_space<vmem>>, vector<16xf32>,
      %swap3A_232 = arith.index_cast %mul3A_98 : i32 to index
      %swap3A_233 = tpu.vector_load %arg27[%swap3A_232] {strides = array<i32>} : memref<256xi32, #tpu.memory_space<vmem>>, vector<16xi32>,
      tpu.vector_store %arg27[%swap3A_232], %while3A_229#2 {strides = array<i32>} : memref<256xi32, #tpu.memory_space<vmem>>, vector<16xi32>,
      %scan3A_234 = arith.constant 0 : i32
      scf.yield %scan3A_234 : i32
    }
    %scan3A_94 = arith.constant 16 : i32
    "tpu.region"() ({
      %run_scoped3A = tpu.sem_alloc : memref<!tpu.dma_semaphore, #tpu.memory_space<semaphore_mem>>
      %dma_start3A = tpu.memref_slice %arg11[%mul3A_2] : memref<8192xf32, #tpu.memory_space<hbm>> -> memref<256xf32, #tpu.memory_space<hbm>>
      %dma_start3A_95 = tpu.memref_slice %arg11[%mul3A_2] : memref<8192xf32, #tpu.memory_space<hbm>> -> memref<256xf32, #tpu.memory_space<hbm>>
      tpu.enqueue_dma source(%arg26 : memref<256xf32, #tpu.memory_space<vmem>>) target(%dma_start3A_95 : memref<256xf32, #tpu.memory_space<hbm>>) target_semaphore(%run_scoped3A : memref<!tpu.dma_semaphore, #tpu.memory_space<semaphore_mem>>)
      %dma_wait3A = tpu.memref_slice %arg11[%mul3A_2] : memref<8192xf32, #tpu.memory_space<hbm>> -> memref<256xf32, #tpu.memory_space<hbm>>
      %dma_wait3A_96 = tpu.memref_slice %arg11[%mul3A_2] : memref<8192xf32, #tpu.memory_space<hbm>> -> memref<256xf32, #tpu.memory_space<hbm>>
      tpu.wait_dma2 semaphore(%run_scoped3A : memref<!tpu.dma_semaphore, #tpu.memory_space<semaphore_mem>>) src(%arg26 : memref<256xf32, #tpu.memory_space<vmem>>) dst(%dma_wait3A_96 : memref<256xf32, #tpu.memory_space<hbm>>)
      tpu.yield
    }) : () -> ()
    "tpu.region"() ({
      %run_scoped3A = tpu.sem_alloc : memref<!tpu.dma_semaphore, #tpu.memory_space<semaphore_mem>>
      %dma_start3A = tpu.memref_slice %arg12[%mul3A_2] : memref<8192xi32, #tpu.memory_space<hbm>> -> memref<256xi32, #tpu.memory_space<hbm>>
      %dma_start3A_95 = tpu.memref_slice %arg12[%mul3A_2] : memref<8192xi32, #tpu.memory_space<hbm>> -> memref<256xi32, #tpu.memory_space<hbm>>
      tpu.enqueue_dma source(%arg27 : memref<256xi32, #tpu.memory_space<vmem>>) target(%dma_start3A_95 : memref<256xi32, #tpu.memory_space<hbm>>) target_semaphore(%run_scoped3A : memref<!tpu.dma_semaphore, #tpu.memory_space<semaphore_mem>>)
      %dma_wait3A = tpu.memref_slice %arg12[%mul3A_2] : memref<8192xi32, #tpu.memory_space<hbm>> -> memref<256xi32, #tpu.memory_space<hbm>>
      %dma_wait3A_96 = tpu.memref_slice %arg12[%mul3A_2] : memref<8192xi32, #tpu.memory_space<hbm>> -> memref<256xi32, #tpu.memory_space<hbm>>
      tpu.wait_dma2 semaphore(%run_scoped3A : memref<!tpu.dma_semaphore, #tpu.memory_space<semaphore_mem>>) src(%arg27 : memref<256xi32, #tpu.memory_space<vmem>>) dst(%dma_wait3A_96 : memref<256xi32, #tpu.memory_space<hbm>>)
      tpu.yield
    }) : () -> ()
    return
  }
}

module attributes {stable_mosaic.version = 14 : i64} {
  func.func @_nn_tile_kernel(%arg0: i32, %arg1: memref<2048x8xbf16, #tpu.memory_space<vmem>>, %arg2: memref<2048x8xf32, #tpu.memory_space<vmem>>, %arg3: memref<8x2048xbf16, #tpu.memory_space<vmem>>, %arg4: memref<2x2048xf32, #tpu.memory_space<vmem>>, %arg5: memref<1x2048xf32, #tpu.memory_space<vmem>>, %arg6: memref<1x2048xi32, #tpu.memory_space<vmem>>, %arg7: memref<1x2048xi32, #tpu.memory_space<vmem>>) attributes {dimension_semantics = [#tpu.dimension_semantics<arbitrary>], iteration_bounds = array<i64: 28>, scalar_prefetch = 0 : i64, scratch_operands = 0 : i64, tpu.core_type = #tpu.core_type<tc>, window_params = [{pipeline_mode = #tpu.pipeline_mode<synchronous>, transform_indices = @transform_0, window_bounds = array<i64: 2048, 8>}, {pipeline_mode = #tpu.pipeline_mode<synchronous>, transform_indices = @transform_1, window_bounds = array<i64: 2048, 8>}, {transform_indices = @transform_2, window_bounds = array<i64: 8, 2048>}, {transform_indices = @transform_3, window_bounds = array<i64: 2, 2048>}, {transform_indices = @transform_4, window_bounds = array<i64: 1, 2048>}, {transform_indices = @transform_5, window_bounds = array<i64: 1, 2048>}, {transform_indices = @transform_6, window_bounds = array<i64: 1, 2048>}]} {
    %get3A = arith.constant 0 : index
    %get3A_0 = arith.constant 0 : index
    %get3A_1 = vector.load %arg2[%get3A, %get3A_0] : memref<2048x8xf32, #tpu.memory_space<vmem>>, vector<2048x1xf32>
    %get3A_2 = arith.constant 0 : index
    %get3A_3 = arith.constant 0 : index
    %get3A_4 = vector.load %arg4[%get3A_2, %get3A_3] : memref<2x2048xf32, #tpu.memory_space<vmem>>, vector<1x2048xf32>
    %get3A_5 = arith.constant 0 : index
    %get3A_6 = arith.constant 0 : index
    %get3A_7 = vector.load %arg1[%get3A_5, %get3A_6] : memref<2048x8xbf16, #tpu.memory_space<vmem>>, vector<2048x8xbf16>
    %get3A_8 = arith.constant 0 : index
    %get3A_9 = arith.constant 0 : index
    %get3A_10 = vector.load %arg3[%get3A_8, %get3A_9] : memref<8x2048xbf16, #tpu.memory_space<vmem>>, vector<8x2048xbf16>
    %dot_general3A = arith.constant dense<0.000000e+00> : vector<2048x2048xf32>
    %dot_general3A_11 = tpu.matmul %get3A_7, %get3A_10, %dot_general3A {dimension_numbers = #tpu.dot_dimension_numbers<[1], [0], [0], [1], [0, 0, 1, 1], [], []>, transpose_lhs_hint = false} : vector<2048x8xbf16>, vector<8x2048xbf16>, vector<2048x2048xf32> -> vector<2048x2048xf32>
    %add3A = vector.broadcast %get3A_1 : vector<2048x1xf32> to vector<2048x2048xf32>
    %add3A_12 = arith.addf %add3A, %dot_general3A_11 : vector<2048x2048xf32>
    %add3A_13 = vector.broadcast %get3A_4 : vector<1x2048xf32> to vector<2048x2048xf32>
    %add3A_14 = arith.addf %add3A_12, %add3A_13 : vector<2048x2048xf32>
    %reduce_min3A = arith.constant dense<0x7F800000> : vector<2048xf32>
    %reduce_min3A_15 = vector.multi_reduction <minimumf>, %add3A_14, %reduce_min3A [0] : vector<2048x2048xf32> to vector<2048xf32>
    %broadcast_in_dim3A = vector.shape_cast %reduce_min3A_15 : vector<2048xf32> to vector<1x2048xf32>
    %max3A = arith.constant 0.000000e+00 : f32
    %max3A_16 = vector.broadcast %max3A : f32 to vector<1x2048xf32>
    %max3A_17 = arith.maximumf %broadcast_in_dim3A, %max3A_16 : vector<1x2048xf32>
    %iota3A = tpu.iota {dimensions = array<i32: 0>} : vector<2048x2048xi32>
    %le3A = vector.broadcast %max3A_17 : vector<1x2048xf32> to vector<2048x2048xf32>
    %le3A_18 = arith.cmpf ole, %add3A_14, %le3A : vector<2048x2048xf32>
    %jit3A = arith.constant 2048 : i32
    %broadcast_in_dim3A_19 = vector.broadcast %jit3A : i32 to vector<2048x2048xi32>
    %select_n3A = arith.select %le3A_18, %iota3A, %broadcast_in_dim3A_19 : vector<2048x2048xi1>, vector<2048x2048xi32>
    %reduce_min3A_20 = arith.constant dense<2147483647> : vector<2048xi32>
    %reduce_min3A_21 = vector.multi_reduction <minsi>, %select_n3A, %reduce_min3A_20 [0] : vector<2048x2048xi32> to vector<2048xi32>
    %broadcast_in_dim3A_22 = vector.shape_cast %reduce_min3A_21 : vector<2048xi32> to vector<1x2048xi32>
    %le3A_23 = arith.constant 0.000000e+00 : f32
    %le3A_24 = vector.broadcast %le3A_23 : f32 to vector<1x2048xf32>
    %le3A_25 = arith.cmpf ole, %broadcast_in_dim3A, %le3A_24 : vector<1x2048xf32>
    %jit3A_26 = arith.constant 9.99999996E-13 : f32
    %broadcast_in_dim3A_27 = vector.broadcast %jit3A_26 : f32 to vector<1x2048xf32>
    %select_n3A_28 = arith.select %le3A_25, %broadcast_in_dim3A_27, %broadcast_in_dim3A : vector<1x2048xi1>, vector<1x2048xf32>
    %sqrt3A = math.sqrt %select_n3A_28 : vector<1x2048xf32>
    %swap3A = arith.constant 0 : index
    %swap3A_29 = arith.constant 0 : index
    %swap3A_30 = vector.load %arg5[%swap3A, %swap3A_29] : memref<1x2048xf32, #tpu.memory_space<vmem>>, vector<1x2048xf32>
    tpu.vector_store %arg5[%swap3A, %swap3A_29], %sqrt3A {strides = array<i32>} : memref<1x2048xf32, #tpu.memory_space<vmem>>, vector<1x2048xf32>,
    %swap3A_31 = arith.constant 0 : index
    %swap3A_32 = arith.constant 0 : index
    %swap3A_33 = vector.load %arg6[%swap3A_31, %swap3A_32] : memref<1x2048xi32, #tpu.memory_space<vmem>>, vector<1x2048xi32>
    tpu.vector_store %arg6[%swap3A_31, %swap3A_32], %broadcast_in_dim3A_22 {strides = array<i32>} : memref<1x2048xi32, #tpu.memory_space<vmem>>, vector<1x2048xi32>,
    %lt3A = arith.constant 5.000000e-02 : f32
    %lt3A_34 = vector.broadcast %lt3A : f32 to vector<1x2048xf32>
    %lt3A_35 = arith.cmpf olt, %sqrt3A, %lt3A_34 : vector<1x2048xf32>
    %swap3A_36 = arith.constant 0 : index
    %swap3A_37 = arith.constant 0 : index
    %swap3A_38 = vector.load %arg7[%swap3A_36, %swap3A_37] : memref<1x2048xi32, #tpu.memory_space<vmem>>, vector<1x2048xi32>
    %swap3A_39 = arith.extui %lt3A_35 : vector<1x2048xi1> to vector<1x2048xi32>
    %swap3A_40 = arith.constant dense<0> : vector<1x2048xi32>
    %swap3A_41 = arith.cmpi ne, %swap3A_38, %swap3A_40 : vector<1x2048xi32>
    tpu.vector_store %arg7[%swap3A_36, %swap3A_37], %swap3A_39 {strides = array<i32>} : memref<1x2048xi32, #tpu.memory_space<vmem>>, vector<1x2048xi32>,
    return
  }
  func.func @transform_0(%arg0: i32) -> (i32, i32) {
    %c0_i32 = arith.constant 0 : i32
    %c0_i32_0 = arith.constant 0 : i32
    %c0_i32_1 = arith.constant 0 : i32
    return %c0_i32, %c0_i32_0 : i32, i32
  }
  func.func @transform_1(%arg0: i32) -> (i32, i32) {
    %c0_i32 = arith.constant 0 : i32
    %c0_i32_0 = arith.constant 0 : i32
    %c0_i32_1 = arith.constant 0 : i32
    return %c0_i32, %c0_i32_0 : i32, i32
  }
  func.func @transform_2(%arg0: i32) -> (i32, i32) {
    %c0_i32 = arith.constant 0 : i32
    %c0_i32_0 = arith.constant 0 : i32
    return %c0_i32, %arg0 : i32, i32
  }
  func.func @transform_3(%arg0: i32) -> (i32, i32) {
    %c0_i32 = arith.constant 0 : i32
    %c0_i32_0 = arith.constant 0 : i32
    return %c0_i32, %arg0 : i32, i32
  }
  func.func @transform_4(%arg0: i32) -> (i32, i32) {
    %c0_i32 = arith.constant 0 : i32
    %c0_i32_0 = arith.constant 0 : i32
    return %c0_i32, %arg0 : i32, i32
  }
  func.func @transform_5(%arg0: i32) -> (i32, i32) {
    %c0_i32 = arith.constant 0 : i32
    %c0_i32_0 = arith.constant 0 : i32
    return %c0_i32, %arg0 : i32, i32
  }
  func.func @transform_6(%arg0: i32) -> (i32, i32) {
    %c0_i32 = arith.constant 0 : i32
    %c0_i32_0 = arith.constant 0 : i32
    return %c0_i32, %arg0 : i32, i32
  }
}

module attributes {stable_mosaic.version = 14 : i64} {
  func.func @_epilogue_kernel(%arg0: i32, %arg1: memref<1x8192xf32, #tpu.memory_space<vmem>>, %arg2: memref<1x8192xf32, #tpu.memory_space<vmem>>, %arg3: memref<1x8192xi32, #tpu.memory_space<vmem>>) attributes {dimension_semantics = [#tpu.dimension_semantics<arbitrary>], iteration_bounds = array<i64: 1>, scalar_prefetch = 0 : i64, scratch_operands = 0 : i64, tpu.core_type = #tpu.core_type<tc>, window_params = [{pipeline_mode = #tpu.pipeline_mode<synchronous>, transform_indices = @transform_0, window_bounds = array<i64: 1, 8192>}, {pipeline_mode = #tpu.pipeline_mode<synchronous>, transform_indices = @transform_1, window_bounds = array<i64: 1, 8192>}, {pipeline_mode = #tpu.pipeline_mode<synchronous>, transform_indices = @transform_2, window_bounds = array<i64: 1, 8192>}]} {
    %get3A = arith.constant 0 : index
    %get3A_0 = arith.constant 0 : index
    %get3A_1 = vector.load %arg1[%get3A, %get3A_0] : memref<1x8192xf32, #tpu.memory_space<vmem>>, vector<1x8192xf32>
    %sqrt3A = math.sqrt %get3A_1 : vector<1x8192xf32>
    %swap3A = arith.constant 0 : index
    %swap3A_2 = arith.constant 0 : index
    %swap3A_3 = vector.load %arg2[%swap3A, %swap3A_2] : memref<1x8192xf32, #tpu.memory_space<vmem>>, vector<1x8192xf32>
    tpu.vector_store %arg2[%swap3A, %swap3A_2], %sqrt3A {strides = array<i32>} : memref<1x8192xf32, #tpu.memory_space<vmem>>, vector<1x8192xf32>,
    %lt3A = arith.constant 5.000000e-02 : f32
    %lt3A_4 = vector.broadcast %lt3A : f32 to vector<1x8192xf32>
    %lt3A_5 = arith.cmpf olt, %sqrt3A, %lt3A_4 : vector<1x8192xf32>
    %swap3A_6 = arith.constant 0 : index
    %swap3A_7 = arith.constant 0 : index
    %swap3A_8 = vector.load %arg3[%swap3A_6, %swap3A_7] : memref<1x8192xi32, #tpu.memory_space<vmem>>, vector<1x8192xi32>
    %swap3A_9 = arith.extui %lt3A_5 : vector<1x8192xi1> to vector<1x8192xi32>
    %swap3A_10 = arith.constant dense<0> : vector<1x8192xi32>
    %swap3A_11 = arith.cmpi ne, %swap3A_8, %swap3A_10 : vector<1x8192xi32>
    tpu.vector_store %arg3[%swap3A_6, %swap3A_7], %swap3A_9 {strides = array<i32>} : memref<1x8192xi32, #tpu.memory_space<vmem>>, vector<1x8192xi32>,
    return
  }
  func.func @transform_0(%arg0: i32) -> (i32, i32) {
    %c0_i32 = arith.constant 0 : i32
    %c0_i32_0 = arith.constant 0 : i32
    %c0_i32_1 = arith.constant 0 : i32
    return %c0_i32, %c0_i32_0 : i32, i32
  }
  func.func @transform_1(%arg0: i32) -> (i32, i32) {
    %c0_i32 = arith.constant 0 : i32
    %c0_i32_0 = arith.constant 0 : i32
    %c0_i32_1 = arith.constant 0 : i32
    return %c0_i32, %c0_i32_0 : i32, i32
  }
  func.func @transform_2(%arg0: i32) -> (i32, i32) {
    %c0_i32 = arith.constant 0 : i32
    %c0_i32_0 = arith.constant 0 : i32
    %c0_i32_1 = arith.constant 0 : i32
    return %c0_i32, %c0_i32_0 : i32, i32
  }
}

</mosaic_0001>

<sc_bundles>
// kernel: kernel.5.cloned.1.call-start
scs
__scs_entry_jumppad:
0x0: {  	(pc) =	sbr.rel $0x88, $3  }
0x1: {  	(tag) =	ssettag $0x0;
	lr =	simm.s32 $0x1  }
0x2: {  	[smem:$0x3F9E] =	sst lr;
	_ =	strace $0xD0000000  }
0x3: {  	_ = 	snop  }
0x4: {  	_ = 	snop  }
0x5: {  	_ = 	snop  }
0x6: {  	_ = 	snop  }
0x7: {  	_ = 	snop  }
__scs_overlays_trampoline_lowered:
0x8: {  	[smem:$0x3FAD] =	sst s0  }
0x9: {  	[smem:$0x3FAE] =	sst s1  }
0xa: {  	[smem:$0x3FAF] =	sst s2  }
0xb: {  	[smem:$0x3FB0] =	sst s3  }
0xc: {  	[smem:$0x3FB1] =	sst s4  }
0xd: {  	[smem:$0x3FB2] =	sst s5  }
0xe: {  	[smem:$0x3FB3] =	sst s6  }
0xf: {  	[smem:$0x3FB4] =	sst s7  }
0x10: {  	[smem:$0x3FB5] =	sst s8  }
0x11: {  	[smem:$0x3FB6] =	sst s9;
	s0 =	simm.s32 @!p0 $0x0  }
0x12: {  	s1 =	sld [smem:$0x3F9C];
	s0 =	simm.s32 @p0 $0x1  }
0x13: {  	[smem:$0x3FB7] =	sst s0;
	s0 =	simm.s32 @!p1 $0x0  }
0x14: {  	s2 =	sld [smem:$0x3F9B];
	s0 =	simm.s32 @p1 $0x1  }
0x15: {  	[smem:$0x3FB8] =	sst s0;
	s0 =	simm.s32 @!p2 $0x0  }
0x16: {  	s3 =	sld [smem:$0x3FDB];
	s0 =	simm.s32 @p2 $0x1  }
0x17: {  	s4 =	simm.s32 $0x1BF5;
	[smem:$0x3FBA] =	sst s0  }
0x18: {  	s0 =	sld [smem:$0x3F9D];
	_ =	swait.ge [sflag:s4], $0x0  }
0x19: {  	s7 =	sld [smem:$0x3F9E]  }
0x1a: {  	s8 =	sadd.s32 $0xFFFFE003, lr  }
0x1b: {  	s9 =	sadd.s32 $0xFFFFFEF7, lr;
	s5 =	simm.s32 $0xFFFFFFFF;
	p2 =	slt.u32 s8, $0xFFFFF086  }
0x1c: {  	p1 =	slt.u32 s9, $0xF7A;
	s5 =	simm.s32 @!p2 $0x0  }
0x1d: {  	s5 =	simm.s32 @p1 $0x1;
	p0 =	seq.s32 s7, s2  }
0x1e: {  	s7 =	smul.u32 @!p0 $0xF7A, s2;
	p2 =	seq.s32 @!p0 s5, $0x0  }
0x1f: {  	s9 =	smul.u32 $0xF7A, s1;
	s8 =	simm.s32 @!p0 $0x1BF5;
	p2 =	por !p2, p0  }
0x20: {  	[sflag:s8] =	ssyncset.s32 @!p0 $0xFFFFF086;
	s6 =	sadd.s32 @!p0 s3, s7;
	s7 =	simm.s32 @!p0 $0x108  }
0x21: {  	s3 =	sadd.s32 s3, s9;
	s6 =	sadd.s32 @!p0 $0x88, s6;
	s7 =	simm.s32 @p2 $0x1082  }
0x22: {  	[simem:s7], [sflag:s8] =	dma.local @!p0 [hbm:s6], $0xF7A  }
0x23: {  	s9 =	sor.u32 $0xD0000000, s2;
	s6 =	simm.s32 $0x108;
	_ =	swait.ge @!p0 [sflag:s8], $0x0  }
0x24: {  	s3 =	sadd.s32 $0x88, s3;
	s6 =	simm.s32 @!p1 $0x1082;
	[sflag:s4] =	ssyncset.s32 $0xFFFFF086  }
0x25: {  	[simem:s6], [sflag:s4] =	dma.local [hbm:s3], $0xF7A  }
0x26: {  	[smem:$0x3F9E] =	sst s1;
	(tag) =	ssettag s2;
	_ =	strace s9  }
0x27: {  	s1 =	sld [smem:$0x3FAE]  }
0x28: {  	s2 =	sld [smem:$0x3FAF]  }
0x29: {  	s4 =	sld [smem:$0x3FB1]  }
0x2a: {  	p0 =	seq.s32 s5, $0x0;
	s5 =	sld [smem:$0x3FB2]  }
0x2b: {  	s6 =	sld [smem:$0x3FB3]  }
0x2c: {  	s7 =	sld [smem:$0x3FB4]  }
0x2d: {  	s3 =	simm.s32 $0x108;
	s8 =	sld [smem:$0x3FB5]  }
0x2e: {  	s3 =	simm.s32 @!p0 $0x1082;
	s9 =	sld [smem:$0x3FB6]  }
0x2f: {  	lr =	sadd.s32 s0, s3;
	s0 =	sld [smem:$0x3FAD]  }
0x30: {  	s3 =	sld [smem:$0x3FB0]  }
0x31: {  	[smem:$0x3FB9] =	sst s10  }
0x32: {  	s10 =	sld [smem:$0x3FB7];
	_ =	sdelay $0x3  }
0x33: {  	p0 =	seq.s32 s10, $0x1;
	s10 =	sld [smem:$0x3FB9];
	_ =	sdelay $0x3  }
0x34: {  	[smem:$0x3FB9] =	sst s10  }
0x35: {  	s10 =	sld [smem:$0x3FB8];
	_ =	sdelay $0x3  }
0x36: {  	p1 =	seq.s32 s10, $0x1;
	s10 =	sld [smem:$0x3FB9];
	_ =	sdelay $0x3  }
0x37: {  	[smem:$0x3FB9] =	sst s10  }
0x38: {  	s10 =	sld [smem:$0x3FBA]  }
0x39: {  	_ = 	snop;
	(pc) =	sbr.ind lr, $3  }
0x3a: {  	_ = 	snop  }
0x3b: {  	_ = 	snop  }
0x3c: {  	p2 =	seq.s32 s10, $0x1;
	s10 =	sld [smem:$0x3FB9]  }
0x3d: {  	_ =	shalt  }
0x3e: {  	_ =	shalt  }
0x3f: {  	_ =	shalt  }
0x40: {  	_ =	shalt  }
0x41: {  	_ =	shalt  }
0x42: {  	_ =	shalt  }
0x43: {  	_ =	shalt  }
0x44: {  	_ =	shalt  }
0x45: {  	_ =	shalt  }
0x46: {  	_ =	shalt  }
0x47: {  	_ =	shalt  }
0x48: {  	_ =	shalt  }
0x49: {  	_ =	shalt  }
0x4a: {  	_ =	shalt  }
0x4b: {  	_ =	shalt  }
0x4c: {  	_ =	shalt  }
0x4d: {  	_ =	shalt  }
0x4e: {  	_ =	shalt  }
0x4f: {  	_ =	shalt  }
0x50: {  	_ =	shalt  }
0x51: {  	_ =	shalt  }
0x52: {  	_ =	shalt  }
0x53: {  	_ =	shalt  }
0x54: {  	_ =	shalt  }
0x55: {  	_ =	shalt  }
0x56: {  	_ =	shalt  }
0x57: {  	_ =	shalt  }
0x58: {  	_ =	shalt  }
0x59: {  	_ =	shalt  }
0x5a: {  	_ =	shalt  }
0x5b: {  	_ =	shalt  }
0x5c: {  	_ =	shalt  }
0x5d: {  	_ =	shalt  }
0x5e: {  	_ =	shalt  }
0x5f: {  	_ =	shalt  }
0x60: {  	_ =	shalt  }
0x61: {  	_ =	shalt  }
0x62: {  	_ =	shalt  }
0x63: {  	_ =	shalt  }
0x64: {  	_ =	shalt  }
0x65: {  	_ =	shalt  }
0x66: {  	_ =	shalt  }
0x67: {  	_ =	shalt  }
0x68: {  	_ =	shalt  }
0x69: {  	_ =	shalt  }
0x6a: {  	_ =	shalt  }
0x6b: {  	_ =	shalt  }
0x6c: {  	_ =	shalt  }
0x6d: {  	_ =	shalt  }
0x6e: {  	_ =	shalt  }
0x6f: {  	_ =	shalt  }
0x70: {  	_ =	shalt  }
0x71: {  	_ =	shalt  }
0x72: {  	_ =	shalt  }
0x73: {  	_ =	shalt  }
0x74: {  	_ =	shalt  }
0x75: {  	_ =	shalt  }
0x76: {  	_ =	shalt  }
0x77: {  	_ =	shalt  }
0x78: {  	_ =	shalt  }
0x79: {  	_ =	shalt  }
0x7a: {  	_ =	shalt  }
0x7b: {  	_ =	shalt  }
0x7c: {  	_ =	shalt  }
0x7d: {  	_ =	shalt  }
0x7e: {  	_ =	shalt  }
0x7f: {  	_ =	shalt  }
0x80: {  	_ =	shalt  }
0x81: {  	_ =	shalt  }
0x82: {  	_ =	shalt  }
0x83: {  	_ =	shalt  }
0x84: {  	_ =	shalt  }
0x85: {  	_ =	shalt  }
0x86: {  	_ =	shalt  }
0x87: {  	_ =	shalt  }
.Lfunc_end0:
.L_simem_size_0:
called_computation_lowered:
.L_overlay_start_0:
0x88: {  	s2 =	sld [smem:$0x3FD9]  }
0x89: {  	s3 =	sld [smem:$0x3FFE];
	_ =	sdelay $0x1  }
0x8a: {  	s1 =	srdreg.scid  }
0x8b: {  	s0 =	sand.u32 $0x1, s1  }
0x8c: {  	s14 =	sshll.u32 s0, $0xA;
	s2 =	sadd.s32 s3, s2  }
0x8d: {  	s2 =	sadd.s32 s2, s14  }
0x8e: {  	[smem:$0x3FC5] =	sst s2  }
0x8f: {  	_ = 	snop  }
0x90: {  	s2 =	sld [smem:$0x3FD0];
	_ =	sdelay $0x2  }
0x91: {  	s15 =	simm.s32 $0xA;
	s4 =	simm.s32 $0x10  }
0x92: {  	[smem:s4], [sflag:s15] =	dma.local [hbm:s2], $0x1  }
0x93: {  	_ =	swait.eq [sflag:s15], $0x1  }
0x94: {  	s16 =	sld [smem:$0x10];
	[sflag:s15] =	ssyncset.done $0x0  }
0x95: {  	s17 =	sld [smem:$0x11];
	[sflag:s15] =	ssyncadd.s32 $0xFFFFFFFF  }
0x96: {  	s18 =	sld [smem:$0x12];
	(tm) =	ssettm $0x1  }
0x97: {  	s5 =	sld [smem:$0x3FFB];
	_ =	sdelay $0x3  }
0x98: {  	_ =	strace s5  }
0x99: {  	s5 =	sld [smem:$0x3FFC];
	_ =	sdelay $0x3  }
0x9a: {  	_ =	strace s5  }
0x9b: {  	s5 =	sld [smem:$0x3FFD];
	_ =	sdelay $0x3  }
0x9c: {  	_ =	strace s5  }
0x9d: {  	_ =	strace $0x8FFFFFFF  }
0x9e: {  	s19 =	sld [smem:$0x3FDB];
	_ =	sdelay $0x1  }
0x9f: {  	s6 =	simm.s32 $_scs_section_size  }
0xa0: {  	s7 =	simm.s32 $_size__tile_overlayer_lowered;
	s8 =	simm.s32 $_tile_overlayer_lowered  }
0xa1: {  	s22 =	simm.s32 $0x1BFF;
	s21 =	sshll.u32 s8, $0x1;
	s5 =	sadd.s32 s6, s19  }
0xa2: {  	s9 =	simm.s32 $0x0;
	s20 =	sshll.u32 s7, $0x1;
	s7 =	sadd.s32 s21, s5  }
0xa3: {  	[timem:s9], [sflag:s22] =	dma.local [hbm:s7], s20  }
0xa4: {  	_ =	swait.ge [sflag:s22], s20  }
0xa5: {  	s6 =	ssub.s32 $0x0, s20;
	[sflag:s22] =	ssyncset.done $0x0  }
0xa6: {  	[sflag:s22] =	ssyncadd.s32 s6;
	_ =	sdelay $0x1  }
0xa7: {  	s23 =	simm.s32 $0x1B8B  }
0xa8: {  	_ =	swait.ge [sflag:s23], $0x1  }
0xa9: {  	[sflag:s23] =	ssyncset.done $0x0  }
0xaa: {  	s25 =	simm.s32 $0x1B8E;
	s24 =	sld [smem:$0x3FFE];
	[sflag:s23] =	ssyncadd.s32 $0xFFFFFFFF  }
0xab: {  	s26 =	simm.s32 $execute0_lowered;
	[smem:$0x3FD2] =	sst s25  }
0xac: {  	s7 =	sshll.u32 s26, $0x1;
	_ =	strace $0x80000046;
	[dreg:$0x1] =	wrdreg $0xFFFFFFFF  }
0xad: {  	s28 =	simm.s32 $_size_execute0_lowered;
	s5 =	sadd.s32 s5, s7;
	[dreg:$0x0] =	wrdreg $0x0  }
0xae: {  	s7 =	sshll.u32 s28, $0x1;
	[dreg:$0x2] =	wrdreg s5  }
0xaf: {  	[dreg:$0x3] =	wrdreg s7  }
0xb0: {  	[dreg:$0x4] =	wrdreg $0xC0  }
0xb1: {  	_ =	task [dreg:s9], $0x5FFFF  }
0xb2: {  	[dreg:$0x1] =	wrdreg $0xFFFFFFFF  }
0xb3: {  	[dreg:$0x0] =	wrdreg $0x60  }
0xb4: {  	[dreg:$0x2] =	wrdreg s24  }
0xb5: {  	[dreg:$0x3] =	wrdreg s18  }
0xb6: {  	[dreg:$0x4] =	wrdreg s17  }
0xb7: {  	[dreg:$0x5] =	wrdreg s16  }
0xb8: {  	[dreg:$0x6] =	wrdreg $0x9  }
0xb9: {  	_ =	task.clear_ibuf [dreg:s9], $0x7FFFF;
	_ =	strace $0x90000046  }
0xba: {  	s29 =	simm.s32 $0x9;
	_ =	strace $0x80000048  }
0xbb: {  	_ =	swait.ge [sflag:s29], $0x1  }
0xbc: {  	[sflag:s29] =	ssyncadd.s32 $0xFFFFFFFF  }
0xbd: {  	_ =	strace $0x90000048  }
0xbe: {  	_ =	sfence  }
0xbf: {  	s30 =	sld [smem:$0x0];
	_ =	sdelay $0x2  }
0xc0: {  	s31 =	sshll.u32 s1, $0xD;
	s1 =	sshrl.u32 s1, $0x2  }
0xc1: {  	s3 =	sand.u32 $0x4000, s31;
	s1 =	sadd.s32 s1, s30  }
0xc2: {  	s0 =	sor.u32 s3, s0;
	s1 =	sshll.u32 s1, $0x11  }
0xc3: {  	s0 =	sor.u32 s1, s0  }
0xc4: {  	s0 =	sadd.s32 $0x8F2B, s0  }
0xc5: {  	[sflag:s0] =	ssyncadd.remote.s32 $0x1  }
0xc6: {  	_ =	sfence.sel $0xFFFF  }
0xc7: {  	[dreg:$0x0] =	wrdreg $0xFFFFFFFF;
	(pc) =	sbr.abs _section_cstart, $3  }
0xc8: {  	[dreg:$0x1] =	wrdreg $0xFFFFFFFF  }
0xc9: {  	_ =	task.clear_ibuf [dreg:s9], $0x2FFFF;
	_ =	strace $0x9FFFFFFF  }
0xca: {  	(tm) =	ssettm $0x7FFFFFFF  }
0xcb: {  	_ =	shalt  }
tec
execute0_lowered:
.L_overlay_start_1:
0x0: {  	(tag) =	ssettag $0x1  }
0x1: {  	s0 =	rddreg [dreg:$0x0]  }
0x2: {  	s2 =	rddreg [dreg:$0x1]  }
0x3: {  	s3 =	rddreg [dreg:$0x2]  }
0x4: {  	s4 =	rddreg [dreg:$0x3]  }
0x5: {  	s1 =	simm.s32 $0x0;
	s19 =	srdreg.scid;
	s20 =	stileid.u32  }
0x6: {  	[smem:$0x7FF] =	sst s1;
	s5 =	sadd.s32 $0x1600, s0;
	s6 =	sadd.s32 $0x1400, s0  }
0x7: {  	_ =	strace $0x80000047;
	[dreg:$0x5] =	wrdreg s5;
	s5 =	sand.u32 $0x1, s19  }
0x8: {  	[dreg:$0x6] =	wrdreg s6;
	s6 =	sshll.u32 s20, $0x6;
	s7 =	sshll.u32 s5, $0x5  }
0x9: {  	s8 =	sadd.s32 $0xA00, s0;
	s6 =	sor.u32 s7, s6  }
0xa: {  	[dreg:$0x7] =	wrdreg s8;
	s2 =	sadd.s32 s2, s6  }
0xb: {  	s22 =	sadd.s32 s3, s6;
	[dreg:$0x8] =	wrdreg s2  }
0xc: {  	s0 =	sadd.s32 s6, s0;
	s23 =	sadd.s32 s4, s6;
	[dreg:$0x9] =	wrdreg s22  }
0xd: {  	[dreg:$0xa] =	wrdreg s23;
	s24 =	sadd.s32 $0x1800, s0  }
0xe: {  	s5 =	ssub.s32 $0x2, s5;
	s25 =	sadd.s32 $0x1000, s0;
	[dreg:$0xb] =	wrdreg s24  }
0xf: {  	vm0 =	vcmask $0x300;
	vm1 =	vcmask $0x704;
	vm2 =	vcmask $0xB08;
	s21 =	sshrl.u32 s5, $0x1;
	s26 =	sadd.s32 $0xC00, s0;
	[dreg:$0xc] =	wrdreg s25  }
.Ltmp0:
0x10: {  	vm3 =	vcmask $0xF0C;
	vm4 =	vcmask $0x1310;
	vm5 =	vcmask $0x1714;
	s29 =	sadd.s32 $0x1C00, s0;
	[dreg:$0xd] =	wrdreg s26;
	(pc) =	sbr.rel .LBB2_1-.Ltmp0, $4  }
0x11: {  	vm6 =	vcmask $0x1B18;
	vm7 =	vcmask $0x1F1C;
	vm8 =	vcmask $0x2320;
	s5 =	ssub.s32 s5, s21;
	s0 =	sadd.s32 $0x2000, s0;
	[dreg:$0xe] =	wrdreg s29  }
0x12: {  	s15 =	simm.s32 $0x1;
	vm9 =	vcmask $0x2724;
	vm10 =	vcmask $0x2B28;
	vm11 =	vcmask $0x2F2C;
	s30 =	smax.u32 s5, $0x1;
	[dreg:$0xf] =	wrdreg s0  }
0x13: {  	vm12 =	vcmask $0x3330;
	vm13 =	vcmask $0x3734;
	vm14 =	vcmask $0x3B38;
	s28 =	simm.s32 $0x3000;
	s31 =	simm.s32 $0x0;
	[dreg:$0x10] =	wrdreg s30  }
0x14: {  	v0 =	vimm.s32 $0x800;
	v1 =	vlaneseq.u32;
	v2 =	vimm.f32 $0.0e+00;
	s24 =	simm.s32 $0x1800;
	s25 =	simm.s32 $0x2000;
	s26 =	simm.s32 $0x2800  }
.LBB2_25:
0x15: {  	s0 =	rddreg [dreg:$0xe];
	s2 =	simm.s32 $0x3780  }
0x16: {  	[hbm4b:s0+s1] =	stream.linear.scatter [tilespmem:s2], [sflag:$0x1], $0x100, $0x38;
	[tilespmem:$0x3980] =	vst v63  }
0x17: {  	_ =	swait.ge [sflag:s15], $0x100  }
0x18: {  	[sflag:s15] =	ssyncset.done $0x0  }
0x19: {  	s29 =	simm.s32 $0x3880;
	s23 =	rddreg [dreg:$0xf];
	[sflag:s15] =	ssyncadd.s32 $0xFFFFFF00  }
0x1a: {  	[hbm4b:s23+s1] =	stream.linear.scatter [tilespmem:s29], [sflag:$0x1], $0x100, $0x38;
	[tilespmem:$0x3980] =	vst v63  }
0x1b: {  	_ =	swait.ge [sflag:s15], $0x100  }
0x1c: {  	s31 =	sadd.s32 $0x1, s31;
	s30 =	rddreg [dreg:$0x10]  }
0x1d: {  	p0 =	sne.s32 s31, s30  }
.Ltmp1:
0x1e: {  	_ = 	snop;
	(pc) =	sbr.rel @!p0 .LBB2_26-.Ltmp1, $3  }
0x1f: {  	_ =	sdelay $0x1  }
0x20: {  	vm0 =	vcmask $0x300;
	vm1 =	vcmask $0x704;
	[sflag:s15] =	ssyncset.done $0x0  }
0x21: {  	vm2 =	vcmask $0xB08;
	vm3 =	vcmask $0xF0C;
	vm4 =	vcmask $0x1310;
	[sflag:s15] =	ssyncadd.s32 $0xFFFFFF00  }
.LBB2_1:
0x22: {  	s0 =	rddreg [dreg:$0x5]  }
0x23: {  	[tilespmem:s1], [sflag:$0x1] =	stream.linear.gather [hbm4b:s0+s1], $0x800, $0x38;
	[tilespmem:$0x3980] =	vst v63  }
0x24: {  	_ =	swait.ge [sflag:s15], $0x800  }
0x25: {  	[sflag:s15] =	ssyncset.done $0x0  }
0x26: {  	s2 =	simm.s32 $0x800;
	s10 =	rddreg [dreg:$0x6];
	[sflag:s15] =	ssyncadd.s32 $0xFFFFF800  }
0x27: {  	[tilespmem:s2], [sflag:$0x1] =	stream.linear.gather [hbm4b:s10+s1], $0x800, $0x38;
	[tilespmem:$0x3980] =	vst v63  }
0x28: {  	_ =	swait.ge [sflag:s15], $0x800  }
0x29: {  	[sflag:s15] =	ssyncset.done $0x0  }
0x2a: {  	s12 =	simm.s32 $0x1000;
	s11 =	rddreg [dreg:$0x7];
	[sflag:s15] =	ssyncadd.s32 $0xFFFFF800  }
0x2b: {  	[tilespmem:s12], [sflag:$0x1] =	stream.linear.gather [hbm4b:s11+s1], $0x800, $0x38;
	[tilespmem:$0x3980] =	vst v63  }
0x2c: {  	_ =	swait.ge [sflag:s15], $0x800  }
0x2d: {  	[sflag:s15] =	ssyncset.done $0x0  }
0x2e: {  	s14 =	simm.s32 $0x3180;
	s13 =	rddreg [dreg:$0x8];
	[sflag:s15] =	ssyncadd.s32 $0xFFFFF800  }
0x2f: {  	[tilespmem:s14], [sflag:$0x1] =	stream.linear.gather [hbm4b:s13+s1], $0x100, $0x38;
	[tilespmem:$0x3980] =	vst v63  }
0x30: {  	_ =	swait.ge [sflag:s15], $0x100  }
0x31: {  	[sflag:s15] =	ssyncset.done $0x0  }
0x32: {  	s17 =	simm.s32 $0x3280;
	s16 =	rddreg [dreg:$0x9];
	[sflag:s15] =	ssyncadd.s32 $0xFFFFFF00  }
0x33: {  	[tilespmem:s17], [sflag:$0x1] =	stream.linear.gather [hbm4b:s16+s1], $0x100, $0x38;
	[tilespmem:$0x3980] =	vst v63  }
0x34: {  	_ =	swait.ge [sflag:s15], $0x100  }
0x35: {  	[sflag:s15] =	ssyncset.done $0x0  }
0x36: {  	s19 =	simm.s32 $0x3380;
	s18 =	rddreg [dreg:$0xa];
	[sflag:s15] =	ssyncadd.s32 $0xFFFFFF00  }
0x37: {  	[tilespmem:s19], [sflag:$0x1] =	stream.linear.gather [hbm4b:s18+s1], $0x100, $0x38;
	[tilespmem:$0x3980] =	vst v63  }
0x38: {  	_ =	swait.ge [sflag:s15], $0x100  }
0x39: {  	[sflag:s15] =	ssyncset.done $0x0  }
0x3a: {  	s21 =	simm.s32 $0x3480;
	s20 =	rddreg [dreg:$0xb];
	[sflag:s15] =	ssyncadd.s32 $0xFFFFFF00  }
0x3b: {  	[tilespmem:s21], [sflag:$0x1] =	stream.linear.gather [hbm4b:s20+s1], $0x100, $0x38;
	[tilespmem:$0x3980] =	vst v63  }
0x3c: {  	_ =	swait.ge [sflag:s15], $0x100  }
0x3d: {  	[sflag:s15] =	ssyncset.done $0x0  }
0x3e: {  	s23 =	simm.s32 $0x3580;
	s22 =	rddreg [dreg:$0xc];
	[sflag:s15] =	ssyncadd.s32 $0xFFFFFF00  }
0x3f: {  	[tilespmem:s23], [sflag:$0x1] =	stream.linear.gather [hbm4b:s22+s1], $0x100, $0x38;
	[tilespmem:$0x3980] =	vst v63  }
0x40: {  	_ =	swait.ge [sflag:s15], $0x100  }
0x41: {  	[sflag:s15] =	ssyncset.done $0x0  }
0x42: {  	s30 =	simm.s32 $0x3680;
	s29 =	rddreg [dreg:$0xd];
	[sflag:s15] =	ssyncadd.s32 $0xFFFFFF00  }
0x43: {  	[tilespmem:s30], [sflag:$0x1] =	stream.linear.gather [hbm4b:s29+s1], $0x100, $0x38;
	[tilespmem:$0x3980] =	vst v63  }
0x44: {  	_ =	swait.ge [sflag:s15], $0x100  }
0x45: {  	s3 =	simm.s32 $0x0;
	[sflag:s15] =	ssyncset.done $0x0  }
0x46: {  	s0 =	simm.s32 $0x0;
	s2 =	simm.s32 $0x4;
	[sflag:s15] =	ssyncadd.s32 $0xFFFFFF00  }
.LBB2_2:
0x47: {  	p0 =	sne.s32 s2, $0x400  }
0x48: {  	[smem:s3] =	sst s0;
	s0 =	smov.u32 s2;
	s2 =	sadd.s32 $0x4, s2  }
.Ltmp2:
0x49: {  	(pc) =	sbr.rel @p0 .LBB2_2-.Ltmp2, $2  }
0x4a: {  	_ =	sdelay $0x2  }
0x4b: {  	s3 =	sshra.s32 s0, $0x2;
	s0 =	simm.s32 $0x0  }
0x4c: {  	s2 =	simm.s32 $0x0  }
0x4d: {  	v3 =	vld [tilespmem:s2+$0x0];
	_ =	sdelay $0x4  }
0x4e: {  	(v2sf) =	vpush v3, $0x0;
	_ =	sdelay $0x3  }
0x4f: {  	(v2sf) =	vpush v3, $0x3  }
0x50: {  	(v2sf) =	vpush v3, $0x1;
	_ =	sdelay $0x4  }
0x51: {  	(v2sf) =	vpush v3, $0x2;
	_ =	sdelay $0x4  }
0x52: {  	[smem:s3] =	sst s0;
	s9 =	spop (v2sf)  }
0x53: {  	s3 =	sld [smem:s9+$0x0];
	_ =	sdelay $0x2  }
0x54: {  	s4 =	spop (v2sf);
	s3 =	sadd.s32 $0x1, s3  }
0x55: {  	(v2sf) =	vpush v3, $0x4;
	s10 =	spop (v2sf);
	[smem:s9] =	sst s3  }
0x56: {  	s3 =	sld [smem:s10+$0x0];
	_ =	sdelay $0x2  }
0x57: {  	s3 =	sadd.s32 $0x1, s3  }
0x58: {  	s11 =	spop (v2sf);
	(v2sf) =	vpush v3, $0x5;
	[smem:s10] =	sst s3  }
0x59: {  	s3 =	sld [smem:s11+$0x0];
	_ =	sdelay $0x2  }
0x5a: {  	s3 =	sadd.s32 $0x1, s3  }
0x5b: {  	(v2sf) =	vpush v3, $0x6;
	[smem:s11] =	sst s3  }
0x5c: {  	s2 =	sld [smem:s4+$0x0];
	_ =	sdelay $0x2  }
0x5d: {  	s2 =	sadd.s32 $0x1, s2  }
0x5e: {  	(v2sf) =	vpush v3, $0x7;
	s12 =	spop (v2sf);
	[smem:s4] =	sst s2  }
0x5f: {  	s3 =	sld [smem:s12+$0x0];
	_ =	sdelay $0x2  }
0x60: {  	s3 =	sadd.s32 $0x1, s3  }
0x61: {  	s13 =	spop (v2sf);
	(v2sf) =	vpush v3, $0x8;
	[smem:s12] =	sst s3  }
0x62: {  	s3 =	sld [smem:s13+$0x0];
	_ =	sdelay $0x2  }
0x63: {  	s3 =	sadd.s32 $0x1, s3  }
0x64: {  	s14 =	spop (v2sf);
	(v2sf) =	vpush v3, $0x9;
	[smem:s13] =	sst s3  }
0x65: {  	s3 =	sld [smem:s14+$0x0];
	_ =	sdelay $0x2  }
0x66: {  	s3 =	sadd.s32 $0x1, s3  }
0x67: {  	s16 =	spop (v2sf);
	(v2sf) =	vpush v3, $0xA;
	[smem:s14] =	sst s3  }
0x68: {  	s3 =	sld [smem:s16+$0x0];
	_ =	sdelay $0x2  }
0x69: {  	s3 =	sadd.s32 $0x1, s3  }
0x6a: {  	s17 =	spop (v2sf);
	(v2sf) =	vpush v3, $0xB;
	[smem:s16] =	sst s3  }
0x6b: {  	s3 =	sld [smem:s17+$0x0];
	_ =	sdelay $0x2  }
0x6c: {  	s3 =	sadd.s32 $0x1, s3  }
0x6d: {  	s18 =	spop (v2sf);
	(v2sf) =	vpush v3, $0xC;
	[smem:s17] =	sst s3  }
0x6e: {  	s3 =	sld [smem:s18+$0x0];
	_ =	sdelay $0x2  }
0x6f: {  	s3 =	sadd.s32 $0x1, s3  }
0x70: {  	s19 =	spop (v2sf);
	(v2sf) =	vpush v3, $0xD;
	[smem:s18] =	sst s3  }
0x71: {  	s3 =	sld [smem:s19+$0x0];
	_ =	sdelay $0x2  }
0x72: {  	s3 =	sadd.s32 $0x1, s3  }
0x73: {  	(v2sf) =	vpush v3, $0xE;
	s20 =	spop (v2sf);
	[smem:s19] =	sst s3  }
0x74: {  	s3 =	sld [smem:s20+$0x0];
	_ =	sdelay $0x2  }
0x75: {  	(v2sf) =	vpush v3, $0xF;
	s3 =	sadd.s32 $0x1, s3  }
0x76: {  	s21 =	spop (v2sf);
	[smem:s20] =	sst s3  }
0x77: {  	s3 =	sld [smem:s21+$0x0];
	_ =	sdelay $0x2  }
0x78: {  	s3 =	sadd.s32 $0x1, s3  }
0x79: {  	s22 =	spop (v2sf);
	[smem:s21] =	sst s3  }
0x7a: {  	s3 =	sld [smem:s22+$0x0];
	_ =	sdelay $0x1  }
0x7b: {  	s23 =	simm.s32 $0x10  }
0x7c: {  	v3 =	vld [tilespmem:s23+$0x0];
	s3 =	sadd.s32 $0x1, s3  }
0x7d: {  	s29 =	spop (v2sf);
	[smem:s22] =	sst s3  }
0x7e: {  	s3 =	sld [smem:s29+$0x0];
	_ =	sdelay $0x2  }
0x7f: {  	s30 =	sadd.s32 $0x1, s3;
	s3 =	spop (v2sf);
	(v2sf) =	vpush v3, $0x0;
	_ =	sdelay $0x1  }
0x80: {  	(v2sf) =	vpush v3, $0x3;
	_ =	sdelay $0x3  }
0x81: {  	(v2sf) =	vpush v3, $0x1;
	_ =	sdelay $0x3  }
0x82: {  	[smem:s29] =	sst s30  }
0x83: {  	s2 =	sld [smem:s3+$0x0];
	(v2sf) =	vpush v3, $0x2;
	_ =	sdelay $0x2  }
0x84: {  	s4 =	simm.s32 $0x80;
	s5 =	sadd.s32 $0x1, s2  }
.LBB2_4:
0x85: {  	s6 =	spop (v2sf)  }
0x86: {  	[smem:s3] =	sst s5;
	s16 =	smov.u32 s4;
	s2 =	sadd.s32 $0x40, s4  }
0x87: {  	p0 =	sne.s32 s4, $0x1FC0;
	s3 =	sld [smem:s6+$0x0];
	s4 =	spop (v2sf)  }
0x88: {  	_ =	sdelay $0x1  }
0x89: {  	s3 =	sadd.s32 $0x1, s3  }
0x8a: {  	[smem:s6] =	sst s3;
	s3 =	spop (v2sf);
	(v2sf) =	vpush v3, $0x4  }
0x8b: {  	s5 =	sld [smem:s3+$0x0];
	_ =	sdelay $0x2  }
0x8c: {  	s5 =	sadd.s32 $0x1, s5  }
0x8d: {  	[smem:s3] =	sst s5;
	s3 =	spop (v2sf);
	(v2sf) =	vpush v3, $0x5  }
0x8e: {  	s5 =	sld [smem:s3+$0x0];
	_ =	sdelay $0x2  }
0x8f: {  	s5 =	sadd.s32 $0x1, s5  }
0x90: {  	[smem:s3] =	sst s5;
	(v2sf) =	vpush v3, $0x6  }
0x91: {  	s3 =	sld [smem:s4+$0x0];
	_ =	sdelay $0x2  }
0x92: {  	s3 =	sadd.s32 $0x1, s3  }
0x93: {  	[smem:s4] =	sst s3;
	s3 =	spop (v2sf);
	(v2sf) =	vpush v3, $0x7  }
0x94: {  	s4 =	sld [smem:s3+$0x0];
	_ =	sdelay $0x2  }
0x95: {  	s4 =	sadd.s32 $0x1, s4  }
0x96: {  	[smem:s3] =	sst s4;
	s3 =	spop (v2sf);
	(v2sf) =	vpush v3, $0x8  }
0x97: {  	s4 =	sld [smem:s3+$0x0];
	_ =	sdelay $0x2  }
0x98: {  	s4 =	sadd.s32 $0x1, s4  }
0x99: {  	[smem:s3] =	sst s4;
	s3 =	spop (v2sf);
	(v2sf) =	vpush v3, $0x9  }
0x9a: {  	s4 =	sld [smem:s3+$0x0];
	_ =	sdelay $0x2  }
0x9b: {  	s4 =	sadd.s32 $0x1, s4  }
0x9c: {  	[smem:s3] =	sst s4;
	s3 =	spop (v2sf);
	(v2sf) =	vpush v3, $0xA  }
0x9d: {  	s4 =	sld [smem:s3+$0x0];
	_ =	sdelay $0x2  }
0x9e: {  	s4 =	sadd.s32 $0x1, s4  }
0x9f: {  	[smem:s3] =	sst s4;
	s3 =	spop (v2sf);
	(v2sf) =	vpush v3, $0xB  }
0xa0: {  	s4 =	sld [smem:s3+$0x0];
	_ =	sdelay $0x2  }
0xa1: {  	s4 =	sadd.s32 $0x1, s4  }
0xa2: {  	[smem:s3] =	sst s4;
	s3 =	spop (v2sf);
	(v2sf) =	vpush v3, $0xC  }
0xa3: {  	s4 =	sld [smem:s3+$0x0];
	_ =	sdelay $0x2  }
0xa4: {  	s4 =	sadd.s32 $0x1, s4  }
0xa5: {  	[smem:s3] =	sst s4;
	s3 =	spop (v2sf);
	(v2sf) =	vpush v3, $0xD  }
0xa6: {  	s4 =	sld [smem:s3+$0x0];
	_ =	sdelay $0x2  }
0xa7: {  	s4 =	sadd.s32 $0x1, s4  }
0xa8: {  	[smem:s3] =	sst s4;
	s3 =	spop (v2sf);
	(v2sf) =	vpush v3, $0xE  }
0xa9: {  	s4 =	sld [smem:s3+$0x0];
	_ =	sdelay $0x2  }
0xaa: {  	s5 =	sshra.s32 s16, $0x2;
	s4 =	sadd.s32 $0x1, s4;
	(v2sf) =	vpush v3, $0xF  }
0xab: {  	v3 =	vld [tilespmem:s5+$0x0];
	[smem:s3] =	sst s4;
	s3 =	spop (v2sf)  }
0xac: {  	s4 =	sld [smem:s3+$0x0];
	_ =	sdelay $0x2  }
0xad: {  	s4 =	sadd.s32 $0x1, s4  }
0xae: {  	(v2sf) =	vpush v3, $0x0;
	[smem:s3] =	sst s4;
	s3 =	spop (v2sf)  }
0xaf: {  	(v2sf) =	vpush v3, $0x3;
	s4 =	sld [smem:s3+$0x0];
	_ =	sdelay $0x2  }
0xb0: {  	s4 =	sadd.s32 $0x1, s4  }
0xb1: {  	(v2sf) =	vpush v3, $0x1;
	[smem:s3] =	sst s4;
	s4 =	spop (v2sf)  }
0xb2: {  	s3 =	sld [smem:s4+$0x0];
	_ =	sdelay $0x2  }
0xb3: {  	s5 =	sadd.s32 $0x1, s3;
	s3 =	spop (v2sf)  }
.Ltmp3:
0xb4: {  	(v2sf) =	vpush v3, $0x2;
	[smem:s4] =	sst s5;
	(pc) =	sbr.rel @p0 .LBB2_4-.Ltmp3, $2  }
0xb5: {  	s4 =	sld [smem:s3+$0x0];
	_ =	sdelay $0x2  }
0xb6: {  	s5 =	sadd.s32 $0x1, s4;
	s4 =	smov.u32 s2  }
0xb7: {  	s2 =	spop (v2sf);
	[smem:s3] =	sst s5  }
0xb8: {  	s3 =	sld [smem:s2+$0x0];
	_ =	sdelay $0x2  }
0xb9: {  	s4 =	spop (v2sf);
	s3 =	sadd.s32 $0x1, s3  }
0xba: {  	[smem:s2] =	sst s3;
	s11 =	spop (v2sf);
	(v2sf) =	vpush v3, $0x4  }
0xbb: {  	s3 =	sld [smem:s11+$0x0];
	_ =	sdelay $0x2  }
0xbc: {  	s3 =	sadd.s32 $0x1, s3  }
0xbd: {  	(v2sf) =	vpush v3, $0x5;
	[smem:s11] =	sst s3;
	s12 =	spop (v2sf)  }
0xbe: {  	s3 =	sld [smem:s12+$0x0];
	_ =	sdelay $0x2  }
0xbf: {  	s3 =	sadd.s32 $0x1, s3  }
0xc0: {  	(v2sf) =	vpush v3, $0x6;
	[smem:s12] =	sst s3  }
0xc1: {  	s2 =	sld [smem:s4+$0x0];
	_ =	sdelay $0x2  }
0xc2: {  	s2 =	sadd.s32 $0x1, s2  }
0xc3: {  	[smem:s4] =	sst s2;
	s13 =	spop (v2sf);
	(v2sf) =	vpush v3, $0x7  }
0xc4: {  	s3 =	sld [smem:s13+$0x0];
	_ =	sdelay $0x2  }
0xc5: {  	s3 =	sadd.s32 $0x1, s3  }
0xc6: {  	s14 =	spop (v2sf);
	(v2sf) =	vpush v3, $0x8;
	[smem:s13] =	sst s3  }
0xc7: {  	s3 =	sld [smem:s14+$0x0];
	_ =	sdelay $0x2  }
0xc8: {  	s3 =	sadd.s32 $0x1, s3  }
0xc9: {  	s16 =	spop (v2sf);
	(v2sf) =	vpush v3, $0x9;
	[smem:s14] =	sst s3  }
0xca: {  	s3 =	sld [smem:s16+$0x0];
	_ =	sdelay $0x2  }
0xcb: {  	s3 =	sadd.s32 $0x1, s3  }
0xcc: {  	[smem:s16] =	sst s3;
	s17 =	spop (v2sf);
	(v2sf) =	vpush v3, $0xA  }
0xcd: {  	s3 =	sld [smem:s17+$0x0];
	_ =	sdelay $0x2  }
0xce: {  	s3 =	sadd.s32 $0x1, s3  }
0xcf: {  	s18 =	spop (v2sf);
	(v2sf) =	vpush v3, $0xB;
	[smem:s17] =	sst s3  }
0xd0: {  	s3 =	sld [smem:s18+$0x0];
	_ =	sdelay $0x2  }
0xd1: {  	s3 =	sadd.s32 $0x1, s3  }
0xd2: {  	s19 =	spop (v2sf);
	(v2sf) =	vpush v3, $0xC;
	[smem:s18] =	sst s3  }
0xd3: {  	s3 =	sld [smem:s19+$0x0];
	_ =	sdelay $0x2  }
0xd4: {  	s3 =	sadd.s32 $0x1, s3  }
0xd5: {  	[smem:s19] =	sst s3;
	s20 =	spop (v2sf);
	(v2sf) =	vpush v3, $0xD  }
0xd6: {  	s3 =	sld [smem:s20+$0x0];
	_ =	sdelay $0x2  }
0xd7: {  	s3 =	sadd.s32 $0x1, s3  }
0xd8: {  	s21 =	spop (v2sf);
	(v2sf) =	vpush v3, $0xE;
	[smem:s20] =	sst s3  }
0xd9: {  	s3 =	sld [smem:s21+$0x0];
	_ =	sdelay $0x2  }
0xda: {  	s3 =	sadd.s32 $0x1, s3  }
0xdb: {  	(v2sf) =	vpush v3, $0xF;
	s22 =	spop (v2sf);
	[smem:s21] =	sst s3  }
0xdc: {  	s3 =	sld [smem:s22+$0x0];
	_ =	sdelay $0x2  }
0xdd: {  	s3 =	sadd.s32 $0x1, s3  }
0xde: {  	[smem:s22] =	sst s3;
	s23 =	spop (v2sf)  }
0xdf: {  	s3 =	sld [smem:s23+$0x0];
	_ =	sdelay $0x2  }
0xe0: {  	s3 =	sadd.s32 $0x1, s3  }
0xe1: {  	s29 =	spop (v2sf);
	[smem:s23] =	sst s3  }
0xe2: {  	s3 =	sld [smem:s29+$0x0];
	_ =	sdelay $0x2  }
0xe3: {  	s3 =	sadd.s32 $0x1, s3  }
0xe4: {  	s30 =	spop (v2sf);
	[smem:s29] =	sst s3  }
0xe5: {  	s2 =	sld [smem:s30+$0x0];
	_ =	sdelay $0x2  }
0xe6: {  	s2 =	sadd.s32 $0x1, s2  }
0xe7: {  	[smem:s30] =	sst s2;
	s2 =	simm.s32 $0x0  }
.LBB2_6:
0xe8: {  	p0 =	sne.s32 s0, $0x3FC  }
.Ltmp4:
0xe9: {  	s3 =	sshra.s32 s0, $0x2;
	(pc) =	sbr.rel @p0 .LBB2_6-.Ltmp4, $2  }
0xea: {  	s4 =	sld [smem:s3+$0x0];
	_ =	sdelay $0x2  }
0xeb: {  	s0 =	sadd.s32 $0x4, s0;
	[smem:s3] =	sst s2;
	s2 =	sadd.s32 s2, s4  }
0xec: {  	s0 =	sld [smem:$0xF]  }
0xed: {  	s2 =	sld [smem:$0x0]  }
0xee: {  	s3 =	sld [smem:$0x1]  }
0xef: {  	s4 =	sld [smem:$0x2];
	v3 =	vmov s0  }
0xf0: {  	s19 =	sld [smem:$0x3];
	v3 =	vsel vm0, s2, v3  }
0xf1: {  	s20 =	sld [smem:$0x4];
	v3 =	vsel vm1, s3, v3  }
0xf2: {  	s21 =	sld [smem:$0x5];
	v3 =	vsel vm2, s4, v3  }
0xf3: {  	s22 =	sld [smem:$0x6];
	v3 =	vsel vm3, s19, v3  }
0xf4: {  	s23 =	sld [smem:$0x7];
	v3 =	vsel vm4, s20, v3  }
0xf5: {  	s29 =	sld [smem:$0x8];
	v3 =	vsel vm5, s21, v3  }
0xf6: {  	s30 =	sld [smem:$0x9];
	v3 =	vsel vm6, s22, v3  }
0xf7: {  	s6 =	sld [smem:$0xA];
	v3 =	vsel vm7, s23, v3  }
0xf8: {  	s7 =	sld [smem:$0xB];
	v3 =	vsel vm8, s29, v3  }
0xf9: {  	s4 =	sld [smem:$0xC];
	v3 =	vsel vm9, s30, v3  }
0xfa: {  	s0 =	simm.s32 $0x0;
	s5 =	sld [smem:$0xD];
	v3 =	vsel vm10, s6, v3  }
0xfb: {  	s2 =	simm.s32 $0x10;
	s3 =	simm.s32 $0x80;
	s6 =	sld [smem:$0xE];
	v3 =	vsel vm11, s7, v3  }
.LBB2_8:
0xfc: {  	p0 =	sne.s32 s3, $0x3C0;
	s7 =	sld [smem:s2+$0xF];
	v3 =	vsel vm12, s4, v3  }
0xfd: {  	s4 =	sld [smem:s2+$0x0];
	v3 =	vsel vm13, s5, v3  }
0xfe: {  	s5 =	sld [smem:s2+$0x1];
	v3 =	vsel vm14, s6, v3  }
0xff: {  	s6 =	sld [smem:s2+$0x2];
	v4 =	vmov s7;
	[tilespmem:s0+$0x3000] =	vst v3;
	s0 =	smov.u32 s2  }
0x100: {  	s2 =	sld [smem:s0+$0x3];
	v3 =	vsel vm0, s4, v4  }
0x101: {  	s4 =	sld [smem:s0+$0x4];
	v3 =	vsel vm1, s5, v3  }
0x102: {  	s5 =	sld [smem:s0+$0x5];
	v3 =	vsel vm2, s6, v3  }
0x103: {  	s6 =	sld [smem:s0+$0x6];
	v3 =	vsel vm3, s2, v3  }
0x104: {  	s2 =	sld [smem:s0+$0x7];
	v3 =	vsel vm4, s4, v3  }
0x105: {  	s4 =	sld [smem:s0+$0x8];
	v3 =	vsel vm5, s5, v3  }
0x106: {  	s5 =	sld [smem:s0+$0x9];
	v3 =	vsel vm6, s6, v3  }
.Ltmp5:
0x107: {  	s6 =	sld [smem:s0+$0xA];
	v3 =	vsel vm7, s2, v3;
	(pc) =	sbr.rel @p0 .LBB2_8-.Ltmp5, $4  }
0x108: {  	s7 =	sld [smem:s0+$0xB];
	v3 =	vsel vm8, s4, v3  }
0x109: {  	s4 =	sld [smem:s0+$0xC];
	v3 =	vsel vm9, s5, v3  }
0x10a: {  	s5 =	sld [smem:s0+$0xD];
	v3 =	vsel vm10, s6, v3  }
0x10b: {  	s2 =	sshra.s32 s3, $0x2;
	s3 =	sadd.s32 $0x40, s3;
	s6 =	sld [smem:s0+$0xE];
	v3 =	vsel vm11, s7, v3  }
0x10c: {  	s3 =	sld [smem:s2+$0xF]  }
0x10d: {  	s7 =	sld [smem:s2+$0x0]  }
0x10e: {  	s8 =	sld [smem:s2+$0x1]  }
0x10f: {  	s16 =	sld [smem:s2+$0x2];
	v4 =	vmov s3  }
0x110: {  	s12 =	sld [smem:s2+$0x3];
	v4 =	vsel vm0, s7, v4  }
0x111: {  	s13 =	sld [smem:s2+$0x4];
	v4 =	vsel vm1, s8, v4  }
0x112: {  	s14 =	sld [smem:s2+$0x5];
	v4 =	vsel vm2, s16, v4  }
0x113: {  	s17 =	sld [smem:s2+$0x6];
	v4 =	vsel vm3, s12, v4  }
0x114: {  	s18 =	sld [smem:s2+$0x7];
	v4 =	vsel vm4, s13, v4  }
0x115: {  	s19 =	sld [smem:s2+$0x8];
	v4 =	vsel vm5, s14, v4  }
0x116: {  	s20 =	sld [smem:s2+$0x9];
	v4 =	vsel vm6, s17, v4  }
0x117: {  	s21 =	sld [smem:s2+$0xA];
	v4 =	vsel vm7, s18, v4  }
0x118: {  	s22 =	sld [smem:s2+$0xB];
	v4 =	vsel vm8, s19, v4  }
0x119: {  	s23 =	sld [smem:s2+$0xC];
	v4 =	vsel vm9, s20, v4  }
0x11a: {  	s29 =	sld [smem:s2+$0xD];
	v4 =	vsel vm10, s21, v4  }
0x11b: {  	v3 =	vsel vm12, s4, v3;
	s30 =	sld [smem:s2+$0xE];
	v4 =	vsel vm11, s22, v4  }
0x11c: {  	v3 =	vsel vm13, s5, v3;
	v4 =	vsel vm12, s23, v4  }
0x11d: {  	v3 =	vsel vm14, s6, v3;
	v4 =	vsel vm13, s29, v4  }
0x11e: {  	[tilespmem:s0+$0x3000] =	vst v3;
	v3 =	vsel vm14, s30, v4  }
0x11f: {  	[tilespmem:s2+$0x3000] =	vst v3  }
0x120: {  	s0 =	simm.s32 $0x0;
	[tilespmem:$0x3100] =	vst v0  }
0x121: {  	v3 =	vld [tilespmem:s0+$0x0];
	_ =	sdelay $0x4  }
0x122: {  	(v2sf) =	vpush v3, $0x0;
	_ =	sdelay $0x4  }
0x123: {  	(v2sf) =	vpush v3, $0x1;
	_ =	sdelay $0x4  }
0x124: {  	(v2sf) =	vpush v3, $0x2;
	_ =	sdelay $0x4  }
0x125: {  	s9 =	spop (v2sf);
	(v2sf) =	vpush v3, $0x3  }
0x126: {  	s2 =	sld [smem:s9+$0x0];
	_ =	sdelay $0x2  }
0x127: {  	s10 =	sadd.s32 $0x1, s2  }
0x128: {  	s11 =	spop (v2sf);
	(v2sf) =	vpush v3, $0x4;
	[smem:s9] =	sst s10  }
0x129: {  	s3 =	sld [smem:s11+$0x0];
	_ =	sdelay $0x2  }
0x12a: {  	s12 =	sadd.s32 $0x1, s3  }
0x12b: {  	s13 =	spop (v2sf);
	(v2sf) =	vpush v3, $0x5;
	[smem:s11] =	sst s12  }
0x12c: {  	s4 =	sld [smem:s13+$0x0];
	_ =	sdelay $0x2  }
0x12d: {  	s14 =	sadd.s32 $0x1, s4  }
0x12e: {  	[smem:s13] =	sst s14;
	s16 =	spop (v2sf);
	(v2sf) =	vpush v3, $0x6  }
0x12f: {  	s6 =	sld [smem:s16+$0x0];
	_ =	sdelay $0x2  }
0x130: {  	s17 =	sadd.s32 $0x1, s6  }
0x131: {  	s18 =	spop (v2sf);
	(v2sf) =	vpush v3, $0x7;
	[smem:s16] =	sst s17  }
0x132: {  	s7 =	sld [smem:s18+$0x0];
	_ =	sdelay $0x2  }
0x133: {  	s19 =	sadd.s32 $0x1, s7  }
0x134: {  	s20 =	spop (v2sf);
	(v2sf) =	vpush v3, $0x8;
	[smem:s18] =	sst s19  }
0x135: {  	s8 =	sld [smem:s20+$0x0];
	_ =	sdelay $0x2  }
0x136: {  	s21 =	sadd.s32 $0x1, s8  }
0x137: {  	[smem:s20] =	sst s21;
	s22 =	spop (v2sf);
	(v2sf) =	vpush v3, $0x9  }
0x138: {  	s16 =	sld [smem:s22+$0x0];
	_ =	sdelay $0x2  }
0x139: {  	s17 =	sadd.s32 $0x1, s16  }
0x13a: {  	s23 =	spop (v2sf);
	(v2sf) =	vpush v3, $0xA;
	[smem:s22] =	sst s17  }
0x13b: {  	s17 =	sld [smem:s23+$0x0];
	_ =	sdelay $0x2  }
0x13c: {  	s18 =	sadd.s32 $0x1, s17  }
0x13d: {  	s29 =	spop (v2sf);
	(v2sf) =	vpush v3, $0xB;
	[smem:s23] =	sst s18  }
0x13e: {  	s18 =	sld [smem:s29+$0x0];
	_ =	sdelay $0x2  }
0x13f: {  	s19 =	sadd.s32 $0x1, s18  }
0x140: {  	[smem:s29] =	sst s19;
	s30 =	spop (v2sf);
	(v2sf) =	vpush v3, $0xC  }
0x141: {  	s19 =	sld [smem:s30+$0x0];
	_ =	sdelay $0x2  }
0x142: {  	s20 =	sadd.s32 $0x1, s19  }
0x143: {  	s9 =	spop (v2sf);
	(v2sf) =	vpush v3, $0xD;
	[smem:s30] =	sst s20  }
0x144: {  	s20 =	sld [smem:s9+$0x0];
	_ =	sdelay $0x2  }
0x145: {  	s21 =	sadd.s32 $0x1, s20  }
0x146: {  	s10 =	spop (v2sf);
	(v2sf) =	vpush v3, $0xE;
	[smem:s9] =	sst s21  }
0x147: {  	s21 =	sld [smem:s10+$0x0];
	_ =	sdelay $0x2  }
0x148: {  	s22 =	sadd.s32 $0x1, s21  }
0x149: {  	[smem:s10] =	sst s22;
	s11 =	spop (v2sf);
	(v2sf) =	vpush v3, $0xF  }
0x14a: {  	s22 =	sld [smem:s11+$0x0];
	_ =	sdelay $0x2  }
0x14b: {  	s23 =	sadd.s32 $0x1, s22  }
0x14c: {  	s12 =	spop (v2sf);
	[smem:s11] =	sst s23  }
0x14d: {  	s23 =	sld [smem:s12+$0x0];
	_ =	sdelay $0x2  }
0x14e: {  	s29 =	sadd.s32 $0x1, s23  }
0x14f: {  	s13 =	spop (v2sf);
	[smem:s12] =	sst s29  }
0x150: {  	s29 =	sld [smem:s13+$0x0];
	_ =	sdelay $0x2  }
0x151: {  	s30 =	sadd.s32 $0x1, s29  }
0x152: {  	[smem:s13] =	sst s30;
	s14 =	spop (v2sf)  }
0x153: {  	s30 =	sld [smem:s14+$0x0];
	_ =	sdelay $0x2  }
0x154: {  	v3 =	vmov s30  }
0x155: {  	v3 =	vsel vm0, s2, v3  }
0x156: {  	v3 =	vsel vm1, s3, v3  }
0x157: {  	v3 =	vsel vm2, s4, v3  }
0x158: {  	v3 =	vsel vm3, s6, v3  }
0x159: {  	v3 =	vsel vm4, s7, v3  }
0x15a: {  	v3 =	vsel vm5, s8, v3  }
0x15b: {  	v3 =	vsel vm6, s16, v3  }
0x15c: {  	v3 =	vsel vm7, s17, v3  }
0x15d: {  	v3 =	vsel vm8, s18, v3  }
0x15e: {  	v3 =	vsel vm9, s19, v3  }
0x15f: {  	v3 =	vsel vm10, s20, v3  }
0x160: {  	v3 =	vsel vm11, s21, v3  }
0x161: {  	v3 =	vsel vm12, s22, v3  }
0x162: {  	s2 =	simm.s32 $0x800;
	v3 =	vsel vm13, s23, v3  }
0x163: {  	v4 =	vld [tilespmem:s2+$0x0];
	v3 =	vsel vm14, s29, v3;
	_ =	sdelay $0x4  }
0x164: {  	s16 =	simm.s32 $0x1000;
	[tilespmem:v3+s24+$0x0] =	vst.idx.msk $0xffff, v4  }
0x165: {  	v4 =	vld [tilespmem:s16+$0x0];
	_ =	sdelay $0x3  }
0x166: {  	s30 =	sadd.s32 $0x1, s30  }
0x167: {  	[smem:s14] =	sst s30;
	s17 =	simm.s32 $0x10;
	s18 =	simm.s32 $0x0;
	[tilespmem:v3+s25+$0x0] =	vst.idx.msk $0xffff, v4;
	v4 =	vor.u32 s0, v1  }
.LBB2_10:
0x168: {  	[tilespmem:v3+s26+$0x0] =	vst.idx.msk $0xffff, v4;
	s18 =	sadd.s32 $0x10, s18;
	s2 =	sadd.s32 $0x10, s2;
	s16 =	sadd.s32 $0x10, s16  }
0x169: {  	p0 =	sne.s32 s17, $0x7F0;
	s19 =	smov.u32 s17;
	s17 =	sadd.s32 $0x10, s17;
	v3 =	vld [tilespmem:s18+$0x0]  }
0x16a: {  	_ =	sdelay $0x3  }
0x16b: {  	(v2sf) =	vpush v3, $0x0;
	_ =	sdelay $0x4  }
0x16c: {  	(v2sf) =	vpush v3, $0x1;
	_ =	sdelay $0x4  }
0x16d: {  	(v2sf) =	vpush v3, $0x2;
	_ =	sdelay $0x4  }
0x16e: {  	s3 =	spop (v2sf);
	(v2sf) =	vpush v3, $0x3  }
0x16f: {  	s20 =	sld [smem:s3+$0x0];
	_ =	sdelay $0x2  }
0x170: {  	s4 =	sadd.s32 $0x1, s20  }
0x171: {  	[smem:s3] =	sst s4;
	s3 =	spop (v2sf);
	(v2sf) =	vpush v3, $0x4  }
0x172: {  	s21 =	sld [smem:s3+$0x0];
	_ =	sdelay $0x2  }
0x173: {  	s4 =	sadd.s32 $0x1, s21  }
0x174: {  	[smem:s3] =	sst s4;
	s3 =	spop (v2sf);
	(v2sf) =	vpush v3, $0x5  }
0x175: {  	s22 =	sld [smem:s3+$0x0];
	_ =	sdelay $0x2  }
0x176: {  	s4 =	sadd.s32 $0x1, s22  }
0x177: {  	[smem:s3] =	sst s4;
	s3 =	spop (v2sf);
	(v2sf) =	vpush v3, $0x6  }
0x178: {  	s23 =	sld [smem:s3+$0x0];
	_ =	sdelay $0x2  }
0x179: {  	s4 =	sadd.s32 $0x1, s23  }
0x17a: {  	[smem:s3] =	sst s4;
	s3 =	spop (v2sf);
	(v2sf) =	vpush v3, $0x7  }
0x17b: {  	s29 =	sld [smem:s3+$0x0];
	_ =	sdelay $0x2  }
0x17c: {  	s4 =	sadd.s32 $0x1, s29  }
0x17d: {  	[smem:s3] =	sst s4;
	s3 =	spop (v2sf);
	(v2sf) =	vpush v3, $0x8  }
0x17e: {  	s30 =	sld [smem:s3+$0x0];
	_ =	sdelay $0x2  }
0x17f: {  	s4 =	sadd.s32 $0x1, s30  }
0x180: {  	[smem:s3] =	sst s4;
	s4 =	spop (v2sf);
	(v2sf) =	vpush v3, $0x9  }
0x181: {  	s3 =	sld [smem:s4+$0x0];
	_ =	sdelay $0x2  }
0x182: {  	s5 =	sadd.s32 $0x1, s3  }
0x183: {  	[smem:s4] =	sst s5;
	s5 =	spop (v2sf);
	(v2sf) =	vpush v3, $0xA  }
0x184: {  	s4 =	sld [smem:s5+$0x0];
	_ =	sdelay $0x2  }
0x185: {  	s6 =	sadd.s32 $0x1, s4  }
0x186: {  	[smem:s5] =	sst s6;
	s6 =	spop (v2sf);
	(v2sf) =	vpush v3, $0xB  }
0x187: {  	s5 =	sld [smem:s6+$0x0];
	_ =	sdelay $0x2  }
0x188: {  	s7 =	sadd.s32 $0x1, s5  }
0x189: {  	[smem:s6] =	sst s7;
	s7 =	spop (v2sf);
	(v2sf) =	vpush v3, $0xC  }
0x18a: {  	s6 =	sld [smem:s7+$0x0];
	_ =	sdelay $0x2  }
0x18b: {  	s8 =	sadd.s32 $0x1, s6  }
0x18c: {  	[smem:s7] =	sst s8;
	s8 =	spop (v2sf);
	(v2sf) =	vpush v3, $0xD  }
0x18d: {  	s7 =	sld [smem:s8+$0x0];
	_ =	sdelay $0x2  }
0x18e: {  	s9 =	sadd.s32 $0x1, s7  }
0x18f: {  	[smem:s8] =	sst s9;
	s9 =	spop (v2sf);
	(v2sf) =	vpush v3, $0xE  }
0x190: {  	s8 =	sld [smem:s9+$0x0];
	_ =	sdelay $0x2  }
0x191: {  	s10 =	sadd.s32 $0x1, s8  }
0x192: {  	[smem:s9] =	sst s10;
	s9 =	spop (v2sf);
	(v2sf) =	vpush v3, $0xF  }
0x193: {  	s10 =	sld [smem:s9+$0x0];
	_ =	sdelay $0x2  }
0x194: {  	s11 =	sadd.s32 $0x1, s10  }
0x195: {  	[smem:s9] =	sst s11;
	s9 =	spop (v2sf)  }
0x196: {  	s11 =	sld [smem:s9+$0x0];
	_ =	sdelay $0x2  }
0x197: {  	s12 =	sadd.s32 $0x1, s11  }
0x198: {  	[smem:s9] =	sst s12;
	s9 =	spop (v2sf)  }
0x199: {  	s12 =	sld [smem:s9+$0x0];
	_ =	sdelay $0x2  }
0x19a: {  	s13 =	sadd.s32 $0x1, s12  }
0x19b: {  	[smem:s9] =	sst s13;
	s9 =	spop (v2sf)  }
0x19c: {  	s13 =	sld [smem:s9+$0x0];
	_ =	sdelay $0x2  }
0x19d: {  	s14 =	sadd.s32 $0x1, s13;
	v3 =	vmov s13  }
0x19e: {  	[smem:s9] =	sst s14;
	v3 =	vsel vm0, s20, v3  }
0x19f: {  	v3 =	vsel vm1, s21, v3  }
0x1a0: {  	v3 =	vsel vm2, s22, v3  }
0x1a1: {  	v3 =	vsel vm3, s23, v3  }
0x1a2: {  	v3 =	vsel vm4, s29, v3  }
0x1a3: {  	v3 =	vsel vm5, s30, v3  }
0x1a4: {  	v3 =	vsel vm6, s3, v3  }
0x1a5: {  	v3 =	vsel vm7, s4, v3  }
0x1a6: {  	v3 =	vsel vm8, s5, v3  }
0x1a7: {  	v3 =	vsel vm9, s6, v3  }
0x1a8: {  	v3 =	vsel vm10, s7, v3  }
0x1a9: {  	v3 =	vsel vm11, s8, v3  }
0x1aa: {  	v3 =	vsel vm12, s10, v3  }
0x1ab: {  	v3 =	vsel vm13, s11, v3  }
0x1ac: {  	v3 =	vsel vm14, s12, v3;
	v4 =	vld [tilespmem:s2+$0x0];
	_ =	sdelay $0x4  }
0x1ad: {  	[tilespmem:v3+s24+$0x0] =	vst.idx.msk $0xffff, v4  }
0x1ae: {  	v4 =	vld [tilespmem:s16+$0x0]  }
.Ltmp6:
0x1af: {  	(pc) =	sbr.rel @p0 .LBB2_10-.Ltmp6, $2  }
0x1b0: {  	_ =	sdelay $0x2  }
0x1b1: {  	[tilespmem:v3+s25+$0x0] =	vst.idx.msk $0xffff, v4;
	v4 =	vor.u32 s19, v1  }
.Ltmp7:
0x1b2: {  	_ = 	snop;
	(pc) =	sbr.rel .LBB2_12-.Ltmp7, $2  }
0x1b3: {  	_ =	sdelay $0x2  }
0x1b4: {  	[tilespmem:v3+s26+$0x0] =	vst.idx.msk $0xffff, v4  }
.LBB2_24:
0x1b5: {  	s0 =	sadd.s32 $0x1, s0  }
0x1b6: {  	p0 =	sne.s32 s0, $0x10  }
.Ltmp8:
0x1b7: {  	_ = 	snop;
	(pc) =	sbr.rel @!p0 .LBB2_25-.Ltmp8, $3  }
0x1b8: {  	_ =	sdelay $0x1  }
0x1b9: {  	[tilespmem:s2+$0x3780] =	vst v9  }
0x1ba: {  	[tilespmem:s2+$0x3880] =	vst v8  }
.LBB2_12:
0x1bb: {  	s2 =	sshll.u32 s0, $0x4  }
0x1bc: {  	v3 =	vld [tilespmem:s2+$0x3580];
	_ =	sdelay $0x3  }
.Ltmp9:
0x1bd: {  	v4 =	vld [tilespmem:s2+$0x3180];
	(pc) =	sbr.rel .LBB2_13-.Ltmp9, $4  }
0x1be: {  	v5 =	vld [tilespmem:s2+$0x3280];
	v11 =	vadd.s32 $0xFFFFFFFE, v3;
	v8 =	vadd.s32 $0x2, v3  }
0x1bf: {  	v9 =	vimm.s32 $0x0;
	v6 =	vld [tilespmem:s2+$0x3380];
	vm0 =	vgt.s32 v11, $0x0;
	vm4 =	vlt.s32 v8, $0xF  }
0x1c0: {  	v7 =	vld [tilespmem:s2+$0x3480];
	v9 =	vsel vm0, $0xFFFFFFFF, v9;
	v12 =	vnsel vm0, $0x0, v11;
	v8 =	vnsel vm4, $0xF, v8  }
0x1c1: {  	s16 =	simm.s32 $0x0;
	v10 =	vld [tilespmem:s2+$0x3680];
	[tilespmem:$0x1FFF0] =	vst v9;
	v13 =	vadd.s32 $0x1, v8;
	v9 =	vimm.f32 $3.000000010e+38;
	v8 =	vimm.s32 $0x40000000  }
.LBB2_15:
0x1c2: {  	s16 =	sadd.s32 $0x1, s16  }
0x1c3: {  	p0 =	sne.s32 s16, $0x5  }
.Ltmp10:
0x1c4: {  	_ = 	snop;
	(pc) =	sbr.rel @!p0 .LBB2_16-.Ltmp10, $1  }
0x1c5: {  	_ =	sdelay $0x3  }
.LBB2_13:
0x1c6: {  	v14 =	vmov s16  }
0x1c7: {  	v14 =	vadd.s32 $0xFFFFFFFE, v14  }
0x1c8: {  	v14 =	vbroadcast v14, $0x0;
	_ =	sdelay $0x1  }
0x1c9: {  	v14 =	vadd.s32 v10, v14  }
0x1ca: {  	v15 =	vshll.u32 v14, $0x4  }
0x1cb: {  	vm0 =	vlt.u32 v14, $0x10;
	v14 =	vadd.s32 v12, v15  }
0x1cc: {  	v15 =	vadd.s32 v15, v13;
	v14 =	vnsel vm0, $0x0, v14  }
0x1cd: {  	v15 =	vnsel vm0, $0x0, v15;
	_ =	sdelay $0x3  }
0x1ce: {  	v14 =	vld.idx.msk [tilespmem:v14+s28+$0x0], $0xffff  }
0x1cf: {  	v16 =	vld.idx.msk [tilespmem:v15+s28+$0x0], $0xffff;
	_ =	sdelay $0x4  }
0x1d0: {  	v15 =	vnsel vm0, $0x0, v14;
	v14 =	vnsel vm0, $0x0, v16  }
0x1d1: {  	vm15 =	vlt.s32 v15, v14  }
0x1d2: {  	v16 =	vsel vm15, $0x3F800000, v2  }
0x1d3: {  	(xrf0) =	vmax.scan.msk.f32 $0xffff, v16;
	_ =	sdelay $0x5  }
0x1d4: {  	v16, _, _ =	vpop (xrf0)  }
0x1d5: {  	(v2sf) =	vpush v16, $0xF;
	_ =	sdelay $0xe  }
0x1d6: {  	s3 =	spop (v2sf)  }
0x1d7: {  	p0 =	sgt.f32 s3, $0.0e+00  }
.Ltmp11:
0x1d8: {  	_ = 	snop;
	(pc) =	sbr.rel @!p0 .LBB2_15-.Ltmp11, $1  }
0x1d9: {  	_ =	sdelay $0x3  }
.LBB2_14:
0x1da: {  	v16 =	vnsel vm15, $0x0, v15;
	_ =	sdelay $0x4  }
0x1db: {  	v17 =	vld.idx.msk [tilespmem:v16+s24+$0x0], $0xffff;
	_ =	sdelay $0x4  }
0x1dc: {  	v18 =	vand.u32 $0xFFFF0000, v17;
	v17 =	vshll.u32 v17, $0x10  }
0x1dd: {  	v18 =	vmul.f32 v18, v4;
	v17 =	vmul.f32 v17, v5  }
0x1de: {  	v19 =	vld.idx.msk [tilespmem:v16+s25+$0x0], $0xffff  }
0x1df: {  	v20 =	vadd.s32 $0x1, v15;
	v17 =	vadd.f32 v17, v18  }
0x1e0: {  	v58 =	vadd.s32 $0x2, v15;
	v21 =	vadd.s32 $0x3, v15;
	vm0 =	vlt.s32 v20, v14  }
0x1e1: {  	vm1 =	vlt.s32 v58, v14;
	v57 =	vnsel vm0, $0x0, v20;
	v17 =	vadd.f32 v17, v17  }
0x1e2: {  	vm2 =	vlt.s32 v21, v14;
	v20 =	vnsel vm1, $0x0, v58  }
0x1e3: {  	v59 =	vnsel vm2, $0x0, v21;
	v17 =	vsub.f32 v19, v17;
	_ =	sdelay $0x1  }
0x1e4: {  	v16 =	vld.idx.msk [tilespmem:v16+s26+$0x0], $0xffff;
	v17 =	vadd.f32 v17, v6  }
0x1e5: {  	v60 =	vld.idx.msk [tilespmem:v57+s24+$0x0], $0xffff  }
0x1e6: {  	v22 =	vld.idx.msk [tilespmem:v20+s24+$0x0], $0xffff;
	v17 =	vmax.f32 v17, $0.0e+00  }
0x1e7: {  	v23 =	vld.idx.msk [tilespmem:v59+s24+$0x0], $0xffff;
	v17 =	vadd.f32 $9.999999960e-13, v17  }
0x1e8: {  	v15 =	vadd.s32 $0x4, v15  }
0x1e9: {  	v16 =	vnsel vm15, $0x40000000, v16;
	v17 =	vnsel vm15, $0x7F61B1E6, v17;
	vm15 =	vlt.s32 v15, v14  }
0x1ea: {  	v24 =	vand.u32 $0xFFFF0000, v60;
	v29 =	vsel vm15, $0x3F800000, v2  }
0x1eb: {  	v21 =	vshll.u32 v60, $0x10;
	v25 =	vand.u32 $0xFFFF0000, v22;
	v22 =	vshll.u32 v22, $0x10;
	(xrf0) =	vmax.scan.msk.f32 $0xffff, v29  }
0x1ec: {  	v27 =	vand.u32 $0xFFFF0000, v23;
	v24 =	vmul.f32 v24, v4;
	v21 =	vmul.f32 v21, v5  }
0x1ed: {  	v26 =	vld.idx.msk [tilespmem:v57+s25+$0x0], $0xffff;
	v23 =	vshll.u32 v23, $0x10;
	v25 =	vmul.f32 v25, v4;
	v22 =	vmul.f32 v22, v5  }
0x1ee: {  	v28 =	vld.idx.msk [tilespmem:v20+s25+$0x0], $0xffff;
	v27 =	vmul.f32 v27, v4;
	v23 =	vmul.f32 v23, v5  }
0x1ef: {  	v61 =	vld.idx.msk [tilespmem:v59+s25+$0x0], $0xffff;
	v21 =	vadd.f32 v21, v24;
	v22 =	vadd.f32 v22, v25  }
0x1f0: {  	v23 =	vadd.f32 v23, v27  }
0x1f1: {  	v21 =	vadd.f32 v21, v21;
	v22 =	vadd.f32 v22, v22;
	v62, _, _ =	vpop (xrf0)  }
0x1f2: {  	v20 =	vld.idx.msk [tilespmem:v20+s26+$0x0], $0xffff;
	v23 =	vadd.f32 v23, v23;
	(v2sf) =	vpush v62, $0xF  }
0x1f3: {  	v18 =	vld.idx.msk [tilespmem:v57+s26+$0x0], $0xffff;
	v21 =	vsub.f32 v26, v21;
	v22 =	vsub.f32 v28, v22  }
0x1f4: {  	v19 =	vld.idx.msk [tilespmem:v59+s26+$0x0], $0xffff;
	v23 =	vsub.f32 v61, v23  }
0x1f5: {  	v21 =	vadd.f32 v21, v6;
	v22 =	vadd.f32 v22, v6  }
0x1f6: {  	v23 =	vadd.f32 v23, v6  }
0x1f7: {  	v20 =	vnsel vm1, $0x40000000, v20;
	v21 =	vmax.f32 v21, $0.0e+00;
	v22 =	vmax.f32 v22, $0.0e+00  }
0x1f8: {  	v23 =	vmax.f32 v23, $0.0e+00;
	v21 =	vadd.f32 $9.999999960e-13, v21;
	v22 =	vadd.f32 $9.999999960e-13, v22  }
0x1f9: {  	v18 =	vnsel vm0, $0x40000000, v18;
	v19 =	vnsel vm2, $0x40000000, v19;
	v23 =	vadd.f32 $9.999999960e-13, v23  }
0x1fa: {  	vm3 =	vlt.s32 v19, v20;
	v21 =	vnsel vm0, $0x7F61B1E6, v21;
	v22 =	vnsel vm1, $0x7F61B1E6, v22  }
0x1fb: {  	v23 =	vnsel vm2, $0x7F61B1E6, v23;
	vm2 =	vlt.s32 v18, v16;
	vm1 =	veq.f32 v21, v17  }
0x1fc: {  	vm0 =	vlt.f32 v21, v17;
	vm1 =	vmand vm2, vm1;
	vm2 =	veq.f32 v23, v22  }
0x1fd: {  	vm0 =	vmor vm0, vm1;
	vm1 =	vmand vm3, vm2;
	vm2 =	vlt.f32 v23, v22  }
0x1fe: {  	vm1 =	vmor vm2, vm1;
	v17 =	vsel vm0, v21, v17  }
0x1ff: {  	v16 =	vsel vm0, v18, v16;
	v63 =	vsel vm1, v23, v22;
	v19 =	vsel vm1, v19, v20  }
0x200: {  	vm0 =	veq.f32 v63, v17;
	vm1 =	vlt.s32 v19, v16  }
0x201: {  	vm0 =	vmand vm0, vm1;
	vm1 =	vlt.f32 v63, v17;
	s3 =	spop (v2sf)  }
0x202: {  	vm0 =	vmor vm1, vm0;
	p0 =	sgt.f32 s3, $0.0e+00  }
.Ltmp12:
0x203: {  	v17 =	vsel vm0, v63, v17;
	v16 =	vsel vm0, v19, v16;
	(pc) =	sbr.rel @p0 .LBB2_14-.Ltmp12, $4  }
0x204: {  	vm0 =	veq.f32 v17, v9;
	vm1 =	vlt.s32 v16, v8  }
0x205: {  	vm0 =	vmand vm0, vm1;
	vm1 =	vlt.f32 v17, v9  }
0x206: {  	vm0 =	vmor vm1, vm0  }
0x207: {  	v15 =	vsel vm15, v15, v14;
	v9 =	vsel vm0, v17, v9;
	v8 =	vsel vm0, v16, v8  }
.Ltmp13:
0x208: {  	_ = 	snop;
	(pc) =	sbr.rel .LBB2_15-.Ltmp13, $1  }
0x209: {  	_ =	sdelay $0x3  }
.LBB2_16:
0x20a: {  	v11 =	vcvt.s32.f32 v11;
	v12 =	vadd.s32 $0x3, v3  }
0x20b: {  	v13 =	vadd.s32 $0xFFFFFFFE, v10;
	v14 =	vadd.s32 $0x3, v10;
	v60 =	vld [tilespmem:$0x1FFF0];
	v12 =	vcvt.s32.f32 v12  }
0x20c: {  	v15 =	vcvt.s32.f32 v13;
	v14 =	vcvt.s32.f32 v14  }
0x20d: {  	v11 =	vmul.f32 $6.250000000e-02, v11;
	v12 =	vmul.f32 $6.250000000e-02, v12  }
0x20e: {  	v15 =	vmul.f32 $6.250000000e-02, v15;
	v14 =	vmul.f32 $6.250000000e-02, v14  }
0x20f: {  	v16 =	vadd.s32 $0x2, v10;
	v11 =	vsub.f32 v4, v11;
	v12 =	vsub.f32 v12, v4  }
0x210: {  	v15 =	vsub.f32 v5, v15;
	v14 =	vsub.f32 v14, v5;
	vm1 =	vnez.u8 v60  }
0x211: {  	vm0 =	vgt.s32 v13, $0x0;
	v11 =	vnsel vm1, $0x7F61B1E6, v11;
	vm1 =	vlt.s32 v16, $0xF  }
0x212: {  	v12 =	vnsel vm4, $0x7F61B1E6, v12;
	v61 =	vnsel vm0, $0x7F61B1E6, v15;
	v14 =	vnsel vm1, $0x7F61B1E6, v14  }
0x213: {  	v11 =	vmin.f32 v11, v12;
	v62 =	vmin.f32 v61, v14  }
0x214: {  	v11 =	vmin.f32 v11, v62  }
0x215: {  	v11 =	vmul.f32 v11, v11;
	_ =	sdelay $0x1  }
0x216: {  	v63 =	vadd.f32 v9, v7;
	v11 =	vmul.f32 $9.999989860e-01, v11;
	_ =	sdelay $0x1  }
0x217: {  	vm0 =	vgt.f32 v11, v63  }
0x218: {  	vm15 =	vmneg vm0  }
0x219: {  	v11 =	vsel vm15, $0x3F800000, v2  }
0x21a: {  	(xrf0) =	vmax.scan.msk.f32 $0xffff, v11;
	_ =	sdelay $0x5  }
0x21b: {  	v11, _, _ =	vpop (xrf0)  }
0x21c: {  	(v2sf) =	vpush v11, $0xF;
	_ =	sdelay $0xe  }
0x21d: {  	s3 =	spop (v2sf)  }
0x21e: {  	p0 =	sgt.f32 s3, $0.0e+00  }
.Ltmp14:
0x21f: {  	_ = 	snop;
	(pc) =	sbr.rel @!p0 .LBB2_24-.Ltmp14, $1  }
0x220: {  	_ =	sdelay $0x3  }
.Ltmp15:
0x221: {  	(pc) =	sbr.rel .LBB2_18-.Ltmp15, $2  }
0x222: {  	_ =	sdelay $0x2  }
0x223: {  	v11 =	vadd.s32 $0x1, v3;
	v12 =	vadd.s32 $0x1, v10;
	s16 =	simm.s32 $0x3  }
.LBB2_23:
0x224: {  	v17 =	vadd.s32 v11, v13  }
0x225: {  	v18 =	vcvt.s32.f32 v16;
	v19 =	vadd.s32 v12, v13;
	v20 =	vcvt.s32.f32 v14  }
0x226: {  	v17 =	vcvt.s32.f32 v17;
	v19 =	vcvt.s32.f32 v19  }
0x227: {  	v18 =	vmul.f32 $6.250000000e-02, v18;
	v61 =	vmul.f32 $6.250000000e-02, v20  }
0x228: {  	vm0 =	vgt.s32 v16, $0x0;
	v17 =	vmul.f32 $6.250000000e-02, v17;
	v19 =	vmul.f32 $6.250000000e-02, v19  }
0x229: {  	vm1 =	vlt.s32 v15, $0xF;
	v15 =	vsub.f32 v4, v18;
	v16 =	vsub.f32 v5, v61  }
0x22a: {  	v13 =	vadd.s32 v10, v13;
	v17 =	vsub.f32 v17, v4;
	v62 =	vsub.f32 v19, v5  }
0x22b: {  	vm2 =	vgt.s32 v14, $0x0;
	vm3 =	vlt.s32 v13, $0xF;
	v14 =	vnsel vm0, $0x7F61B1E6, v15  }
0x22c: {  	v15 =	vnsel vm2, $0x7F61B1E6, v16;
	v13 =	vnsel vm1, $0x7F61B1E6, v17;
	v63 =	vnsel vm3, $0x7F61B1E6, v62  }
0x22d: {  	v13 =	vmin.f32 v14, v13;
	v14 =	vmin.f32 v15, v63  }
0x22e: {  	v13 =	vmin.f32 v13, v14  }
0x22f: {  	v13 =	vmul.f32 v13, v13;
	_ =	sdelay $0x1  }
0x230: {  	v14 =	vadd.f32 v9, v7;
	v13 =	vmul.f32 $9.999989860e-01, v13  }
0x231: {  	vm0 =	vmor vm0, vm2  }
0x232: {  	vm0 =	vmor vm0, vm1;
	vm1 =	vgt.f32 v13, v14  }
0x233: {  	vm0 =	vmor vm3, vm0;
	vm1 =	vmneg vm1  }
0x234: {  	vm0 =	vmand vm0, vm1  }
0x235: {  	vm15 =	vmand vm15, vm0  }
0x236: {  	v13 =	vsel vm15, $0x3F800000, v2  }
0x237: {  	(xrf0) =	vmax.scan.msk.f32 $0xffff, v13;
	_ =	sdelay $0x5  }
0x238: {  	v13, _, _ =	vpop (xrf0)  }
0x239: {  	(v2sf) =	vpush v13, $0xF;
	_ =	sdelay $0xe  }
0x23a: {  	s3 =	spop (v2sf)  }
0x23b: {  	p0 =	sgt.f32 s3, $0.0e+00  }
.Ltmp16:
0x23c: {  	_ = 	snop;
	(pc) =	sbr.rel @!p0 .LBB2_24-.Ltmp16, $2  }
0x23d: {  	_ =	sdelay $0x2  }
0x23e: {  	s16 =	sadd.s32 $0x1, s16  }
.LBB2_18:
0x23f: {  	s17 =	sshll.u32 s16, $0x1  }
0x240: {  	p0 =	sgt.s32 s17, $0xFFFFFFFF  }
.Ltmp17:
0x241: {  	_ = 	snop;
	(pc) =	sbr.rel @!p0 .LBB2_23-.Ltmp17, $3  }
0x242: {  	_ =	sdelay $0x1  }
0x243: {  	v13 =	vmov s16  }
0x244: {  	v16 =	vsub.s32 v3, v13;
	v15 =	vadd.s32 v3, v13;
	v14 =	vsub.s32 v10, v13  }
.Ltmp18:
0x245: {  	(pc) =	sbr.rel .LBB2_20-.Ltmp18, $4  }
0x246: {  	_ = 	snop  }
0x247: {  	vm0 =	vlt.s32 v15, $0xF  }
0x248: {  	vm1 =	vgt.s32 v16, $0x0;
	v18 =	vnsel vm0, $0xF, v15  }
0x249: {  	s18 =	simm.s32 $0x0;
	v17 =	vnsel vm1, $0x0, v16;
	v18 =	vadd.s32 $0x1, v18  }
.LBB2_22:
0x24a: {  	p0 =	slt.s32 s18, s17  }
.Ltmp19:
0x24b: {  	_ = 	snop;
	(pc) =	sbr.rel @!p0 .LBB2_23-.Ltmp19, $3  }
0x24c: {  	_ =	sdelay $0x1  }
0x24d: {  	s3 =	sadd.s32 $0x1, s18  }
0x24e: {  	s18 =	smov.u32 s3  }
.LBB2_20:
0x24f: {  	v19 =	vadd.s32 s18, v14  }
0x250: {  	vm0 =	vlt.u32 v19, $0x10;
	v19 =	vshll.u32 v19, $0x4  }
0x251: {  	vm0 =	vmand vm15, vm0;
	v20 =	vadd.s32 v17, v19  }
0x252: {  	v19 =	vadd.s32 v19, v18;
	v20 =	vnsel vm0, $0x0, v20  }
0x253: {  	v19 =	vnsel vm0, $0x0, v19;
	_ =	sdelay $0x3  }
0x254: {  	v20 =	vld.idx.msk [tilespmem:v20+s28+$0x0], $0xffff  }
0x255: {  	v19 =	vld.idx.msk [tilespmem:v19+s28+$0x0], $0xffff;
	_ =	sdelay $0x4  }
0x256: {  	v20 =	vnsel vm0, $0x0, v20;
	v19 =	vnsel vm0, $0x0, v19  }
0x257: {  	vm0 =	vlt.s32 v20, v19  }
0x258: {  	v21 =	vsel vm0, $0x3F800000, v2  }
0x259: {  	(xrf0) =	vmax.scan.msk.f32 $0xffff, v21;
	_ =	sdelay $0x5  }
0x25a: {  	v21, _, _ =	vpop (xrf0)  }
0x25b: {  	(v2sf) =	vpush v21, $0xF;
	_ =	sdelay $0xe  }
0x25c: {  	s3 =	spop (v2sf)  }
0x25d: {  	p0 =	sgt.f32 s3, $0.0e+00  }
.Ltmp20:
0x25e: {  	_ = 	snop;
	(pc) =	sbr.rel @!p0 .LBB2_22-.Ltmp20, $1  }
0x25f: {  	_ =	sdelay $0x3  }
.LBB2_21:
0x260: {  	v21 =	vnsel vm0, $0x0, v20;
	_ =	sdelay $0x4  }
0x261: {  	v22 =	vld.idx.msk [tilespmem:v21+s24+$0x0], $0xffff;
	_ =	sdelay $0x4  }
0x262: {  	v23 =	vand.u32 $0xFFFF0000, v22;
	v22 =	vshll.u32 v22, $0x10  }
0x263: {  	v23 =	vmul.f32 v23, v4;
	v22 =	vmul.f32 v22, v5  }
0x264: {  	v24 =	vld.idx.msk [tilespmem:v21+s25+$0x0], $0xffff  }
0x265: {  	v26 =	vadd.s32 $0x3, v20;
	v22 =	vadd.f32 v22, v23  }
0x266: {  	v25 =	vadd.s32 $0x1, v20;
	v59 =	vadd.s32 $0x2, v20;
	vm3 =	vlt.s32 v26, v19  }
0x267: {  	vm1 =	vlt.s32 v25, v19;
	v60 =	vnsel vm3, $0x0, v26;
	v22 =	vadd.f32 v22, v22  }
0x268: {  	vm2 =	vlt.s32 v59, v19;
	v23 =	vnsel vm1, $0x0, v25  }
0x269: {  	v25 =	vnsel vm2, $0x0, v59;
	v22 =	vsub.f32 v24, v22;
	_ =	sdelay $0x1  }
0x26a: {  	v21 =	vld.idx.msk [tilespmem:v21+s26+$0x0], $0xffff;
	v22 =	vadd.f32 v22, v6  }
0x26b: {  	v28 =	vld.idx.msk [tilespmem:v60+s24+$0x0], $0xffff  }
0x26c: {  	v61 =	vld.idx.msk [tilespmem:v23+s24+$0x0], $0xffff;
	v22 =	vmax.f32 v22, $0.0e+00  }
0x26d: {  	v27 =	vld.idx.msk [tilespmem:v25+s24+$0x0], $0xffff;
	v22 =	vadd.f32 $9.999999960e-13, v22  }
0x26e: {  	v20 =	vadd.s32 $0x4, v20  }
0x26f: {  	v21 =	vnsel vm0, $0x40000000, v21;
	v22 =	vnsel vm0, $0x7F61B1E6, v22;
	vm0 =	vlt.s32 v20, v19  }
0x270: {  	v32 =	vand.u32 $0xFFFF0000, v28;
	v28 =	vshll.u32 v28, $0x10;
	v34 =	vsel vm0, $0x3F800000, v2  }
0x271: {  	v32 =	vmul.f32 v32, v4;
	v28 =	vmul.f32 v28, v5;
	(xrf0) =	vmax.scan.msk.f32 $0xffff, v34  }
0x272: {  	v29 =	vand.u32 $0xFFFF0000, v61;
	v26 =	vshll.u32 v61, $0x10;
	v30 =	vand.u32 $0xFFFF0000, v27  }
0x273: {  	v62 =	vld.idx.msk [tilespmem:v60+s25+$0x0], $0xffff;
	v27 =	vshll.u32 v27, $0x10;
	v29 =	vmul.f32 v29, v4;
	v26 =	vmul.f32 v26, v5  }
0x274: {  	v31 =	vld.idx.msk [tilespmem:v23+s25+$0x0], $0xffff;
	v30 =	vmul.f32 v30, v4;
	v27 =	vmul.f32 v27, v5  }
0x275: {  	v28 =	vadd.f32 v28, v32;
	v33 =	vld.idx.msk [tilespmem:v25+s25+$0x0], $0xffff;
	v26 =	vadd.f32 v26, v29  }
0x276: {  	v27 =	vadd.f32 v27, v30  }
0x277: {  	v28 =	vadd.f32 v28, v28;
	v26 =	vadd.f32 v26, v26;
	v63, _, _ =	vpop (xrf0)  }
0x278: {  	v24 =	vld.idx.msk [tilespmem:v60+s26+$0x0], $0xffff;
	v27 =	vadd.f32 v27, v27;
	(v2sf) =	vpush v63, $0xF  }
0x279: {  	v23 =	vld.idx.msk [tilespmem:v23+s26+$0x0], $0xffff;
	v28 =	vsub.f32 v62, v28;
	v26 =	vsub.f32 v31, v26  }
0x27a: {  	v25 =	vld.idx.msk [tilespmem:v25+s26+$0x0], $0xffff;
	v27 =	vsub.f32 v33, v27  }
0x27b: {  	v28 =	vadd.f32 v28, v6;
	v26 =	vadd.f32 v26, v6  }
0x27c: {  	v27 =	vadd.f32 v27, v6  }
0x27d: {  	v24 =	vnsel vm3, $0x40000000, v24;
	v28 =	vmax.f32 v28, $0.0e+00;
	v26 =	vmax.f32 v26, $0.0e+00  }
0x27e: {  	v28 =	vadd.f32 $9.999999960e-13, v28;
	v27 =	vmax.f32 v27, $0.0e+00;
	v26 =	vadd.f32 $9.999999960e-13, v26  }
0x27f: {  	v23 =	vnsel vm1, $0x40000000, v23;
	v25 =	vnsel vm2, $0x40000000, v25;
	v27 =	vadd.f32 $9.999999960e-13, v27  }
0x280: {  	vm4 =	vlt.s32 v24, v25;
	v28 =	vnsel vm3, $0x7F61B1E6, v28;
	v26 =	vnsel vm1, $0x7F61B1E6, v26  }
0x281: {  	vm3 =	vlt.s32 v23, v21;
	v27 =	vnsel vm2, $0x7F61B1E6, v27;
	vm2 =	veq.f32 v26, v22  }
0x282: {  	vm1 =	vlt.f32 v26, v22;
	vm2 =	vmand vm3, vm2;
	vm3 =	veq.f32 v28, v27  }
0x283: {  	vm1 =	vmor vm1, vm2;
	vm2 =	vmand vm4, vm3;
	vm3 =	vlt.f32 v28, v27  }
0x284: {  	vm2 =	vmor vm3, vm2;
	v22 =	vsel vm1, v26, v22  }
0x285: {  	v21 =	vsel vm1, v23, v21;
	v23 =	vsel vm2, v28, v27;
	v24 =	vsel vm2, v24, v25  }
0x286: {  	vm1 =	veq.f32 v23, v22;
	vm2 =	vlt.s32 v24, v21  }
0x287: {  	vm1 =	vmand vm1, vm2;
	vm2 =	vlt.f32 v23, v22;
	s3 =	spop (v2sf)  }
0x288: {  	vm1 =	vmor vm2, vm1;
	p0 =	sgt.f32 s3, $0.0e+00  }
.Ltmp21:
0x289: {  	v22 =	vsel vm1, v23, v22;
	v21 =	vsel vm1, v24, v21;
	(pc) =	sbr.rel @p0 .LBB2_21-.Ltmp21, $4  }
0x28a: {  	vm1 =	veq.f32 v22, v9;
	vm2 =	vlt.s32 v21, v8  }
0x28b: {  	vm1 =	vmand vm1, vm2;
	vm2 =	vlt.f32 v22, v9  }
0x28c: {  	vm1 =	vmor vm2, vm1  }
0x28d: {  	v20 =	vsel vm0, v20, v19;
	v9 =	vsel vm1, v22, v9;
	v8 =	vsel vm1, v21, v8  }
.Ltmp22:
0x28e: {  	_ = 	snop;
	(pc) =	sbr.rel .LBB2_22-.Ltmp22, $1  }
0x28f: {  	_ =	sdelay $0x3  }
.LBB2_26:
0x290: {  	_ =	sfence.sel $0x180000  }
0x291: {  	[bflag:$0x0] =	sbarrier.arrive $0xFFFF  }
0x292: {  	_ =	strace $0x90000047  }
0x293: {  	s0 =	stileid.u32;
	[bflag:$0x2] =	sbarrier.arrive $0xFFFF  }
0x294: {  	p0 =	sne.s32 s0, $0x0;
	s0 =	rddreg [dreg:$0x4]  }
0x295: {  	s0 =	sadd.s32 @!p0 $0x100000, s0  }
0x296: {  	[sflag:s0] =	ssyncadd.tile.s32 @!p0 $0x1;
	_ =	shalt  }
.Lfunc_end2:
_tile_overlayer_lowered:
.L_overlay_start_2:
0x297: {  	(tag) =	ssettag $0x2  }
0x298: {  	s0 =	rddreg [dreg:$0x0];
	s2 =	stileid.u32  }
0x299: {  	s1 =	rddreg [dreg:$0x1];
	p0 =	sne.s32 s2, $0x0  }
0x29a: {  	s3 =	rddreg [dreg:$0x2];
	[bflag:$0x3] =	sbarrier.arrive $0xFFFF;
	s2 =	simm.s32 @!p0 $0x1C01  }
0x29b: {  	[timem:s3], [sflag:s2] =	dma.local @!p0 [hbm:s0], s1  }
0x29c: {  	s0 =	simm.s32 @!p0 $0x1  }
0x29d: {  	_ =	swait.ge @!p0 [sflag:s0], s1  }
0x29e: {  	s1 =	ssub.s32 @!p0 $0x0, s1;
	[sflag:s0] =	ssyncset.done @!p0 $0x0  }
0x29f: {  	[sflag:s0] =	ssyncadd.s32 @!p0 s1  }
0x2a0: {  	[bflag:$0x3] =	sbarrier.arrive $0xFFFF  }
0x2a1: {  	_ =	shalt  }

</sc_bundles>
